<compile_context>
chip_gen: v7x
topology: tpu7x:2x2x1
jax: 0.10.2.dev20260603
libtpu: 0.0.44.dev20260713+nightly
codegen_flags: <defaults>
</compile_context>

<pallas_src>
import jax
import jax.numpy as jnp
from jax import lax
from jax.experimental import pallas as pl

F32 = jnp.float32
_EPS = 1e-5



def _shift(v, dy, dx, w):
    c, l = v.shape
    if dy == -1:
        v = jnp.concatenate([jnp.zeros((c, w), v.dtype), v[:, : l - w]], axis=1)
    elif dy == 1:
        v = jnp.concatenate([v[:, w:], jnp.zeros((c, w), v.dtype)], axis=1)
    if dx == -1:
        v = jnp.concatenate([jnp.zeros((c, 1), v.dtype), v[:, : l - 1]], axis=1)
        lane = lax.broadcasted_iota(jnp.int32, (1, l), 1)
        v = jnp.where(lane % w == 0, jnp.zeros_like(v), v)
    elif dx == 1:
        v = jnp.concatenate([v[:, 1:], jnp.zeros((c, 1), v.dtype)], axis=1)
        lane = lax.broadcasted_iota(jnp.int32, (1, l), 1)
        v = jnp.where(lane % w == w - 1, jnp.zeros_like(v), v)
    return v


def _mm(w, v):
    return lax.dot_general(w.astype(jnp.bfloat16), v.astype(jnp.bfloat16),
                           (((1,), (0,)), ((), ())),
                           preferred_element_type=F32)


def _affine_lrelu(v, s, t):
    v = v * s + t
    return jnp.where(v >= 0, v, 0.1 * v)


def _taps_oihw(w):
    return jnp.transpose(w, (2, 3, 0, 1)).reshape(9, w.shape[0], w.shape[1])


def _phase_split(x, h, w):
    n, c = x.shape[0], x.shape[1]
    x = x.reshape(n, c, h // 2, 2, w // 2, 2)
    x = jnp.transpose(x, (0, 3, 5, 1, 2, 4))
    return x.reshape(n, 4, c, (h // 2) * (w // 2))


def _bn_st(sm, sq, cnt, g, be):
    mean = sm / cnt
    var = sq / cnt - mean * mean
    s = g[:, None] / jnp.sqrt(var + _EPS)
    t = be[:, None] - mean * s
    return s, t


def _conv_s2(ph, wt, b, st, out_w):
    n_img, _, cin, hw = ph.shape
    cout = wt.shape[1]
    act = st is not None

    def body(*refs):
        if act:
            ph_ref, w_ref, b_ref, s_ref, t_ref, y_ref, sm_ref, sq_ref = refs
        else:
            ph_ref, w_ref, b_ref, y_ref, sm_ref, sq_ref = refs
        i = pl.program_id(0)
        p = ph_ref[0]
        if act:
            p = _affine_lrelu(p, s_ref[...], t_ref[...])
        acc = jnp.zeros((cout, hw), F32)
        for ky in range(3):
            pa, dy = (0, 0) if ky == 1 else (1, -1 if ky == 0 else 0)
            for kx in range(3):
                pb, dx = (0, 0) if kx == 1 else (1, -1 if kx == 0 else 0)
                acc = acc + _mm(w_ref[ky * 3 + kx],
                                _shift(p[pa * 2 + pb], dy, dx, out_w))
        y = acc + b_ref[...]
        y_ref[0] = y
        smp = jnp.sum(y, axis=1, keepdims=True)
        sqp = jnp.sum(y * y, axis=1, keepdims=True)

        @pl.when(i == 0)
        def _():
            sm_ref[...] = smp
            sq_ref[...] = sqp

        @pl.when(i > 0)
        def _():
            sm_ref[...] += smp
            sq_ref[...] += sqp

    in_specs = [
        pl.BlockSpec((1, 4, cin, hw), lambda n: (n, 0, 0, 0)),
        pl.BlockSpec((9, cout, cin), lambda n: (0, 0, 0)),
        pl.BlockSpec((cout, 1), lambda n: (0, 0)),
    ]
    ops = [ph, wt, b]
    if act:
        in_specs += [pl.BlockSpec((cin, 1), lambda n: (0, 0)),
                     pl.BlockSpec((cin, 1), lambda n: (0, 0))]
        ops += [st[0], st[1]]
    out_specs = [
        pl.BlockSpec((1, cout, hw), lambda n: (n, 0, 0)),
        pl.BlockSpec((cout, 1), lambda n: (0, 0)),
        pl.BlockSpec((cout, 1), lambda n: (0, 0)),
    ]
    out_shape = [
        jax.ShapeDtypeStruct((n_img, cout, hw), F32),
        jax.ShapeDtypeStruct((cout, 1), F32),
        jax.ShapeDtypeStruct((cout, 1), F32),
    ]
    return pl.pallas_call(body, grid=(n_img,), in_specs=in_specs,
                          out_specs=out_specs, out_shape=out_shape)(*ops)


def _conv_s1(x, wt, b, st, out_w, stats, sigmoid):
    n_img, cin, hw = x.shape
    cout = wt.shape[1]
    act = st is not None

    def body(*refs):
        if act:
            x_ref, w_ref, b_ref, s_ref, t_ref = refs[:5]
            outs = refs[5:]
        else:
            x_ref, w_ref, b_ref = refs[:3]
            outs = refs[3:]
        y_ref = outs[0]
        i = pl.program_id(0)
        v = x_ref[0]
        if act:
            v = _affine_lrelu(v, s_ref[...], t_ref[...])
        acc = jnp.zeros((cout, hw), F32)
        for ky in range(3):
            for kx in range(3):
                acc = acc + _mm(w_ref[ky * 3 + kx],
                                _shift(v, ky - 1, kx - 1, out_w))
        y = acc + b_ref[...]
        if sigmoid:
            y = jax.nn.sigmoid(y)
        y_ref[0] = y
        if stats:
            sm_ref, sq_ref = outs[1], outs[2]
            smp = jnp.sum(y, axis=1, keepdims=True)
            sqp = jnp.sum(y * y, axis=1, keepdims=True)

            @pl.when(i == 0)
            def _():
                sm_ref[...] = smp
                sq_ref[...] = sqp

            @pl.when(i > 0)
            def _():
                sm_ref[...] += smp
                sq_ref[...] += sqp

    in_specs = [
        pl.BlockSpec((1, cin, hw), lambda n: (n, 0, 0)),
        pl.BlockSpec((9, cout, cin), lambda n: (0, 0, 0)),
        pl.BlockSpec((cout, 1), lambda n: (0, 0)),
    ]
    ops = [x, wt, b]
    if act:
        in_specs += [pl.BlockSpec((cin, 1), lambda n: (0, 0)),
                     pl.BlockSpec((cin, 1), lambda n: (0, 0))]
        ops += [st[0], st[1]]
    out_specs = [pl.BlockSpec((1, cout, hw), lambda n: (n, 0, 0))]
    out_shape = [jax.ShapeDtypeStruct((n_img, cout, hw), F32)]
    if stats:
        out_specs += [pl.BlockSpec((cout, 1), lambda n: (0, 0)),
                      pl.BlockSpec((cout, 1), lambda n: (0, 0))]
        out_shape += [jax.ShapeDtypeStruct((cout, 1), F32),
                      jax.ShapeDtypeStruct((cout, 1), F32)]
    return pl.pallas_call(body, grid=(n_img,), in_specs=in_specs,
                          out_specs=out_specs, out_shape=out_shape)(*ops)


def _halo(x, h, w, s):
    n, c, _ = x.shape
    xi = x.reshape(n, c, h, w)
    rp = h // s
    z = jnp.zeros((n, c, 1, w), F32)
    tops = jnp.concatenate([z] + [xi[:, :, rp * k - 1:rp * k] for k in range(1, s)], axis=2)
    bots = jnp.concatenate([xi[:, :, rp * k:rp * k + 1] for k in range(1, s)] + [z], axis=2)
    tops = jnp.pad(tops, ((0, 0), (0, 0), (0, 0), (0, 256 - w)))
    bots = jnp.pad(bots, ((0, 0), (0, 0), (0, 0), (0, 256 - w)))
    hl = jnp.concatenate([tops, bots], axis=3)
    return hl.transpose(0, 2, 1, 3)


def _conv_s1_strip(x, wt, b, st, h, w, s, stats, sigmoid):
    n_img, cin, hw = x.shape
    cout = wt.shape[1]
    act = st is not None
    rp = h // s
    sl = rp * w

    def body(*refs):
        if act:
            x_ref, hl_ref, w_ref, b_ref, s_ref, t_ref = refs[:6]
            outs = refs[6:]
        else:
            x_ref, hl_ref, w_ref, b_ref = refs[:4]
            outs = refs[4:]
        y_ref = outs[0]
        ni = pl.program_id(0)
        si = pl.program_id(1)
        top = hl_ref[0, 0][:, 0:w]
        bot = hl_ref[0, 0][:, 256:256 + w]
        p = jnp.concatenate([top, x_ref[0], bot], axis=1)
        if act:
            p = _affine_lrelu(p, s_ref[...], t_ref[...])
        acc = jnp.zeros((cout, sl), F32)
        for ky in range(3):
            base = ky * w
            v = p[:, base:base + sl]
            for kx in range(3):
                acc = acc + _mm(w_ref[ky * 3 + kx], _shift(v, 0, kx - 1, w))
        y = acc + b_ref[...]
        if sigmoid:
            y = jax.nn.sigmoid(y)
        y_ref[0] = y
        if stats:
            sm_ref, sq_ref = outs[1], outs[2]
            smp = jnp.sum(y, axis=1, keepdims=True)
            sqp = jnp.sum(y * y, axis=1, keepdims=True)
            first = jnp.logical_and(ni == 0, si == 0)

            @pl.when(first)
            def _():
                sm_ref[...] = smp
                sq_ref[...] = sqp

            @pl.when(jnp.logical_not(first))
            def _():
                sm_ref[...] += smp
                sq_ref[...] += sqp

    in_specs = [
        pl.BlockSpec((1, cin, sl), lambda n, k: (n, 0, k)),
        pl.BlockSpec((1, 1, cin, 512), lambda n, k: (n, k, 0, 0)),
        pl.BlockSpec((9, cout, cin), lambda n, k: (0, 0, 0)),
        pl.BlockSpec((cout, 1), lambda n, k: (0, 0)),
    ]
    ops = [x, _halo(x, h, w, s), wt, b]
    if act:
        in_specs += [pl.BlockSpec((cin, 1), lambda n, k: (0, 0)),
                     pl.BlockSpec((cin, 1), lambda n, k: (0, 0))]
        ops += [st[0], st[1]]
    out_specs = [pl.BlockSpec((1, cout, sl), lambda n, k: (n, 0, k))]
    out_shape = [jax.ShapeDtypeStruct((n_img, cout, hw), F32)]
    if stats:
        out_specs += [pl.BlockSpec((cout, 1), lambda n, k: (0, 0)),
                      pl.BlockSpec((cout, 1), lambda n, k: (0, 0))]
        out_shape += [jax.ShapeDtypeStruct((cout, 1), F32),
                      jax.ShapeDtypeStruct((cout, 1), F32)]
    return pl.pallas_call(body, grid=(n_img, s), in_specs=in_specs,
                          out_specs=out_specs, out_shape=out_shape)(*ops)


def _act_map(x, s, t):
    n_img, c, hw = x.shape

    def body(x_ref, s_ref, t_ref, y_ref):
        y_ref[0] = _affine_lrelu(x_ref[0], s_ref[...], t_ref[...])

    return pl.pallas_call(
        body, grid=(n_img,),
        in_specs=[pl.BlockSpec((1, c, hw), lambda n: (n, 0, 0)),
                  pl.BlockSpec((c, 1), lambda n: (0, 0)),
                  pl.BlockSpec((c, 1), lambda n: (0, 0))],
        out_specs=pl.BlockSpec((1, c, hw), lambda n: (n, 0, 0)),
        out_shape=jax.ShapeDtypeStruct((n_img, c, hw), F32))(x, s, t)


def _dilate2(x):
    n, c, h, w = x.shape
    return jnp.zeros((n, c, 2 * h, 2 * w), x.dtype).at[:, :, ::2, ::2].set(x)


def _taps_convt(w):
    w2 = jnp.flip(w, axis=(2, 3)).transpose(1, 0, 2, 3)
    return _taps_oihw(w2)


def _vq(z, s3, t3, emb, embt, n_chunk):
    n_img, cl, hw = z.shape
    k_cb = emb.shape[0]
    cw = hw // n_chunk
    total_rows = n_img * hw
    denom = float(total_rows * cl)

    def body(z_ref, s_ref, t_ref, e_ref, et_ref,
             q_ref, cnt_ref, loss_ref, perp_ref):
        n = pl.program_id(0)
        zb = z_ref[0] * s_ref[...] + t_ref[...]
        e = e_ref[...]
        et = et_ref[...]
        en = jnp.sum(e * e, axis=1, keepdims=True)
        si = lax.broadcasted_iota(jnp.int32, (k_cb, cw), 0)
        cpart = jnp.zeros((k_cb, 1), F32)
        lpart = 0.0
        for k in range(n_chunk):
            zc = zb[:, k * cw:(k + 1) * cw]
            rn = jnp.sum(zc * zc, axis=0, keepdims=True)
            d = (rn + en) - 2.0 * _mm(e, zc)
            m = jnp.min(d, axis=0, keepdims=True)
            idx = jnp.min(jnp.where(d == m, si, k_cb), axis=0, keepdims=True)
            oh = (si == idx).astype(F32)
            q = _mm(et, oh)
            q_ref[0, :, k * cw:(k + 1) * cw] = q
            cpart = cpart + jnp.sum(oh, axis=1, keepdims=True)
            diff = q - zc
            lpart = lpart + jnp.sum(diff * diff)
        lpart = jnp.full((1, 1), lpart, F32)

        @pl.when(n == 0)
        def _():
            cnt_ref[...] = cpart
            loss_ref[...] = lpart
            perp_ref[...] = jnp.zeros((1, 1), F32)

        @pl.when(n > 0)
        def _():
            cnt_ref[...] += cpart
            loss_ref[...] += lpart

        @pl.when(n == n_img - 1)
        def _():
            p = cnt_ref[...] * (1.0 / total_rows)
            ent = jnp.sum(p * jnp.log(p + 1e-10))
            perp_ref[...] = jnp.full((1, 1), jnp.exp(-ent), F32)
            loss_ref[...] = loss_ref[...] * (1.25 / denom)

    in_specs = [
        pl.BlockSpec((1, cl, hw), lambda n: (n, 0, 0)),
        pl.BlockSpec((cl, 1), lambda n: (0, 0)),
        pl.BlockSpec((cl, 1), lambda n: (0, 0)),
        pl.BlockSpec((k_cb, cl), lambda n: (0, 0)),
        pl.BlockSpec((cl, k_cb), lambda n: (0, 0)),
    ]
    out_specs = [
        pl.BlockSpec((1, cl, hw), lambda n: (n, 0, 0)),
        pl.BlockSpec((k_cb, 1), lambda n: (0, 0)),
        pl.BlockSpec((1, 1), lambda n: (0, 0)),
        pl.BlockSpec((1, 1), lambda n: (0, 0)),
    ]
    out_shape = [
        jax.ShapeDtypeStruct((n_img, cl, hw), F32),
        jax.ShapeDtypeStruct((k_cb, 1), F32),
        jax.ShapeDtypeStruct((1, 1), F32),
        jax.ShapeDtypeStruct((1, 1), F32),
    ]
    return pl.pallas_call(body, grid=(n_img,), in_specs=in_specs,
                          out_specs=out_specs, out_shape=out_shape)(
        z, s3, t3, emb, embt)


def kernel(x, w1, b1, g1, be1, w2, b2, g2, be2, w3, b3, g3, be3, emb,
           dw1, db1, dg1, dbe1, dw2, db2, dg2, dbe2, wo, bo):
    n = x.shape[0]
    xph = jnp.pad(_phase_split(x, 224, 224), ((0, 0), (0, 0), (0, 5), (0, 0)))
    w1t = jnp.pad(_taps_oihw(w1), ((0, 0), (0, 0), (0, 5)))
    y1, sm1, sq1 = _conv_s2(xph, w1t, b1[:, None], None, 112)
    s1, t1 = _bn_st(sm1, sq1, n * 112 * 112, g1, be1)
    y1ph = _phase_split(y1.reshape(n, 32, 112, 112), 112, 112)
    y2, sm2, sq2 = _conv_s2(y1ph, _taps_oihw(w2), b2[:, None], (s1, t1), 56)
    s2, t2 = _bn_st(sm2, sq2, n * 56 * 56, g2, be2)
    z, sm3, sq3 = _conv_s1(y2, _taps_oihw(w3), b3[:, None], (s2, t2), 56,
                           stats=True, sigmoid=False)
    s3, t3 = _bn_st(sm3, sq3, n * 56 * 56, g3, be3)
    q, _cnt, vql, perp = _vq(z, s3, t3, emb, emb.T, n_chunk=7)
    qd = _dilate2(q.reshape(n, 64, 56, 56)).reshape(n, 64, 112 * 112)
    d1, smd1, sqd1 = _conv_s1(qd, _taps_convt(dw1), db1[:, None], None, 112,
                              stats=True, sigmoid=False)
    sd1, td1 = _bn_st(smd1, sqd1, n * 112 * 112, dg1, dbe1)
    h1 = _act_map(d1, sd1, td1)
    h1d = _dilate2(h1.reshape(n, 64, 112, 112)).reshape(n, 64, 224 * 224)
    d2, smd2, sqd2 = _conv_s1_strip(h1d, _taps_convt(dw2), db2[:, None], None,
                                    224, 224, 4, stats=True, sigmoid=False)
    sd2, td2 = _bn_st(smd2, sqd2, n * 224 * 224, dg2, dbe2)
    wot = jnp.pad(_taps_oihw(wo), ((0, 0), (0, 5), (0, 0)))
    bop = jnp.pad(bo, (0, 5))[:, None]
    xr = _conv_s1_strip(d2, wot, bop, (sd2, td2), 224, 224, 4,
                        stats=False, sigmoid=True)
    x_recon = xr[0][:, :3, :].reshape(n, 3, 224, 224)
    return x_recon, vql.reshape(()), perp.reshape(())

# --- scband reference (transcript-rebuilt; emitter-appended) ---
"""Pipeline reference for scband-vqvae-28114855919968 (READ-ONLY COPY).

The authoritative reference and input builder live on the scoring server;
editing this copy changes nothing except your own understanding.
"""

import jax, jax.numpy as jnp
import numpy as np
from jax import lax

LATENT = 64
K = 1024


def _conv(x, w, b, stride, pad):
    y = lax.conv_general_dilated(x, w, (stride, stride), ((pad, pad), (pad, pad)),
                                 dimension_numbers=('NCHW', 'OIHW', 'NCHW'))
    return y + b[None, :, None, None]


def _conv_t(x, w, b):
    # torch ConvTranspose2d(k=3, stride=2, padding=1, output_padding=1)
    # w layout: [in_ch, out_ch, kh, kw] (torch convtranspose layout)
    w2 = jnp.flip(w, axis=(2, 3)).transpose(1, 0, 2, 3)
    n, c, h, wd = x.shape
    xd = jnp.zeros((n, c, 2 * h, 2 * wd), x.dtype).at[:, :, ::2, ::2].set(x)
    xp = jnp.pad(xd, ((0, 0), (0, 0), (1, 1), (1, 1)))
    y = lax.conv_general_dilated(xp, w2, (1, 1), ((0, 0), (0, 0)),
                                 dimension_numbers=('NCHW', 'OIHW', 'NCHW'))
    return y + b[None, :, None, None]


def _bn(x, g, b, eps=1e-5):
    # BatchNorm2d in training mode: batch statistics over (N, H, W)
    m = jnp.mean(x, axis=(0, 2, 3), keepdims=True)
    v = jnp.var(x, axis=(0, 2, 3), keepdims=True)
    return (x - m) / jnp.sqrt(v + eps) * g[None, :, None, None] + b[None, :, None, None]


def _lrelu(x):
    return jnp.where(x >= 0, x, 0.1 * x)


def setup_inputs(seed: int = 0) -> dict:
    key = jax.random.key(seed)
    ks = jax.random.split(key, 20)
    d = {}
    d['x'] = jax.random.uniform(ks[0], (8, 3, 224, 224), dtype=jnp.float32)
    # encoder params
    d['w1'] = 0.1 * jax.random.normal(ks[1], (32, 3, 3, 3), dtype=jnp.float32)
    d['b1'] = jnp.zeros((32,), jnp.float32)
    d['g1'] = jnp.ones((32,), jnp.float32)
    d['be1'] = jnp.zeros((32,), jnp.float32)
    d['w2'] = 0.05 * jax.random.normal(ks[2], (64, 32, 3, 3), dtype=jnp.float32)
    d['b2'] = jnp.zeros((64,), jnp.float32)
    d['g2'] = jnp.ones((64,), jnp.float32)
    d['be2'] = jnp.zeros((64,), jnp.float32)
    d['w3'] = 0.05 * jax.random.normal(ks[3], (LATENT, 64, 3, 3), dtype=jnp.float32)
    d['b3'] = jnp.zeros((LATENT,), jnp.float32)
    d['g3'] = jnp.ones((LATENT,), jnp.float32)
    d['be3'] = jnp.zeros((LATENT,), jnp.float32)
    # codebook: uniform(-1, 1) as in torch init
    d['emb'] = jax.random.uniform(ks[4], (K, LATENT), dtype=jnp.float32, minval=-1.0, maxval=1.0)
    # decoder params (convtranspose weights in torch [in, out, kh, kw] layout)
    d['dw1'] = 0.05 * jax.random.normal(ks[5], (LATENT, 64, 3, 3), dtype=jnp.float32)
    d['db1'] = jnp.zeros((64,), jnp.float32)
    d['dg1'] = jnp.ones((64,), jnp.float32)
    d['dbe1'] = jnp.zeros((64,), jnp.float32)
    d['dw2'] = 0.05 * jax.random.normal(ks[6], (64, 32, 3, 3), dtype=jnp.float32)
    d['db2'] = jnp.zeros((32,), jnp.float32)
    d['dg2'] = jnp.ones((32,), jnp.float32)
    d['dbe2'] = jnp.zeros((32,), jnp.float32)
    d['wo'] = 0.05 * jax.random.normal(ks[7], (3, 32, 3, 3), dtype=jnp.float32)
    d['bo'] = jnp.zeros((3,), jnp.float32)
    return d


def _forward(x, w1, b1, g1, be1, w2, b2, g2, be2, w3, b3, g3, be3, emb,
             dw1, db1, dg1, dbe1, dw2, db2, dg2, dbe2, wo, bo):
    # encoder
    h = _lrelu(_bn(_conv(x, w1, b1, 2, 1), g1, be1))
    h = _lrelu(_bn(_conv(h, w2, b2, 2, 1), g2, be2))
    z = _bn(_conv(h, w3, b3, 1, 1), g3, be3)
    # vector quantizer
    zi = z.transpose(0, 2, 3, 1)
    flat = zi.reshape(-1, LATENT)
    dists = (jnp.sum(flat ** 2, axis=1, keepdims=True)
             + jnp.sum(emb ** 2, axis=1)[None, :]
             - 2.0 * flat @ emb.T)
    idx = jnp.argmin(dists, axis=1)
    enc = jax.nn.one_hot(idx, K, dtype=flat.dtype)
    q = (enc @ emb).reshape(zi.shape)
    e_latent_loss = jnp.mean((lax.stop_gradient(q) - zi) ** 2)
    q_latent_loss = jnp.mean((q - lax.stop_gradient(zi)) ** 2)
    vq_loss = q_latent_loss + 0.25 * e_latent_loss
    q_st = zi + lax.stop_gradient(q - zi)
    avg_probs = jnp.mean(enc, axis=0)
    perplexity = jnp.exp(-jnp.sum(avg_probs * jnp.log(avg_probs + 1e-10)))
    zq = q_st.transpose(0, 3, 1, 2)
    # decoder
    h = _lrelu(_bn(_conv_t(zq, dw1, db1), dg1, dbe1))
    h = _lrelu(_bn(_conv_t(h, dw2, db2), dg2, dbe2))
    x_recon = jax.nn.sigmoid(_conv(h, wo, bo, 1, 1))
    return (x_recon, vq_loss, perplexity)


def reference(x, w1, b1, g1, be1, w2, b2, g2, be2, w3, b3, g3, be3, emb,
              dw1, db1, dg1, dbe1, dw2, db2, dg2, dbe2, wo, bo):
    return _forward(x, w1, b1, g1, be1, w2, b2, g2, be2, w3, b3, g3, be3, emb,
                    dw1, db1, dg1, dbe1, dw2, db2, dg2, dbe2, wo, bo)

if __name__ == "__main__":
    import jax
    _d = setup_inputs()
    print(jax.jit(kernel)(*tuple(_d.values())))

</pallas_src>

<mosaic_0001>
module attributes {stable_mosaic.version = 14 : i64} {
  func.func @body(%arg0: i32, %arg1: memref<1x4x8x12544xf32, #tpu.memory_space<vmem>>, %arg2: memref<9x32x8xf32, #tpu.memory_space<vmem>>, %arg3: memref<32x1xf32, #tpu.memory_space<vmem>>, %arg4: memref<1x32x12544xf32, #tpu.memory_space<vmem>>, %arg5: memref<32x1xf32, #tpu.memory_space<vmem>>, %arg6: memref<32x1xf32, #tpu.memory_space<vmem>>) attributes {dimension_semantics = [#tpu.dimension_semantics<arbitrary>], iteration_bounds = array<i64: 8>, scalar_prefetch = 0 : i64, scratch_operands = 0 : i64, tpu.core_type = #tpu.core_type<tc>, window_params = [{transform_indices = @transform_0, window_bounds = array<i64: 1, 4, 8, 12544>}, {pipeline_mode = #tpu.pipeline_mode<synchronous>, transform_indices = @transform_1, window_bounds = array<i64: 9, 32, 8>}, {pipeline_mode = #tpu.pipeline_mode<synchronous>, transform_indices = @transform_2, window_bounds = array<i64: 32, 1>}, {transform_indices = @transform_3, window_bounds = array<i64: 1, 32, 12544>}, {pipeline_mode = #tpu.pipeline_mode<synchronous>, transform_indices = @transform_4, window_bounds = array<i64: 32, 1>}, {pipeline_mode = #tpu.pipeline_mode<synchronous>, transform_indices = @transform_5, window_bounds = array<i64: 32, 1>}]} {
    %get3A = arith.constant 0 : index
    %get3A_0 = arith.constant 0 : index
    %get3A_1 = arith.constant 0 : index
    %get3A_2 = arith.constant 0 : index
    %get3A_3 = vector.load %arg1[%get3A, %get3A_0, %get3A_1, %get3A_2] : memref<1x4x8x12544xf32, #tpu.memory_space<vmem>>, vector<1x4x8x12544xf32>
    %get3A_4 = vector.shape_cast %get3A_3 : vector<1x4x8x12544xf32> to vector<4x8x12544xf32>
    %broadcast_in_dim3A = arith.constant 0.000000e+00 : f32
    %broadcast_in_dim3A_5 = vector.broadcast %broadcast_in_dim3A : f32 to vector<32x12544xf32>
    %get3A_6 = arith.constant 0 : index
    %get3A_7 = arith.constant 0 : index
    %get3A_8 = arith.constant 0 : index
    %get3A_9 = vector.load %arg2[%get3A_6, %get3A_7, %get3A_8] : memref<9x32x8xf32, #tpu.memory_space<vmem>>, vector<1x32x8xf32>
    %get3A_10 = vector.shape_cast %get3A_9 : vector<1x32x8xf32> to vector<32x8xf32>
    %slice3A = vector.extract_strided_slice %get3A_4 {offsets = [3, 0, 0], sizes = [1, 8, 12544], strides = [1, 1, 1]} : vector<4x8x12544xf32> to vector<1x8x12544xf32>
    %squeeze3A = vector.shape_cast %slice3A : vector<1x8x12544xf32> to vector<8x12544xf32>
    %broadcast_in_dim3A_11 = arith.constant 0.000000e+00 : f32
    %broadcast_in_dim3A_12 = vector.broadcast %broadcast_in_dim3A_11 : f32 to vector<8x112xf32>
    %slice3A_13 = vector.extract_strided_slice %squeeze3A {offsets = [0, 0], sizes = [8, 12432], strides = [1, 1]} : vector<8x12544xf32> to vector<8x12432xf32>
    %concatenate3A = tpu.concatenate %broadcast_in_dim3A_12, %slice3A_13 in 1 : vector<8x112xf32>, vector<8x12432xf32> -> vector<8x12544xf32>
    %broadcast_in_dim3A_14 = arith.constant 0.000000e+00 : f32
    %broadcast_in_dim3A_15 = vector.broadcast %broadcast_in_dim3A_14 : f32 to vector<8x1xf32>
    %slice3A_16 = vector.extract_strided_slice %concatenate3A {offsets = [0, 0], sizes = [8, 12543], strides = [1, 1]} : vector<8x12544xf32> to vector<8x12543xf32>
    %concatenate3A_17 = tpu.concatenate %broadcast_in_dim3A_15, %slice3A_16 in 1 : vector<8x1xf32>, vector<8x12543xf32> -> vector<8x12544xf32>
    %iota3A = tpu.iota {dimensions = array<i32: 1>} : vector<1x12544xi32>
    %jit3A = arith.constant 112 : i32
    %eq3A = arith.constant 0 : i32
    %eq3A_18 = arith.cmpi eq, %jit3A, %eq3A : i32
    %jit3A_19 = arith.constant 1 : i32
    %select_n3A = arith.select %eq3A_18, %jit3A_19, %jit3A : i32
    %rem3A = vector.broadcast %select_n3A : i32 to vector<1x12544xi32>
    %rem3A_20 = arith.remsi %iota3A, %rem3A : vector<1x12544xi32>
    %ne3A = arith.constant 0 : i32
    %ne3A_21 = vector.broadcast %ne3A : i32 to vector<1x12544xi32>
    %ne3A_22 = arith.cmpi ne, %rem3A_20, %ne3A_21 : vector<1x12544xi32>
    %lt3A = arith.constant 0 : i32
    %lt3A_23 = vector.broadcast %lt3A : i32 to vector<1x12544xi32>
    %lt3A_24 = arith.cmpi slt, %rem3A_20, %lt3A_23 : vector<1x12544xi32>
    %lt3A_25 = arith.constant 0 : i32
    %lt3A_26 = arith.cmpi slt, %select_n3A, %lt3A_25 : i32
    %ne3A_27 = vector.broadcast %lt3A_26 : i1 to vector<1x12544xi1>
    %ne3A_28 = vector.broadcast %ne3A_27 : vector<1x12544xi1> to vector<1x12544xi1>
    %ne3A_29 = arith.xori %lt3A_24, %ne3A_28 : vector<1x12544xi1>
    %and3A = arith.andi %ne3A_29, %ne3A_22 : vector<1x12544xi1>
    %add3A = vector.broadcast %select_n3A : i32 to vector<1x12544xi32>
    %add3A_30 = arith.addi %rem3A_20, %add3A : vector<1x12544xi32>
    %select_n3A_31 = arith.select %and3A, %add3A_30, %rem3A_20 : vector<1x12544xi1>, vector<1x12544xi32>
    %eq3A_32 = arith.constant 0 : i32
    %eq3A_33 = vector.broadcast %eq3A_32 : i32 to vector<1x12544xi32>
    %eq3A_34 = arith.cmpi eq, %select_n3A_31, %eq3A_33 : vector<1x12544xi32>
    %broadcast_in_dim3A_35 = arith.constant 0.000000e+00 : f32
    %broadcast_in_dim3A_36 = vector.broadcast %broadcast_in_dim3A_35 : f32 to vector<8x12544xf32>
    %broadcast_in_dim3A_37 = vector.shape_cast %eq3A_34 : vector<1x12544xi1> to vector<1x12544xi1>
    %broadcast_in_dim3A_38 = vector.broadcast %broadcast_in_dim3A_37 : vector<1x12544xi1> to vector<8x12544xi1>
    %select_n3A_39 = arith.select %broadcast_in_dim3A_38, %broadcast_in_dim3A_36, %concatenate3A_17 : vector<8x12544xi1>, vector<8x12544xf32>
    %convert_element_type3A = arith.truncf %get3A_10 : vector<32x8xf32> to vector<32x8xbf16>
    %convert_element_type3A_40 = arith.truncf %select_n3A_39 : vector<8x12544xf32> to vector<8x12544xbf16>
    %dot_general3A = arith.constant dense<0.000000e+00> : vector<32x12544xf32>
    %dot_general3A_41 = tpu.matmul %convert_element_type3A, %convert_element_type3A_40, %dot_general3A {dimension_numbers = #tpu.dot_dimension_numbers<[1], [0], [0], [1], [0, 0, 1, 1], [], []>, transpose_lhs_hint = false} : vector<32x8xbf16>, vector<8x12544xbf16>, vector<32x12544xf32> -> vector<32x12544xf32>
    %add3A_42 = arith.addf %broadcast_in_dim3A_5, %dot_general3A_41 : vector<32x12544xf32>
    %get3A_43 = arith.constant 1 : index
    %get3A_44 = arith.constant 0 : index
    %get3A_45 = arith.constant 0 : index
    %get3A_46 = vector.load %arg2[%get3A_43, %get3A_44, %get3A_45] : memref<9x32x8xf32, #tpu.memory_space<vmem>>, vector<1x32x8xf32>
    %get3A_47 = vector.shape_cast %get3A_46 : vector<1x32x8xf32> to vector<32x8xf32>
    %slice3A_48 = vector.extract_strided_slice %get3A_4 {offsets = [2, 0, 0], sizes = [1, 8, 12544], strides = [1, 1, 1]} : vector<4x8x12544xf32> to vector<1x8x12544xf32>
    %squeeze3A_49 = vector.shape_cast %slice3A_48 : vector<1x8x12544xf32> to vector<8x12544xf32>
    %broadcast_in_dim3A_50 = arith.constant 0.000000e+00 : f32
    %broadcast_in_dim3A_51 = vector.broadcast %broadcast_in_dim3A_50 : f32 to vector<8x112xf32>
    %slice3A_52 = vector.extract_strided_slice %squeeze3A_49 {offsets = [0, 0], sizes = [8, 12432], strides = [1, 1]} : vector<8x12544xf32> to vector<8x12432xf32>
    %concatenate3A_53 = tpu.concatenate %broadcast_in_dim3A_51, %slice3A_52 in 1 : vector<8x112xf32>, vector<8x12432xf32> -> vector<8x12544xf32>
    %convert_element_type3A_54 = arith.truncf %get3A_47 : vector<32x8xf32> to vector<32x8xbf16>
    %convert_element_type3A_55 = arith.truncf %concatenate3A_53 : vector<8x12544xf32> to vector<8x12544xbf16>
    %dot_general3A_56 = arith.constant dense<0.000000e+00> : vector<32x12544xf32>
    %dot_general3A_57 = tpu.matmul %convert_element_type3A_54, %convert_element_type3A_55, %dot_general3A_56 {dimension_numbers = #tpu.dot_dimension_numbers<[1], [0], [0], [1], [0, 0, 1, 1], [], []>, transpose_lhs_hint = false} : vector<32x8xbf16>, vector<8x12544xbf16>, vector<32x12544xf32> -> vector<32x12544xf32>
    %add3A_58 = arith.addf %add3A_42, %dot_general3A_57 : vector<32x12544xf32>
    %get3A_59 = arith.constant 2 : index
    %get3A_60 = arith.constant 0 : index
    %get3A_61 = arith.constant 0 : index
    %get3A_62 = vector.load %arg2[%get3A_59, %get3A_60, %get3A_61] : memref<9x32x8xf32, #tpu.memory_space<vmem>>, vector<1x32x8xf32>
    %get3A_63 = vector.shape_cast %get3A_62 : vector<1x32x8xf32> to vector<32x8xf32>
    %slice3A_64 = vector.extract_strided_slice %get3A_4 {offsets = [3, 0, 0], sizes = [1, 8, 12544], strides = [1, 1, 1]} : vector<4x8x12544xf32> to vector<1x8x12544xf32>
    %squeeze3A_65 = vector.shape_cast %slice3A_64 : vector<1x8x12544xf32> to vector<8x12544xf32>
    %broadcast_in_dim3A_66 = arith.constant 0.000000e+00 : f32
    %broadcast_in_dim3A_67 = vector.broadcast %broadcast_in_dim3A_66 : f32 to vector<8x112xf32>
    %slice3A_68 = vector.extract_strided_slice %squeeze3A_65 {offsets = [0, 0], sizes = [8, 12432], strides = [1, 1]} : vector<8x12544xf32> to vector<8x12432xf32>
    %concatenate3A_69 = tpu.concatenate %broadcast_in_dim3A_67, %slice3A_68 in 1 : vector<8x112xf32>, vector<8x12432xf32> -> vector<8x12544xf32>
    %convert_element_type3A_70 = arith.truncf %get3A_63 : vector<32x8xf32> to vector<32x8xbf16>
    %convert_element_type3A_71 = arith.truncf %concatenate3A_69 : vector<8x12544xf32> to vector<8x12544xbf16>
    %dot_general3A_72 = arith.constant dense<0.000000e+00> : vector<32x12544xf32>
    %dot_general3A_73 = tpu.matmul %convert_element_type3A_70, %convert_element_type3A_71, %dot_general3A_72 {dimension_numbers = #tpu.dot_dimension_numbers<[1], [0], [0], [1], [0, 0, 1, 1], [], []>, transpose_lhs_hint = false} : vector<32x8xbf16>, vector<8x12544xbf16>, vector<32x12544xf32> -> vector<32x12544xf32>
    %add3A_74 = arith.addf %add3A_58, %dot_general3A_73 : vector<32x12544xf32>
    %get3A_75 = arith.constant 3 : index
    %get3A_76 = arith.constant 0 : index
    %get3A_77 = arith.constant 0 : index
    %get3A_78 = vector.load %arg2[%get3A_75, %get3A_76, %get3A_77] : memref<9x32x8xf32, #tpu.memory_space<vmem>>, vector<1x32x8xf32>
    %get3A_79 = vector.shape_cast %get3A_78 : vector<1x32x8xf32> to vector<32x8xf32>
    %slice3A_80 = vector.extract_strided_slice %get3A_4 {offsets = [1, 0, 0], sizes = [1, 8, 12544], strides = [1, 1, 1]} : vector<4x8x12544xf32> to vector<1x8x12544xf32>
    %squeeze3A_81 = vector.shape_cast %slice3A_80 : vector<1x8x12544xf32> to vector<8x12544xf32>
    %broadcast_in_dim3A_82 = arith.constant 0.000000e+00 : f32
    %broadcast_in_dim3A_83 = vector.broadcast %broadcast_in_dim3A_82 : f32 to vector<8x1xf32>
    %slice3A_84 = vector.extract_strided_slice %squeeze3A_81 {offsets = [0, 0], sizes = [8, 12543], strides = [1, 1]} : vector<8x12544xf32> to vector<8x12543xf32>
    %concatenate3A_85 = tpu.concatenate %broadcast_in_dim3A_83, %slice3A_84 in 1 : vector<8x1xf32>, vector<8x12543xf32> -> vector<8x12544xf32>
    %iota3A_86 = tpu.iota {dimensions = array<i32: 1>} : vector<1x12544xi32>
    %jit3A_87 = arith.constant 112 : i32
    %eq3A_88 = arith.constant 0 : i32
    %eq3A_89 = arith.cmpi eq, %jit3A_87, %eq3A_88 : i32
    %jit3A_90 = arith.constant 1 : i32
    %select_n3A_91 = arith.select %eq3A_89, %jit3A_90, %jit3A_87 : i32
    %rem3A_92 = vector.broadcast %select_n3A_91 : i32 to vector<1x12544xi32>
    %rem3A_93 = arith.remsi %iota3A_86, %rem3A_92 : vector<1x12544xi32>
    %ne3A_94 = arith.constant 0 : i32
    %ne3A_95 = vector.broadcast %ne3A_94 : i32 to vector<1x12544xi32>
    %ne3A_96 = arith.cmpi ne, %rem3A_93, %ne3A_95 : vector<1x12544xi32>
    %lt3A_97 = arith.constant 0 : i32
    %lt3A_98 = vector.broadcast %lt3A_97 : i32 to vector<1x12544xi32>
    %lt3A_99 = arith.cmpi slt, %rem3A_93, %lt3A_98 : vector<1x12544xi32>
    %lt3A_100 = arith.constant 0 : i32
    %lt3A_101 = arith.cmpi slt, %select_n3A_91, %lt3A_100 : i32
    %ne3A_102 = vector.broadcast %lt3A_101 : i1 to vector<1x12544xi1>
    %ne3A_103 = vector.broadcast %ne3A_102 : vector<1x12544xi1> to vector<1x12544xi1>
    %ne3A_104 = arith.xori %lt3A_99, %ne3A_103 : vector<1x12544xi1>
    %and3A_105 = arith.andi %ne3A_104, %ne3A_96 : vector<1x12544xi1>
    %add3A_106 = vector.broadcast %select_n3A_91 : i32 to vector<1x12544xi32>
    %add3A_107 = arith.addi %rem3A_93, %add3A_106 : vector<1x12544xi32>
    %select_n3A_108 = arith.select %and3A_105, %add3A_107, %rem3A_93 : vector<1x12544xi1>, vector<1x12544xi32>
    %eq3A_109 = arith.constant 0 : i32
    %eq3A_110 = vector.broadcast %eq3A_109 : i32 to vector<1x12544xi32>
    %eq3A_111 = arith.cmpi eq, %select_n3A_108, %eq3A_110 : vector<1x12544xi32>
    %broadcast_in_dim3A_112 = arith.constant 0.000000e+00 : f32
    %broadcast_in_dim3A_113 = vector.broadcast %broadcast_in_dim3A_112 : f32 to vector<8x12544xf32>
    %broadcast_in_dim3A_114 = vector.shape_cast %eq3A_111 : vector<1x12544xi1> to vector<1x12544xi1>
    %broadcast_in_dim3A_115 = vector.broadcast %broadcast_in_dim3A_114 : vector<1x12544xi1> to vector<8x12544xi1>
    %select_n3A_116 = arith.select %broadcast_in_dim3A_115, %broadcast_in_dim3A_113, %concatenate3A_85 : vector<8x12544xi1>, vector<8x12544xf32>
    %convert_element_type3A_117 = arith.truncf %get3A_79 : vector<32x8xf32> to vector<32x8xbf16>
    %convert_element_type3A_118 = arith.truncf %select_n3A_116 : vector<8x12544xf32> to vector<8x12544xbf16>
    %dot_general3A_119 = arith.constant dense<0.000000e+00> : vector<32x12544xf32>
    %dot_general3A_120 = tpu.matmul %convert_element_type3A_117, %convert_element_type3A_118, %dot_general3A_119 {dimension_numbers = #tpu.dot_dimension_numbers<[1], [0], [0], [1], [0, 0, 1, 1], [], []>, transpose_lhs_hint = false} : vector<32x8xbf16>, vector<8x12544xbf16>, vector<32x12544xf32> -> vector<32x12544xf32>
    %add3A_121 = arith.addf %add3A_74, %dot_general3A_120 : vector<32x12544xf32>
    %get3A_122 = arith.constant 4 : index
    %get3A_123 = arith.constant 0 : index
    %get3A_124 = arith.constant 0 : index
    %get3A_125 = vector.load %arg2[%get3A_122, %get3A_123, %get3A_124] : memref<9x32x8xf32, #tpu.memory_space<vmem>>, vector<1x32x8xf32>
    %get3A_126 = vector.shape_cast %get3A_125 : vector<1x32x8xf32> to vector<32x8xf32>
    %slice3A_127 = vector.extract_strided_slice %get3A_4 {offsets = [0, 0, 0], sizes = [1, 8, 12544], strides = [1, 1, 1]} : vector<4x8x12544xf32> to vector<1x8x12544xf32>
    %squeeze3A_128 = vector.shape_cast %slice3A_127 : vector<1x8x12544xf32> to vector<8x12544xf32>
    %convert_element_type3A_129 = arith.truncf %get3A_126 : vector<32x8xf32> to vector<32x8xbf16>
    %convert_element_type3A_130 = arith.truncf %squeeze3A_128 : vector<8x12544xf32> to vector<8x12544xbf16>
    %dot_general3A_131 = arith.constant dense<0.000000e+00> : vector<32x12544xf32>
    %dot_general3A_132 = tpu.matmul %convert_element_type3A_129, %convert_element_type3A_130, %dot_general3A_131 {dimension_numbers = #tpu.dot_dimension_numbers<[1], [0], [0], [1], [0, 0, 1, 1], [], []>, transpose_lhs_hint = false} : vector<32x8xbf16>, vector<8x12544xbf16>, vector<32x12544xf32> -> vector<32x12544xf32>
    %add3A_133 = arith.addf %add3A_121, %dot_general3A_132 : vector<32x12544xf32>
    %get3A_134 = arith.constant 5 : index
    %get3A_135 = arith.constant 0 : index
    %get3A_136 = arith.constant 0 : index
    %get3A_137 = vector.load %arg2[%get3A_134, %get3A_135, %get3A_136] : memref<9x32x8xf32, #tpu.memory_space<vmem>>, vector<1x32x8xf32>
    %get3A_138 = vector.shape_cast %get3A_137 : vector<1x32x8xf32> to vector<32x8xf32>
    %slice3A_139 = vector.extract_strided_slice %get3A_4 {offsets = [1, 0, 0], sizes = [1, 8, 12544], strides = [1, 1, 1]} : vector<4x8x12544xf32> to vector<1x8x12544xf32>
    %squeeze3A_140 = vector.shape_cast %slice3A_139 : vector<1x8x12544xf32> to vector<8x12544xf32>
    %convert_element_type3A_141 = arith.truncf %get3A_138 : vector<32x8xf32> to vector<32x8xbf16>
    %convert_element_type3A_142 = arith.truncf %squeeze3A_140 : vector<8x12544xf32> to vector<8x12544xbf16>
    %dot_general3A_143 = arith.constant dense<0.000000e+00> : vector<32x12544xf32>
    %dot_general3A_144 = tpu.matmul %convert_element_type3A_141, %convert_element_type3A_142, %dot_general3A_143 {dimension_numbers = #tpu.dot_dimension_numbers<[1], [0], [0], [1], [0, 0, 1, 1], [], []>, transpose_lhs_hint = false} : vector<32x8xbf16>, vector<8x12544xbf16>, vector<32x12544xf32> -> vector<32x12544xf32>
    %add3A_145 = arith.addf %add3A_133, %dot_general3A_144 : vector<32x12544xf32>
    %get3A_146 = arith.constant 6 : index
    %get3A_147 = arith.constant 0 : index
    %get3A_148 = arith.constant 0 : index
    %get3A_149 = vector.load %arg2[%get3A_146, %get3A_147, %get3A_148] : memref<9x32x8xf32, #tpu.memory_space<vmem>>, vector<1x32x8xf32>
    %get3A_150 = vector.shape_cast %get3A_149 : vector<1x32x8xf32> to vector<32x8xf32>
    %slice3A_151 = vector.extract_strided_slice %get3A_4 {offsets = [3, 0, 0], sizes = [1, 8, 12544], strides = [1, 1, 1]} : vector<4x8x12544xf32> to vector<1x8x12544xf32>
    %squeeze3A_152 = vector.shape_cast %slice3A_151 : vector<1x8x12544xf32> to vector<8x12544xf32>
    %broadcast_in_dim3A_153 = arith.constant 0.000000e+00 : f32
    %broadcast_in_dim3A_154 = vector.broadcast %broadcast_in_dim3A_153 : f32 to vector<8x1xf32>
    %slice3A_155 = vector.extract_strided_slice %squeeze3A_152 {offsets = [0, 0], sizes = [8, 12543], strides = [1, 1]} : vector<8x12544xf32> to vector<8x12543xf32>
    %concatenate3A_156 = tpu.concatenate %broadcast_in_dim3A_154, %slice3A_155 in 1 : vector<8x1xf32>, vector<8x12543xf32> -> vector<8x12544xf32>
    %iota3A_157 = tpu.iota {dimensions = array<i32: 1>} : vector<1x12544xi32>
    %jit3A_158 = arith.constant 112 : i32
    %eq3A_159 = arith.constant 0 : i32
    %eq3A_160 = arith.cmpi eq, %jit3A_158, %eq3A_159 : i32
    %jit3A_161 = arith.constant 1 : i32
    %select_n3A_162 = arith.select %eq3A_160, %jit3A_161, %jit3A_158 : i32
    %rem3A_163 = vector.broadcast %select_n3A_162 : i32 to vector<1x12544xi32>
    %rem3A_164 = arith.remsi %iota3A_157, %rem3A_163 : vector<1x12544xi32>
    %ne3A_165 = arith.constant 0 : i32
    %ne3A_166 = vector.broadcast %ne3A_165 : i32 to vector<1x12544xi32>
    %ne3A_167 = arith.cmpi ne, %rem3A_164, %ne3A_166 : vector<1x12544xi32>
    %lt3A_168 = arith.constant 0 : i32
    %lt3A_169 = vector.broadcast %lt3A_168 : i32 to vector<1x12544xi32>
    %lt3A_170 = arith.cmpi slt, %rem3A_164, %lt3A_169 : vector<1x12544xi32>
    %lt3A_171 = arith.constant 0 : i32
    %lt3A_172 = arith.cmpi slt, %select_n3A_162, %lt3A_171 : i32
    %ne3A_173 = vector.broadcast %lt3A_172 : i1 to vector<1x12544xi1>
    %ne3A_174 = vector.broadcast %ne3A_173 : vector<1x12544xi1> to vector<1x12544xi1>
    %ne3A_175 = arith.xori %lt3A_170, %ne3A_174 : vector<1x12544xi1>
    %and3A_176 = arith.andi %ne3A_175, %ne3A_167 : vector<1x12544xi1>
    %add3A_177 = vector.broadcast %select_n3A_162 : i32 to vector<1x12544xi32>
    %add3A_178 = arith.addi %rem3A_164, %add3A_177 : vector<1x12544xi32>
    %select_n3A_179 = arith.select %and3A_176, %add3A_178, %rem3A_164 : vector<1x12544xi1>, vector<1x12544xi32>
    %eq3A_180 = arith.constant 0 : i32
    %eq3A_181 = vector.broadcast %eq3A_180 : i32 to vector<1x12544xi32>
    %eq3A_182 = arith.cmpi eq, %select_n3A_179, %eq3A_181 : vector<1x12544xi32>
    %broadcast_in_dim3A_183 = arith.constant 0.000000e+00 : f32
    %broadcast_in_dim3A_184 = vector.broadcast %broadcast_in_dim3A_183 : f32 to vector<8x12544xf32>
    %broadcast_in_dim3A_185 = vector.shape_cast %eq3A_182 : vector<1x12544xi1> to vector<1x12544xi1>
    %broadcast_in_dim3A_186 = vector.broadcast %broadcast_in_dim3A_185 : vector<1x12544xi1> to vector<8x12544xi1>
    %select_n3A_187 = arith.select %broadcast_in_dim3A_186, %broadcast_in_dim3A_184, %concatenate3A_156 : vector<8x12544xi1>, vector<8x12544xf32>
    %convert_element_type3A_188 = arith.truncf %get3A_150 : vector<32x8xf32> to vector<32x8xbf16>
    %convert_element_type3A_189 = arith.truncf %select_n3A_187 : vector<8x12544xf32> to vector<8x12544xbf16>
    %dot_general3A_190 = arith.constant dense<0.000000e+00> : vector<32x12544xf32>
    %dot_general3A_191 = tpu.matmul %convert_element_type3A_188, %convert_element_type3A_189, %dot_general3A_190 {dimension_numbers = #tpu.dot_dimension_numbers<[1], [0], [0], [1], [0, 0, 1, 1], [], []>, transpose_lhs_hint = false} : vector<32x8xbf16>, vector<8x12544xbf16>, vector<32x12544xf32> -> vector<32x12544xf32>
    %add3A_192 = arith.addf %add3A_145, %dot_general3A_191 : vector<32x12544xf32>
    %get3A_193 = arith.constant 7 : index
    %get3A_194 = arith.constant 0 : index
    %get3A_195 = arith.constant 0 : index
    %get3A_196 = vector.load %arg2[%get3A_193, %get3A_194, %get3A_195] : memref<9x32x8xf32, #tpu.memory_space<vmem>>, vector<1x32x8xf32>
    %get3A_197 = vector.shape_cast %get3A_196 : vector<1x32x8xf32> to vector<32x8xf32>
    %slice3A_198 = vector.extract_strided_slice %get3A_4 {offsets = [2, 0, 0], sizes = [1, 8, 12544], strides = [1, 1, 1]} : vector<4x8x12544xf32> to vector<1x8x12544xf32>
    %squeeze3A_199 = vector.shape_cast %slice3A_198 : vector<1x8x12544xf32> to vector<8x12544xf32>
    %convert_element_type3A_200 = arith.truncf %get3A_197 : vector<32x8xf32> to vector<32x8xbf16>
    %convert_element_type3A_201 = arith.truncf %squeeze3A_199 : vector<8x12544xf32> to vector<8x12544xbf16>
    %dot_general3A_202 = arith.constant dense<0.000000e+00> : vector<32x12544xf32>
    %dot_general3A_203 = tpu.matmul %convert_element_type3A_200, %convert_element_type3A_201, %dot_general3A_202 {dimension_numbers = #tpu.dot_dimension_numbers<[1], [0], [0], [1], [0, 0, 1, 1], [], []>, transpose_lhs_hint = false} : vector<32x8xbf16>, vector<8x12544xbf16>, vector<32x12544xf32> -> vector<32x12544xf32>
    %add3A_204 = arith.addf %add3A_192, %dot_general3A_203 : vector<32x12544xf32>
    %get3A_205 = arith.constant 8 : index
    %get3A_206 = arith.constant 0 : index
    %get3A_207 = arith.constant 0 : index
    %get3A_208 = vector.load %arg2[%get3A_205, %get3A_206, %get3A_207] : memref<9x32x8xf32, #tpu.memory_space<vmem>>, vector<1x32x8xf32>
    %get3A_209 = vector.shape_cast %get3A_208 : vector<1x32x8xf32> to vector<32x8xf32>
    %slice3A_210 = vector.extract_strided_slice %get3A_4 {offsets = [3, 0, 0], sizes = [1, 8, 12544], strides = [1, 1, 1]} : vector<4x8x12544xf32> to vector<1x8x12544xf32>
    %squeeze3A_211 = vector.shape_cast %slice3A_210 : vector<1x8x12544xf32> to vector<8x12544xf32>
    %convert_element_type3A_212 = arith.truncf %get3A_209 : vector<32x8xf32> to vector<32x8xbf16>
    %convert_element_type3A_213 = arith.truncf %squeeze3A_211 : vector<8x12544xf32> to vector<8x12544xbf16>
    %dot_general3A_214 = arith.constant dense<0.000000e+00> : vector<32x12544xf32>
    %dot_general3A_215 = tpu.matmul %convert_element_type3A_212, %convert_element_type3A_213, %dot_general3A_214 {dimension_numbers = #tpu.dot_dimension_numbers<[1], [0], [0], [1], [0, 0, 1, 1], [], []>, transpose_lhs_hint = false} : vector<32x8xbf16>, vector<8x12544xbf16>, vector<32x12544xf32> -> vector<32x12544xf32>
    %add3A_216 = arith.addf %add3A_204, %dot_general3A_215 : vector<32x12544xf32>
    %get3A_217 = arith.constant 0 : index
    %get3A_218 = arith.constant 0 : index
    %get3A_219 = vector.load %arg3[%get3A_217, %get3A_218] : memref<32x1xf32, #tpu.memory_space<vmem>>, vector<32x1xf32>
    %add3A_220 = vector.broadcast %get3A_219 : vector<32x1xf32> to vector<32x12544xf32>
    %add3A_221 = arith.addf %add3A_216, %add3A_220 : vector<32x12544xf32>
    %swap3A = arith.constant 0 : index
    %swap3A_222 = arith.constant 0 : index
    %swap3A_223 = arith.constant 0 : index
    %swap3A_224 = vector.load %arg4[%swap3A, %swap3A_222, %swap3A_223] : memref<1x32x12544xf32, #tpu.memory_space<vmem>>, vector<1x32x12544xf32>
    %swap3A_225 = vector.shape_cast %swap3A_224 : vector<1x32x12544xf32> to vector<32x12544xf32>
    %swap3A_226 = vector.shape_cast %add3A_221 : vector<32x12544xf32> to vector<1x32x12544xf32>
    tpu.vector_store %arg4[%swap3A, %swap3A_222, %swap3A_223], %swap3A_226 {strides = array<i32>} : memref<1x32x12544xf32, #tpu.memory_space<vmem>>, vector<1x32x12544xf32>,
    %reduce_sum3A = arith.constant dense<0.000000e+00> : vector<32xf32>
    %reduce_sum3A_227 = vector.multi_reduction <add>, %add3A_221, %reduce_sum3A [1] : vector<32x12544xf32> to vector<32xf32>
    %broadcast_in_dim3A_228 = vector.shape_cast %reduce_sum3A_227 : vector<32xf32> to vector<32x1xf32>
    %mul3A = arith.mulf %add3A_221, %add3A_221 : vector<32x12544xf32>
    %reduce_sum3A_229 = arith.constant dense<0.000000e+00> : vector<32xf32>
    %reduce_sum3A_230 = vector.multi_reduction <add>, %mul3A, %reduce_sum3A_229 [1] : vector<32x12544xf32> to vector<32xf32>
    %broadcast_in_dim3A_231 = vector.shape_cast %reduce_sum3A_230 : vector<32xf32> to vector<32x1xf32>
    %eq3A_232 = arith.constant 0 : i32
    %eq3A_233 = arith.cmpi eq, %arg0, %eq3A_232 : i32
    %convert_element_type3A_234 = arith.extui %eq3A_233 : i1 to i32
    %cond3A = arith.constant 0 : i32
    %cond3A_235 = arith.cmpi ne, %convert_element_type3A_234, %cond3A : i32
    scf.if %cond3A_235 {
      %swap3A_240 = arith.constant 0 : index
      %swap3A_241 = arith.constant 0 : index
      %swap3A_242 = vector.load %arg5[%swap3A_240, %swap3A_241] : memref<32x1xf32, #tpu.memory_space<vmem>>, vector<32x1xf32>
      tpu.vector_store %arg5[%swap3A_240, %swap3A_241], %broadcast_in_dim3A_228 {strides = array<i32>} : memref<32x1xf32, #tpu.memory_space<vmem>>, vector<32x1xf32>,
      %swap3A_243 = arith.constant 0 : index
      %swap3A_244 = arith.constant 0 : index
      %swap3A_245 = vector.load %arg6[%swap3A_243, %swap3A_244] : memref<32x1xf32, #tpu.memory_space<vmem>>, vector<32x1xf32>
      tpu.vector_store %arg6[%swap3A_243, %swap3A_244], %broadcast_in_dim3A_231 {strides = array<i32>} : memref<32x1xf32, #tpu.memory_space<vmem>>, vector<32x1xf32>,
    } else {
    }
    %gt3A = arith.constant 0 : i32
    %gt3A_236 = arith.cmpi sgt, %arg0, %gt3A : i32
    %convert_element_type3A_237 = arith.extui %gt3A_236 : i1 to i32
    %cond3A_238 = arith.constant 0 : i32
    %cond3A_239 = arith.cmpi ne, %convert_element_type3A_237, %cond3A_238 : i32
    scf.if %cond3A_239 {
      %get3A_240 = arith.constant 0 : index
      %get3A_241 = arith.constant 0 : index
      %get3A_242 = vector.load %arg5[%get3A_240, %get3A_241] : memref<32x1xf32, #tpu.memory_space<vmem>>, vector<32x1xf32>
      %add3A_243 = arith.addf %get3A_242, %broadcast_in_dim3A_228 : vector<32x1xf32>
      %swap3A_244 = arith.constant 0 : index
      %swap3A_245 = arith.constant 0 : index
      %swap3A_246 = vector.load %arg5[%swap3A_244, %swap3A_245] : memref<32x1xf32, #tpu.memory_space<vmem>>, vector<32x1xf32>
      tpu.vector_store %arg5[%swap3A_244, %swap3A_245], %add3A_243 {strides = array<i32>} : memref<32x1xf32, #tpu.memory_space<vmem>>, vector<32x1xf32>,
      %get3A_247 = arith.constant 0 : index
      %get3A_248 = arith.constant 0 : index
      %get3A_249 = vector.load %arg6[%get3A_247, %get3A_248] : memref<32x1xf32, #tpu.memory_space<vmem>>, vector<32x1xf32>
      %add3A_250 = arith.addf %get3A_249, %broadcast_in_dim3A_231 : vector<32x1xf32>
      %swap3A_251 = arith.constant 0 : index
      %swap3A_252 = arith.constant 0 : index
      %swap3A_253 = vector.load %arg6[%swap3A_251, %swap3A_252] : memref<32x1xf32, #tpu.memory_space<vmem>>, vector<32x1xf32>
      tpu.vector_store %arg6[%swap3A_251, %swap3A_252], %add3A_250 {strides = array<i32>} : memref<32x1xf32, #tpu.memory_space<vmem>>, vector<32x1xf32>,
    } else {
    }
    return
  }
  func.func @transform_0(%arg0: i32) -> (i32, i32, i32, i32) {
    %c0_i32 = arith.constant 0 : i32
    %c0_i32_0 = arith.constant 0 : i32
    %c0_i32_1 = arith.constant 0 : i32
    %c0_i32_2 = arith.constant 0 : i32
    return %arg0, %c0_i32, %c0_i32_0, %c0_i32_1 : i32, i32, i32, i32
  }
  func.func @transform_1(%arg0: i32) -> (i32, i32, i32) {
    %c0_i32 = arith.constant 0 : i32
    %c0_i32_0 = arith.constant 0 : i32
    %c0_i32_1 = arith.constant 0 : i32
    %c0_i32_2 = arith.constant 0 : i32
    return %c0_i32, %c0_i32_0, %c0_i32_1 : i32, i32, i32
  }
  func.func @transform_2(%arg0: i32) -> (i32, i32) {
    %c0_i32 = arith.constant 0 : i32
    %c0_i32_0 = arith.constant 0 : i32
    %c0_i32_1 = arith.constant 0 : i32
    return %c0_i32, %c0_i32_0 : i32, i32
  }
  func.func @transform_3(%arg0: i32) -> (i32, i32, i32) {
    %c0_i32 = arith.constant 0 : i32
    %c0_i32_0 = arith.constant 0 : i32
    %c0_i32_1 = arith.constant 0 : i32
    return %arg0, %c0_i32, %c0_i32_0 : i32, i32, i32
  }
  func.func @transform_4(%arg0: i32) -> (i32, i32) {
    %c0_i32 = arith.constant 0 : i32
    %c0_i32_0 = arith.constant 0 : i32
    %c0_i32_1 = arith.constant 0 : i32
    return %c0_i32, %c0_i32_0 : i32, i32
  }
  func.func @transform_5(%arg0: i32) -> (i32, i32) {
    %c0_i32 = arith.constant 0 : i32
    %c0_i32_0 = arith.constant 0 : i32
    %c0_i32_1 = arith.constant 0 : i32
    return %c0_i32, %c0_i32_0 : i32, i32
  }
}

module attributes {stable_mosaic.version = 14 : i64} {
  func.func @body(%arg0: i32, %arg1: memref<1x4x32x3136xf32, #tpu.memory_space<vmem>>, %arg2: memref<9x64x32xf32, #tpu.memory_space<vmem>>, %arg3: memref<64x1xf32, #tpu.memory_space<vmem>>, %arg4: memref<32x1xf32, #tpu.memory_space<vmem>>, %arg5: memref<32x1xf32, #tpu.memory_space<vmem>>, %arg6: memref<1x64x3136xf32, #tpu.memory_space<vmem>>, %arg7: memref<64x1xf32, #tpu.memory_space<vmem>>, %arg8: memref<64x1xf32, #tpu.memory_space<vmem>>) attributes {dimension_semantics = [#tpu.dimension_semantics<arbitrary>], iteration_bounds = array<i64: 8>, scalar_prefetch = 0 : i64, scratch_operands = 0 : i64, tpu.core_type = #tpu.core_type<tc>, window_params = [{transform_indices = @transform_0, window_bounds = array<i64: 1, 4, 32, 3136>}, {pipeline_mode = #tpu.pipeline_mode<synchronous>, transform_indices = @transform_1, window_bounds = array<i64: 9, 64, 32>}, {pipeline_mode = #tpu.pipeline_mode<synchronous>, transform_indices = @transform_2, window_bounds = array<i64: 64, 1>}, {pipeline_mode = #tpu.pipeline_mode<synchronous>, transform_indices = @transform_3, window_bounds = array<i64: 32, 1>}, {pipeline_mode = #tpu.pipeline_mode<synchronous>, transform_indices = @transform_4, window_bounds = array<i64: 32, 1>}, {transform_indices = @transform_5, window_bounds = array<i64: 1, 64, 3136>}, {pipeline_mode = #tpu.pipeline_mode<synchronous>, transform_indices = @transform_6, window_bounds = array<i64: 64, 1>}, {pipeline_mode = #tpu.pipeline_mode<synchronous>, transform_indices = @transform_7, window_bounds = array<i64: 64, 1>}]} {
    %get3A = arith.constant 0 : index
    %get3A_0 = arith.constant 0 : index
    %get3A_1 = arith.constant 0 : index
    %get3A_2 = arith.constant 0 : index
    %get3A_3 = vector.load %arg1[%get3A, %get3A_0, %get3A_1, %get3A_2] : memref<1x4x32x3136xf32, #tpu.memory_space<vmem>>, vector<1x4x32x3136xf32>
    %get3A_4 = vector.shape_cast %get3A_3 : vector<1x4x32x3136xf32> to vector<4x32x3136xf32>
    %get3A_5 = arith.constant 0 : index
    %get3A_6 = arith.constant 0 : index
    %get3A_7 = vector.load %arg4[%get3A_5, %get3A_6] : memref<32x1xf32, #tpu.memory_space<vmem>>, vector<32x1xf32>
    %get3A_8 = arith.constant 0 : index
    %get3A_9 = arith.constant 0 : index
    %get3A_10 = vector.load %arg5[%get3A_8, %get3A_9] : memref<32x1xf32, #tpu.memory_space<vmem>>, vector<32x1xf32>
    %broadcast_in_dim3A = vector.shape_cast %get3A_7 : vector<32x1xf32> to vector<1x32x1xf32>
    %mul3A = vector.broadcast %broadcast_in_dim3A : vector<1x32x1xf32> to vector<4x32x3136xf32>
    %mul3A_11 = arith.mulf %get3A_4, %mul3A : vector<4x32x3136xf32>
    %broadcast_in_dim3A_12 = vector.shape_cast %get3A_10 : vector<32x1xf32> to vector<1x32x1xf32>
    %add3A = vector.broadcast %broadcast_in_dim3A_12 : vector<1x32x1xf32> to vector<4x32x3136xf32>
    %add3A_13 = arith.addf %mul3A_11, %add3A : vector<4x32x3136xf32>
    %ge3A = arith.constant 0.000000e+00 : f32
    %ge3A_14 = vector.broadcast %ge3A : f32 to vector<4x32x3136xf32>
    %ge3A_15 = arith.cmpf oge, %add3A_13, %ge3A_14 : vector<4x32x3136xf32>
    %mul3A_16 = arith.constant 1.000000e-01 : f32
    %mul3A_17 = vector.broadcast %mul3A_16 : f32 to vector<4x32x3136xf32>
    %mul3A_18 = arith.mulf %mul3A_17, %add3A_13 : vector<4x32x3136xf32>
    %select_n3A = arith.select %ge3A_15, %add3A_13, %mul3A_18 : vector<4x32x3136xi1>, vector<4x32x3136xf32>
    %broadcast_in_dim3A_19 = arith.constant 0.000000e+00 : f32
    %broadcast_in_dim3A_20 = vector.broadcast %broadcast_in_dim3A_19 : f32 to vector<64x3136xf32>
    %get3A_21 = arith.constant 0 : index
    %get3A_22 = arith.constant 0 : index
    %get3A_23 = arith.constant 0 : index
    %get3A_24 = vector.load %arg2[%get3A_21, %get3A_22, %get3A_23] : memref<9x64x32xf32, #tpu.memory_space<vmem>>, vector<1x64x32xf32>
    %get3A_25 = vector.shape_cast %get3A_24 : vector<1x64x32xf32> to vector<64x32xf32>
    %slice3A = vector.extract_strided_slice %select_n3A {offsets = [3, 0, 0], sizes = [1, 32, 3136], strides = [1, 1, 1]} : vector<4x32x3136xf32> to vector<1x32x3136xf32>
    %squeeze3A = vector.shape_cast %slice3A : vector<1x32x3136xf32> to vector<32x3136xf32>
    %broadcast_in_dim3A_26 = arith.constant 0.000000e+00 : f32
    %broadcast_in_dim3A_27 = vector.broadcast %broadcast_in_dim3A_26 : f32 to vector<32x56xf32>
    %slice3A_28 = vector.extract_strided_slice %squeeze3A {offsets = [0, 0], sizes = [32, 3080], strides = [1, 1]} : vector<32x3136xf32> to vector<32x3080xf32>
    %concatenate3A = tpu.concatenate %broadcast_in_dim3A_27, %slice3A_28 in 1 : vector<32x56xf32>, vector<32x3080xf32> -> vector<32x3136xf32>
    %broadcast_in_dim3A_29 = arith.constant 0.000000e+00 : f32
    %broadcast_in_dim3A_30 = vector.broadcast %broadcast_in_dim3A_29 : f32 to vector<32x1xf32>
    %slice3A_31 = vector.extract_strided_slice %concatenate3A {offsets = [0, 0], sizes = [32, 3135], strides = [1, 1]} : vector<32x3136xf32> to vector<32x3135xf32>
    %concatenate3A_32 = tpu.concatenate %broadcast_in_dim3A_30, %slice3A_31 in 1 : vector<32x1xf32>, vector<32x3135xf32> -> vector<32x3136xf32>
    %iota3A = tpu.iota {dimensions = array<i32: 1>} : vector<1x3136xi32>
    %jit3A = arith.constant 56 : i32
    %eq3A = arith.constant 0 : i32
    %eq3A_33 = arith.cmpi eq, %jit3A, %eq3A : i32
    %jit3A_34 = arith.constant 1 : i32
    %select_n3A_35 = arith.select %eq3A_33, %jit3A_34, %jit3A : i32
    %rem3A = vector.broadcast %select_n3A_35 : i32 to vector<1x3136xi32>
    %rem3A_36 = arith.remsi %iota3A, %rem3A : vector<1x3136xi32>
    %ne3A = arith.constant 0 : i32
    %ne3A_37 = vector.broadcast %ne3A : i32 to vector<1x3136xi32>
    %ne3A_38 = arith.cmpi ne, %rem3A_36, %ne3A_37 : vector<1x3136xi32>
    %lt3A = arith.constant 0 : i32
    %lt3A_39 = vector.broadcast %lt3A : i32 to vector<1x3136xi32>
    %lt3A_40 = arith.cmpi slt, %rem3A_36, %lt3A_39 : vector<1x3136xi32>
    %lt3A_41 = arith.constant 0 : i32
    %lt3A_42 = arith.cmpi slt, %select_n3A_35, %lt3A_41 : i32
    %ne3A_43 = vector.broadcast %lt3A_42 : i1 to vector<1x3136xi1>
    %ne3A_44 = vector.broadcast %ne3A_43 : vector<1x3136xi1> to vector<1x3136xi1>
    %ne3A_45 = arith.xori %lt3A_40, %ne3A_44 : vector<1x3136xi1>
    %and3A = arith.andi %ne3A_45, %ne3A_38 : vector<1x3136xi1>
    %add3A_46 = vector.broadcast %select_n3A_35 : i32 to vector<1x3136xi32>
    %add3A_47 = arith.addi %rem3A_36, %add3A_46 : vector<1x3136xi32>
    %select_n3A_48 = arith.select %and3A, %add3A_47, %rem3A_36 : vector<1x3136xi1>, vector<1x3136xi32>
    %eq3A_49 = arith.constant 0 : i32
    %eq3A_50 = vector.broadcast %eq3A_49 : i32 to vector<1x3136xi32>
    %eq3A_51 = arith.cmpi eq, %select_n3A_48, %eq3A_50 : vector<1x3136xi32>
    %broadcast_in_dim3A_52 = arith.constant 0.000000e+00 : f32
    %broadcast_in_dim3A_53 = vector.broadcast %broadcast_in_dim3A_52 : f32 to vector<32x3136xf32>
    %broadcast_in_dim3A_54 = vector.shape_cast %eq3A_51 : vector<1x3136xi1> to vector<1x3136xi1>
    %broadcast_in_dim3A_55 = vector.broadcast %broadcast_in_dim3A_54 : vector<1x3136xi1> to vector<32x3136xi1>
    %select_n3A_56 = arith.select %broadcast_in_dim3A_55, %broadcast_in_dim3A_53, %concatenate3A_32 : vector<32x3136xi1>, vector<32x3136xf32>
    %convert_element_type3A = arith.truncf %get3A_25 : vector<64x32xf32> to vector<64x32xbf16>
    %convert_element_type3A_57 = arith.truncf %select_n3A_56 : vector<32x3136xf32> to vector<32x3136xbf16>
    %dot_general3A = arith.constant dense<0.000000e+00> : vector<64x3136xf32>
    %dot_general3A_58 = tpu.matmul %convert_element_type3A, %convert_element_type3A_57, %dot_general3A {dimension_numbers = #tpu.dot_dimension_numbers<[1], [0], [0], [1], [0, 0, 1, 1], [], []>, transpose_lhs_hint = false} : vector<64x32xbf16>, vector<32x3136xbf16>, vector<64x3136xf32> -> vector<64x3136xf32>
    %add3A_59 = arith.addf %broadcast_in_dim3A_20, %dot_general3A_58 : vector<64x3136xf32>
    %get3A_60 = arith.constant 1 : index
    %get3A_61 = arith.constant 0 : index
    %get3A_62 = arith.constant 0 : index
    %get3A_63 = vector.load %arg2[%get3A_60, %get3A_61, %get3A_62] : memref<9x64x32xf32, #tpu.memory_space<vmem>>, vector<1x64x32xf32>
    %get3A_64 = vector.shape_cast %get3A_63 : vector<1x64x32xf32> to vector<64x32xf32>
    %slice3A_65 = vector.extract_strided_slice %select_n3A {offsets = [2, 0, 0], sizes = [1, 32, 3136], strides = [1, 1, 1]} : vector<4x32x3136xf32> to vector<1x32x3136xf32>
    %squeeze3A_66 = vector.shape_cast %slice3A_65 : vector<1x32x3136xf32> to vector<32x3136xf32>
    %broadcast_in_dim3A_67 = arith.constant 0.000000e+00 : f32
    %broadcast_in_dim3A_68 = vector.broadcast %broadcast_in_dim3A_67 : f32 to vector<32x56xf32>
    %slice3A_69 = vector.extract_strided_slice %squeeze3A_66 {offsets = [0, 0], sizes = [32, 3080], strides = [1, 1]} : vector<32x3136xf32> to vector<32x3080xf32>
    %concatenate3A_70 = tpu.concatenate %broadcast_in_dim3A_68, %slice3A_69 in 1 : vector<32x56xf32>, vector<32x3080xf32> -> vector<32x3136xf32>
    %convert_element_type3A_71 = arith.truncf %get3A_64 : vector<64x32xf32> to vector<64x32xbf16>
    %convert_element_type3A_72 = arith.truncf %concatenate3A_70 : vector<32x3136xf32> to vector<32x3136xbf16>
    %dot_general3A_73 = arith.constant dense<0.000000e+00> : vector<64x3136xf32>
    %dot_general3A_74 = tpu.matmul %convert_element_type3A_71, %convert_element_type3A_72, %dot_general3A_73 {dimension_numbers = #tpu.dot_dimension_numbers<[1], [0], [0], [1], [0, 0, 1, 1], [], []>, transpose_lhs_hint = false} : vector<64x32xbf16>, vector<32x3136xbf16>, vector<64x3136xf32> -> vector<64x3136xf32>
    %add3A_75 = arith.addf %add3A_59, %dot_general3A_74 : vector<64x3136xf32>
    %get3A_76 = arith.constant 2 : index
    %get3A_77 = arith.constant 0 : index
    %get3A_78 = arith.constant 0 : index
    %get3A_79 = vector.load %arg2[%get3A_76, %get3A_77, %get3A_78] : memref<9x64x32xf32, #tpu.memory_space<vmem>>, vector<1x64x32xf32>
    %get3A_80 = vector.shape_cast %get3A_79 : vector<1x64x32xf32> to vector<64x32xf32>
    %slice3A_81 = vector.extract_strided_slice %select_n3A {offsets = [3, 0, 0], sizes = [1, 32, 3136], strides = [1, 1, 1]} : vector<4x32x3136xf32> to vector<1x32x3136xf32>
    %squeeze3A_82 = vector.shape_cast %slice3A_81 : vector<1x32x3136xf32> to vector<32x3136xf32>
    %broadcast_in_dim3A_83 = arith.constant 0.000000e+00 : f32
    %broadcast_in_dim3A_84 = vector.broadcast %broadcast_in_dim3A_83 : f32 to vector<32x56xf32>
    %slice3A_85 = vector.extract_strided_slice %squeeze3A_82 {offsets = [0, 0], sizes = [32, 3080], strides = [1, 1]} : vector<32x3136xf32> to vector<32x3080xf32>
    %concatenate3A_86 = tpu.concatenate %broadcast_in_dim3A_84, %slice3A_85 in 1 : vector<32x56xf32>, vector<32x3080xf32> -> vector<32x3136xf32>
    %convert_element_type3A_87 = arith.truncf %get3A_80 : vector<64x32xf32> to vector<64x32xbf16>
    %convert_element_type3A_88 = arith.truncf %concatenate3A_86 : vector<32x3136xf32> to vector<32x3136xbf16>
    %dot_general3A_89 = arith.constant dense<0.000000e+00> : vector<64x3136xf32>
    %dot_general3A_90 = tpu.matmul %convert_element_type3A_87, %convert_element_type3A_88, %dot_general3A_89 {dimension_numbers = #tpu.dot_dimension_numbers<[1], [0], [0], [1], [0, 0, 1, 1], [], []>, transpose_lhs_hint = false} : vector<64x32xbf16>, vector<32x3136xbf16>, vector<64x3136xf32> -> vector<64x3136xf32>
    %add3A_91 = arith.addf %add3A_75, %dot_general3A_90 : vector<64x3136xf32>
    %get3A_92 = arith.constant 3 : index
    %get3A_93 = arith.constant 0 : index
    %get3A_94 = arith.constant 0 : index
    %get3A_95 = vector.load %arg2[%get3A_92, %get3A_93, %get3A_94] : memref<9x64x32xf32, #tpu.memory_space<vmem>>, vector<1x64x32xf32>
    %get3A_96 = vector.shape_cast %get3A_95 : vector<1x64x32xf32> to vector<64x32xf32>
    %slice3A_97 = vector.extract_strided_slice %select_n3A {offsets = [1, 0, 0], sizes = [1, 32, 3136], strides = [1, 1, 1]} : vector<4x32x3136xf32> to vector<1x32x3136xf32>
    %squeeze3A_98 = vector.shape_cast %slice3A_97 : vector<1x32x3136xf32> to vector<32x3136xf32>
    %broadcast_in_dim3A_99 = arith.constant 0.000000e+00 : f32
    %broadcast_in_dim3A_100 = vector.broadcast %broadcast_in_dim3A_99 : f32 to vector<32x1xf32>
    %slice3A_101 = vector.extract_strided_slice %squeeze3A_98 {offsets = [0, 0], sizes = [32, 3135], strides = [1, 1]} : vector<32x3136xf32> to vector<32x3135xf32>
    %concatenate3A_102 = tpu.concatenate %broadcast_in_dim3A_100, %slice3A_101 in 1 : vector<32x1xf32>, vector<32x3135xf32> -> vector<32x3136xf32>
    %iota3A_103 = tpu.iota {dimensions = array<i32: 1>} : vector<1x3136xi32>
    %jit3A_104 = arith.constant 56 : i32
    %eq3A_105 = arith.constant 0 : i32
    %eq3A_106 = arith.cmpi eq, %jit3A_104, %eq3A_105 : i32
    %jit3A_107 = arith.constant 1 : i32
    %select_n3A_108 = arith.select %eq3A_106, %jit3A_107, %jit3A_104 : i32
    %rem3A_109 = vector.broadcast %select_n3A_108 : i32 to vector<1x3136xi32>
    %rem3A_110 = arith.remsi %iota3A_103, %rem3A_109 : vector<1x3136xi32>
    %ne3A_111 = arith.constant 0 : i32
    %ne3A_112 = vector.broadcast %ne3A_111 : i32 to vector<1x3136xi32>
    %ne3A_113 = arith.cmpi ne, %rem3A_110, %ne3A_112 : vector<1x3136xi32>
    %lt3A_114 = arith.constant 0 : i32
    %lt3A_115 = vector.broadcast %lt3A_114 : i32 to vector<1x3136xi32>
    %lt3A_116 = arith.cmpi slt, %rem3A_110, %lt3A_115 : vector<1x3136xi32>
    %lt3A_117 = arith.constant 0 : i32
    %lt3A_118 = arith.cmpi slt, %select_n3A_108, %lt3A_117 : i32
    %ne3A_119 = vector.broadcast %lt3A_118 : i1 to vector<1x3136xi1>
    %ne3A_120 = vector.broadcast %ne3A_119 : vector<1x3136xi1> to vector<1x3136xi1>
    %ne3A_121 = arith.xori %lt3A_116, %ne3A_120 : vector<1x3136xi1>
    %and3A_122 = arith.andi %ne3A_121, %ne3A_113 : vector<1x3136xi1>
    %add3A_123 = vector.broadcast %select_n3A_108 : i32 to vector<1x3136xi32>
    %add3A_124 = arith.addi %rem3A_110, %add3A_123 : vector<1x3136xi32>
    %select_n3A_125 = arith.select %and3A_122, %add3A_124, %rem3A_110 : vector<1x3136xi1>, vector<1x3136xi32>
    %eq3A_126 = arith.constant 0 : i32
    %eq3A_127 = vector.broadcast %eq3A_126 : i32 to vector<1x3136xi32>
    %eq3A_128 = arith.cmpi eq, %select_n3A_125, %eq3A_127 : vector<1x3136xi32>
    %broadcast_in_dim3A_129 = arith.constant 0.000000e+00 : f32
    %broadcast_in_dim3A_130 = vector.broadcast %broadcast_in_dim3A_129 : f32 to vector<32x3136xf32>
    %broadcast_in_dim3A_131 = vector.shape_cast %eq3A_128 : vector<1x3136xi1> to vector<1x3136xi1>
    %broadcast_in_dim3A_132 = vector.broadcast %broadcast_in_dim3A_131 : vector<1x3136xi1> to vector<32x3136xi1>
    %select_n3A_133 = arith.select %broadcast_in_dim3A_132, %broadcast_in_dim3A_130, %concatenate3A_102 : vector<32x3136xi1>, vector<32x3136xf32>
    %convert_element_type3A_134 = arith.truncf %get3A_96 : vector<64x32xf32> to vector<64x32xbf16>
    %convert_element_type3A_135 = arith.truncf %select_n3A_133 : vector<32x3136xf32> to vector<32x3136xbf16>
    %dot_general3A_136 = arith.constant dense<0.000000e+00> : vector<64x3136xf32>
    %dot_general3A_137 = tpu.matmul %convert_element_type3A_134, %convert_element_type3A_135, %dot_general3A_136 {dimension_numbers = #tpu.dot_dimension_numbers<[1], [0], [0], [1], [0, 0, 1, 1], [], []>, transpose_lhs_hint = false} : vector<64x32xbf16>, vector<32x3136xbf16>, vector<64x3136xf32> -> vector<64x3136xf32>
    %add3A_138 = arith.addf %add3A_91, %dot_general3A_137 : vector<64x3136xf32>
    %get3A_139 = arith.constant 4 : index
    %get3A_140 = arith.constant 0 : index
    %get3A_141 = arith.constant 0 : index
    %get3A_142 = vector.load %arg2[%get3A_139, %get3A_140, %get3A_141] : memref<9x64x32xf32, #tpu.memory_space<vmem>>, vector<1x64x32xf32>
    %get3A_143 = vector.shape_cast %get3A_142 : vector<1x64x32xf32> to vector<64x32xf32>
    %slice3A_144 = vector.extract_strided_slice %select_n3A {offsets = [0, 0, 0], sizes = [1, 32, 3136], strides = [1, 1, 1]} : vector<4x32x3136xf32> to vector<1x32x3136xf32>
    %squeeze3A_145 = vector.shape_cast %slice3A_144 : vector<1x32x3136xf32> to vector<32x3136xf32>
    %convert_element_type3A_146 = arith.truncf %get3A_143 : vector<64x32xf32> to vector<64x32xbf16>
    %convert_element_type3A_147 = arith.truncf %squeeze3A_145 : vector<32x3136xf32> to vector<32x3136xbf16>
    %dot_general3A_148 = arith.constant dense<0.000000e+00> : vector<64x3136xf32>
    %dot_general3A_149 = tpu.matmul %convert_element_type3A_146, %convert_element_type3A_147, %dot_general3A_148 {dimension_numbers = #tpu.dot_dimension_numbers<[1], [0], [0], [1], [0, 0, 1, 1], [], []>, transpose_lhs_hint = false} : vector<64x32xbf16>, vector<32x3136xbf16>, vector<64x3136xf32> -> vector<64x3136xf32>
    %add3A_150 = arith.addf %add3A_138, %dot_general3A_149 : vector<64x3136xf32>
    %get3A_151 = arith.constant 5 : index
    %get3A_152 = arith.constant 0 : index
    %get3A_153 = arith.constant 0 : index
    %get3A_154 = vector.load %arg2[%get3A_151, %get3A_152, %get3A_153] : memref<9x64x32xf32, #tpu.memory_space<vmem>>, vector<1x64x32xf32>
    %get3A_155 = vector.shape_cast %get3A_154 : vector<1x64x32xf32> to vector<64x32xf32>
    %slice3A_156 = vector.extract_strided_slice %select_n3A {offsets = [1, 0, 0], sizes = [1, 32, 3136], strides = [1, 1, 1]} : vector<4x32x3136xf32> to vector<1x32x3136xf32>
    %squeeze3A_157 = vector.shape_cast %slice3A_156 : vector<1x32x3136xf32> to vector<32x3136xf32>
    %convert_element_type3A_158 = arith.truncf %get3A_155 : vector<64x32xf32> to vector<64x32xbf16>
    %convert_element_type3A_159 = arith.truncf %squeeze3A_157 : vector<32x3136xf32> to vector<32x3136xbf16>
    %dot_general3A_160 = arith.constant dense<0.000000e+00> : vector<64x3136xf32>
    %dot_general3A_161 = tpu.matmul %convert_element_type3A_158, %convert_element_type3A_159, %dot_general3A_160 {dimension_numbers = #tpu.dot_dimension_numbers<[1], [0], [0], [1], [0, 0, 1, 1], [], []>, transpose_lhs_hint = false} : vector<64x32xbf16>, vector<32x3136xbf16>, vector<64x3136xf32> -> vector<64x3136xf32>
    %add3A_162 = arith.addf %add3A_150, %dot_general3A_161 : vector<64x3136xf32>
    %get3A_163 = arith.constant 6 : index
    %get3A_164 = arith.constant 0 : index
    %get3A_165 = arith.constant 0 : index
    %get3A_166 = vector.load %arg2[%get3A_163, %get3A_164, %get3A_165] : memref<9x64x32xf32, #tpu.memory_space<vmem>>, vector<1x64x32xf32>
    %get3A_167 = vector.shape_cast %get3A_166 : vector<1x64x32xf32> to vector<64x32xf32>
    %slice3A_168 = vector.extract_strided_slice %select_n3A {offsets = [3, 0, 0], sizes = [1, 32, 3136], strides = [1, 1, 1]} : vector<4x32x3136xf32> to vector<1x32x3136xf32>
    %squeeze3A_169 = vector.shape_cast %slice3A_168 : vector<1x32x3136xf32> to vector<32x3136xf32>
    %broadcast_in_dim3A_170 = arith.constant 0.000000e+00 : f32
    %broadcast_in_dim3A_171 = vector.broadcast %broadcast_in_dim3A_170 : f32 to vector<32x1xf32>
    %slice3A_172 = vector.extract_strided_slice %squeeze3A_169 {offsets = [0, 0], sizes = [32, 3135], strides = [1, 1]} : vector<32x3136xf32> to vector<32x3135xf32>
    %concatenate3A_173 = tpu.concatenate %broadcast_in_dim3A_171, %slice3A_172 in 1 : vector<32x1xf32>, vector<32x3135xf32> -> vector<32x3136xf32>
    %iota3A_174 = tpu.iota {dimensions = array<i32: 1>} : vector<1x3136xi32>
    %jit3A_175 = arith.constant 56 : i32
    %eq3A_176 = arith.constant 0 : i32
    %eq3A_177 = arith.cmpi eq, %jit3A_175, %eq3A_176 : i32
    %jit3A_178 = arith.constant 1 : i32
    %select_n3A_179 = arith.select %eq3A_177, %jit3A_178, %jit3A_175 : i32
    %rem3A_180 = vector.broadcast %select_n3A_179 : i32 to vector<1x3136xi32>
    %rem3A_181 = arith.remsi %iota3A_174, %rem3A_180 : vector<1x3136xi32>
    %ne3A_182 = arith.constant 0 : i32
    %ne3A_183 = vector.broadcast %ne3A_182 : i32 to vector<1x3136xi32>
    %ne3A_184 = arith.cmpi ne, %rem3A_181, %ne3A_183 : vector<1x3136xi32>
    %lt3A_185 = arith.constant 0 : i32
    %lt3A_186 = vector.broadcast %lt3A_185 : i32 to vector<1x3136xi32>
    %lt3A_187 = arith.cmpi slt, %rem3A_181, %lt3A_186 : vector<1x3136xi32>
    %lt3A_188 = arith.constant 0 : i32
    %lt3A_189 = arith.cmpi slt, %select_n3A_179, %lt3A_188 : i32
    %ne3A_190 = vector.broadcast %lt3A_189 : i1 to vector<1x3136xi1>
    %ne3A_191 = vector.broadcast %ne3A_190 : vector<1x3136xi1> to vector<1x3136xi1>
    %ne3A_192 = arith.xori %lt3A_187, %ne3A_191 : vector<1x3136xi1>
    %and3A_193 = arith.andi %ne3A_192, %ne3A_184 : vector<1x3136xi1>
    %add3A_194 = vector.broadcast %select_n3A_179 : i32 to vector<1x3136xi32>
    %add3A_195 = arith.addi %rem3A_181, %add3A_194 : vector<1x3136xi32>
    %select_n3A_196 = arith.select %and3A_193, %add3A_195, %rem3A_181 : vector<1x3136xi1>, vector<1x3136xi32>
    %eq3A_197 = arith.constant 0 : i32
    %eq3A_198 = vector.broadcast %eq3A_197 : i32 to vector<1x3136xi32>
    %eq3A_199 = arith.cmpi eq, %select_n3A_196, %eq3A_198 : vector<1x3136xi32>
    %broadcast_in_dim3A_200 = arith.constant 0.000000e+00 : f32
    %broadcast_in_dim3A_201 = vector.broadcast %broadcast_in_dim3A_200 : f32 to vector<32x3136xf32>
    %broadcast_in_dim3A_202 = vector.shape_cast %eq3A_199 : vector<1x3136xi1> to vector<1x3136xi1>
    %broadcast_in_dim3A_203 = vector.broadcast %broadcast_in_dim3A_202 : vector<1x3136xi1> to vector<32x3136xi1>
    %select_n3A_204 = arith.select %broadcast_in_dim3A_203, %broadcast_in_dim3A_201, %concatenate3A_173 : vector<32x3136xi1>, vector<32x3136xf32>
    %convert_element_type3A_205 = arith.truncf %get3A_167 : vector<64x32xf32> to vector<64x32xbf16>
    %convert_element_type3A_206 = arith.truncf %select_n3A_204 : vector<32x3136xf32> to vector<32x3136xbf16>
    %dot_general3A_207 = arith.constant dense<0.000000e+00> : vector<64x3136xf32>
    %dot_general3A_208 = tpu.matmul %convert_element_type3A_205, %convert_element_type3A_206, %dot_general3A_207 {dimension_numbers = #tpu.dot_dimension_numbers<[1], [0], [0], [1], [0, 0, 1, 1], [], []>, transpose_lhs_hint = false} : vector<64x32xbf16>, vector<32x3136xbf16>, vector<64x3136xf32> -> vector<64x3136xf32>
    %add3A_209 = arith.addf %add3A_162, %dot_general3A_208 : vector<64x3136xf32>
    %get3A_210 = arith.constant 7 : index
    %get3A_211 = arith.constant 0 : index
    %get3A_212 = arith.constant 0 : index
    %get3A_213 = vector.load %arg2[%get3A_210, %get3A_211, %get3A_212] : memref<9x64x32xf32, #tpu.memory_space<vmem>>, vector<1x64x32xf32>
    %get3A_214 = vector.shape_cast %get3A_213 : vector<1x64x32xf32> to vector<64x32xf32>
    %slice3A_215 = vector.extract_strided_slice %select_n3A {offsets = [2, 0, 0], sizes = [1, 32, 3136], strides = [1, 1, 1]} : vector<4x32x3136xf32> to vector<1x32x3136xf32>
    %squeeze3A_216 = vector.shape_cast %slice3A_215 : vector<1x32x3136xf32> to vector<32x3136xf32>
    %convert_element_type3A_217 = arith.truncf %get3A_214 : vector<64x32xf32> to vector<64x32xbf16>
    %convert_element_type3A_218 = arith.truncf %squeeze3A_216 : vector<32x3136xf32> to vector<32x3136xbf16>
    %dot_general3A_219 = arith.constant dense<0.000000e+00> : vector<64x3136xf32>
    %dot_general3A_220 = tpu.matmul %convert_element_type3A_217, %convert_element_type3A_218, %dot_general3A_219 {dimension_numbers = #tpu.dot_dimension_numbers<[1], [0], [0], [1], [0, 0, 1, 1], [], []>, transpose_lhs_hint = false} : vector<64x32xbf16>, vector<32x3136xbf16>, vector<64x3136xf32> -> vector<64x3136xf32>
    %add3A_221 = arith.addf %add3A_209, %dot_general3A_220 : vector<64x3136xf32>
    %get3A_222 = arith.constant 8 : index
    %get3A_223 = arith.constant 0 : index
    %get3A_224 = arith.constant 0 : index
    %get3A_225 = vector.load %arg2[%get3A_222, %get3A_223, %get3A_224] : memref<9x64x32xf32, #tpu.memory_space<vmem>>, vector<1x64x32xf32>
    %get3A_226 = vector.shape_cast %get3A_225 : vector<1x64x32xf32> to vector<64x32xf32>
    %slice3A_227 = vector.extract_strided_slice %select_n3A {offsets = [3, 0, 0], sizes = [1, 32, 3136], strides = [1, 1, 1]} : vector<4x32x3136xf32> to vector<1x32x3136xf32>
    %squeeze3A_228 = vector.shape_cast %slice3A_227 : vector<1x32x3136xf32> to vector<32x3136xf32>
    %convert_element_type3A_229 = arith.truncf %get3A_226 : vector<64x32xf32> to vector<64x32xbf16>
    %convert_element_type3A_230 = arith.truncf %squeeze3A_228 : vector<32x3136xf32> to vector<32x3136xbf16>
    %dot_general3A_231 = arith.constant dense<0.000000e+00> : vector<64x3136xf32>
    %dot_general3A_232 = tpu.matmul %convert_element_type3A_229, %convert_element_type3A_230, %dot_general3A_231 {dimension_numbers = #tpu.dot_dimension_numbers<[1], [0], [0], [1], [0, 0, 1, 1], [], []>, transpose_lhs_hint = false} : vector<64x32xbf16>, vector<32x3136xbf16>, vector<64x3136xf32> -> vector<64x3136xf32>
    %add3A_233 = arith.addf %add3A_221, %dot_general3A_232 : vector<64x3136xf32>
    %get3A_234 = arith.constant 0 : index
    %get3A_235 = arith.constant 0 : index
    %get3A_236 = vector.load %arg3[%get3A_234, %get3A_235] : memref<64x1xf32, #tpu.memory_space<vmem>>, vector<64x1xf32>
    %add3A_237 = vector.broadcast %get3A_236 : vector<64x1xf32> to vector<64x3136xf32>
    %add3A_238 = arith.addf %add3A_233, %add3A_237 : vector<64x3136xf32>
    %swap3A = arith.constant 0 : index
    %swap3A_239 = arith.constant 0 : index
    %swap3A_240 = arith.constant 0 : index
    %swap3A_241 = vector.load %arg6[%swap3A, %swap3A_239, %swap3A_240] : memref<1x64x3136xf32, #tpu.memory_space<vmem>>, vector<1x64x3136xf32>
    %swap3A_242 = vector.shape_cast %swap3A_241 : vector<1x64x3136xf32> to vector<64x3136xf32>
    %swap3A_243 = vector.shape_cast %add3A_238 : vector<64x3136xf32> to vector<1x64x3136xf32>
    tpu.vector_store %arg6[%swap3A, %swap3A_239, %swap3A_240], %swap3A_243 {strides = array<i32>} : memref<1x64x3136xf32, #tpu.memory_space<vmem>>, vector<1x64x3136xf32>,
    %reduce_sum3A = arith.constant dense<0.000000e+00> : vector<64xf32>
    %reduce_sum3A_244 = vector.multi_reduction <add>, %add3A_238, %reduce_sum3A [1] : vector<64x3136xf32> to vector<64xf32>
    %broadcast_in_dim3A_245 = vector.shape_cast %reduce_sum3A_244 : vector<64xf32> to vector<64x1xf32>
    %mul3A_246 = arith.mulf %add3A_238, %add3A_238 : vector<64x3136xf32>
    %reduce_sum3A_247 = arith.constant dense<0.000000e+00> : vector<64xf32>
    %reduce_sum3A_248 = vector.multi_reduction <add>, %mul3A_246, %reduce_sum3A_247 [1] : vector<64x3136xf32> to vector<64xf32>
    %broadcast_in_dim3A_249 = vector.shape_cast %reduce_sum3A_248 : vector<64xf32> to vector<64x1xf32>
    %eq3A_250 = arith.constant 0 : i32
    %eq3A_251 = arith.cmpi eq, %arg0, %eq3A_250 : i32
    %convert_element_type3A_252 = arith.extui %eq3A_251 : i1 to i32
    %cond3A = arith.constant 0 : i32
    %cond3A_253 = arith.cmpi ne, %convert_element_type3A_252, %cond3A : i32
    scf.if %cond3A_253 {
      %swap3A_258 = arith.constant 0 : index
      %swap3A_259 = arith.constant 0 : index
      %swap3A_260 = vector.load %arg7[%swap3A_258, %swap3A_259] : memref<64x1xf32, #tpu.memory_space<vmem>>, vector<64x1xf32>
      tpu.vector_store %arg7[%swap3A_258, %swap3A_259], %broadcast_in_dim3A_245 {strides = array<i32>} : memref<64x1xf32, #tpu.memory_space<vmem>>, vector<64x1xf32>,
      %swap3A_261 = arith.constant 0 : index
      %swap3A_262 = arith.constant 0 : index
      %swap3A_263 = vector.load %arg8[%swap3A_261, %swap3A_262] : memref<64x1xf32, #tpu.memory_space<vmem>>, vector<64x1xf32>
      tpu.vector_store %arg8[%swap3A_261, %swap3A_262], %broadcast_in_dim3A_249 {strides = array<i32>} : memref<64x1xf32, #tpu.memory_space<vmem>>, vector<64x1xf32>,
    } else {
    }
    %gt3A = arith.constant 0 : i32
    %gt3A_254 = arith.cmpi sgt, %arg0, %gt3A : i32
    %convert_element_type3A_255 = arith.extui %gt3A_254 : i1 to i32
    %cond3A_256 = arith.constant 0 : i32
    %cond3A_257 = arith.cmpi ne, %convert_element_type3A_255, %cond3A_256 : i32
    scf.if %cond3A_257 {
      %get3A_258 = arith.constant 0 : index
      %get3A_259 = arith.constant 0 : index
      %get3A_260 = vector.load %arg7[%get3A_258, %get3A_259] : memref<64x1xf32, #tpu.memory_space<vmem>>, vector<64x1xf32>
      %add3A_261 = arith.addf %get3A_260, %broadcast_in_dim3A_245 : vector<64x1xf32>
      %swap3A_262 = arith.constant 0 : index
      %swap3A_263 = arith.constant 0 : index
      %swap3A_264 = vector.load %arg7[%swap3A_262, %swap3A_263] : memref<64x1xf32, #tpu.memory_space<vmem>>, vector<64x1xf32>
      tpu.vector_store %arg7[%swap3A_262, %swap3A_263], %add3A_261 {strides = array<i32>} : memref<64x1xf32, #tpu.memory_space<vmem>>, vector<64x1xf32>,
      %get3A_265 = arith.constant 0 : index
      %get3A_266 = arith.constant 0 : index
      %get3A_267 = vector.load %arg8[%get3A_265, %get3A_266] : memref<64x1xf32, #tpu.memory_space<vmem>>, vector<64x1xf32>
      %add3A_268 = arith.addf %get3A_267, %broadcast_in_dim3A_249 : vector<64x1xf32>
      %swap3A_269 = arith.constant 0 : index
      %swap3A_270 = arith.constant 0 : index
      %swap3A_271 = vector.load %arg8[%swap3A_269, %swap3A_270] : memref<64x1xf32, #tpu.memory_space<vmem>>, vector<64x1xf32>
      tpu.vector_store %arg8[%swap3A_269, %swap3A_270], %add3A_268 {strides = array<i32>} : memref<64x1xf32, #tpu.memory_space<vmem>>, vector<64x1xf32>,
    } else {
    }
    return
  }
  func.func @transform_0(%arg0: i32) -> (i32, i32, i32, i32) {
    %c0_i32 = arith.constant 0 : i32
    %c0_i32_0 = arith.constant 0 : i32
    %c0_i32_1 = arith.constant 0 : i32
    %c0_i32_2 = arith.constant 0 : i32
    return %arg0, %c0_i32, %c0_i32_0, %c0_i32_1 : i32, i32, i32, i32
  }
  func.func @transform_1(%arg0: i32) -> (i32, i32, i32) {
    %c0_i32 = arith.constant 0 : i32
    %c0_i32_0 = arith.constant 0 : i32
    %c0_i32_1 = arith.constant 0 : i32
    %c0_i32_2 = arith.constant 0 : i32
    return %c0_i32, %c0_i32_0, %c0_i32_1 : i32, i32, i32
  }
  func.func @transform_2(%arg0: i32) -> (i32, i32) {
    %c0_i32 = arith.constant 0 : i32
    %c0_i32_0 = arith.constant 0 : i32
    %c0_i32_1 = arith.constant 0 : i32
    return %c0_i32, %c0_i32_0 : i32, i32
  }
  func.func @transform_3(%arg0: i32) -> (i32, i32) {
    %c0_i32 = arith.constant 0 : i32
    %c0_i32_0 = arith.constant 0 : i32
    %c0_i32_1 = arith.constant 0 : i32
    return %c0_i32, %c0_i32_0 : i32, i32
  }
  func.func @transform_4(%arg0: i32) -> (i32, i32) {
    %c0_i32 = arith.constant 0 : i32
    %c0_i32_0 = arith.constant 0 : i32
    %c0_i32_1 = arith.constant 0 : i32
    return %c0_i32, %c0_i32_0 : i32, i32
  }
  func.func @transform_5(%arg0: i32) -> (i32, i32, i32) {
    %c0_i32 = arith.constant 0 : i32
    %c0_i32_0 = arith.constant 0 : i32
    %c0_i32_1 = arith.constant 0 : i32
    return %arg0, %c0_i32, %c0_i32_0 : i32, i32, i32
  }
  func.func @transform_6(%arg0: i32) -> (i32, i32) {
    %c0_i32 = arith.constant 0 : i32
    %c0_i32_0 = arith.constant 0 : i32
    %c0_i32_1 = arith.constant 0 : i32
    return %c0_i32, %c0_i32_0 : i32, i32
  }
  func.func @transform_7(%arg0: i32) -> (i32, i32) {
    %c0_i32 = arith.constant 0 : i32
    %c0_i32_0 = arith.constant 0 : i32
    %c0_i32_1 = arith.constant 0 : i32
    return %c0_i32, %c0_i32_0 : i32, i32
  }
}

module attributes {stable_mosaic.version = 14 : i64} {
  func.func @body(%arg0: i32, %arg1: memref<1x64x3136xf32, #tpu.memory_space<vmem>>, %arg2: memref<9x64x64xf32, #tpu.memory_space<vmem>>, %arg3: memref<64x1xf32, #tpu.memory_space<vmem>>, %arg4: memref<64x1xf32, #tpu.memory_space<vmem>>, %arg5: memref<64x1xf32, #tpu.memory_space<vmem>>, %arg6: memref<1x64x3136xf32, #tpu.memory_space<vmem>>, %arg7: memref<64x1xf32, #tpu.memory_space<vmem>>, %arg8: memref<64x1xf32, #tpu.memory_space<vmem>>) attributes {dimension_semantics = [#tpu.dimension_semantics<arbitrary>], iteration_bounds = array<i64: 8>, scalar_prefetch = 0 : i64, scratch_operands = 0 : i64, tpu.core_type = #tpu.core_type<tc>, window_params = [{transform_indices = @transform_0, window_bounds = array<i64: 1, 64, 3136>}, {pipeline_mode = #tpu.pipeline_mode<synchronous>, transform_indices = @transform_1, window_bounds = array<i64: 9, 64, 64>}, {pipeline_mode = #tpu.pipeline_mode<synchronous>, transform_indices = @transform_2, window_bounds = array<i64: 64, 1>}, {pipeline_mode = #tpu.pipeline_mode<synchronous>, transform_indices = @transform_3, window_bounds = array<i64: 64, 1>}, {pipeline_mode = #tpu.pipeline_mode<synchronous>, transform_indices = @transform_4, window_bounds = array<i64: 64, 1>}, {transform_indices = @transform_5, window_bounds = array<i64: 1, 64, 3136>}, {pipeline_mode = #tpu.pipeline_mode<synchronous>, transform_indices = @transform_6, window_bounds = array<i64: 64, 1>}, {pipeline_mode = #tpu.pipeline_mode<synchronous>, transform_indices = @transform_7, window_bounds = array<i64: 64, 1>}]} {
    %get3A = arith.constant 0 : index
    %get3A_0 = arith.constant 0 : index
    %get3A_1 = arith.constant 0 : index
    %get3A_2 = vector.load %arg1[%get3A, %get3A_0, %get3A_1] : memref<1x64x3136xf32, #tpu.memory_space<vmem>>, vector<1x64x3136xf32>
    %get3A_3 = vector.shape_cast %get3A_2 : vector<1x64x3136xf32> to vector<64x3136xf32>
    %get3A_4 = arith.constant 0 : index
    %get3A_5 = arith.constant 0 : index
    %get3A_6 = vector.load %arg4[%get3A_4, %get3A_5] : memref<64x1xf32, #tpu.memory_space<vmem>>, vector<64x1xf32>
    %get3A_7 = arith.constant 0 : index
    %get3A_8 = arith.constant 0 : index
    %get3A_9 = vector.load %arg5[%get3A_7, %get3A_8] : memref<64x1xf32, #tpu.memory_space<vmem>>, vector<64x1xf32>
    %mul3A = vector.broadcast %get3A_6 : vector<64x1xf32> to vector<64x3136xf32>
    %mul3A_10 = arith.mulf %get3A_3, %mul3A : vector<64x3136xf32>
    %add3A = vector.broadcast %get3A_9 : vector<64x1xf32> to vector<64x3136xf32>
    %add3A_11 = arith.addf %mul3A_10, %add3A : vector<64x3136xf32>
    %ge3A = arith.constant 0.000000e+00 : f32
    %ge3A_12 = vector.broadcast %ge3A : f32 to vector<64x3136xf32>
    %ge3A_13 = arith.cmpf oge, %add3A_11, %ge3A_12 : vector<64x3136xf32>
    %mul3A_14 = arith.constant 1.000000e-01 : f32
    %mul3A_15 = vector.broadcast %mul3A_14 : f32 to vector<64x3136xf32>
    %mul3A_16 = arith.mulf %mul3A_15, %add3A_11 : vector<64x3136xf32>
    %select_n3A = arith.select %ge3A_13, %add3A_11, %mul3A_16 : vector<64x3136xi1>, vector<64x3136xf32>
    %broadcast_in_dim3A = arith.constant 0.000000e+00 : f32
    %broadcast_in_dim3A_17 = vector.broadcast %broadcast_in_dim3A : f32 to vector<64x3136xf32>
    %get3A_18 = arith.constant 0 : index
    %get3A_19 = arith.constant 0 : index
    %get3A_20 = arith.constant 0 : index
    %get3A_21 = vector.load %arg2[%get3A_18, %get3A_19, %get3A_20] : memref<9x64x64xf32, #tpu.memory_space<vmem>>, vector<1x64x64xf32>
    %get3A_22 = vector.shape_cast %get3A_21 : vector<1x64x64xf32> to vector<64x64xf32>
    %broadcast_in_dim3A_23 = arith.constant 0.000000e+00 : f32
    %broadcast_in_dim3A_24 = vector.broadcast %broadcast_in_dim3A_23 : f32 to vector<64x56xf32>
    %slice3A = vector.extract_strided_slice %select_n3A {offsets = [0, 0], sizes = [64, 3080], strides = [1, 1]} : vector<64x3136xf32> to vector<64x3080xf32>
    %concatenate3A = tpu.concatenate %broadcast_in_dim3A_24, %slice3A in 1 : vector<64x56xf32>, vector<64x3080xf32> -> vector<64x3136xf32>
    %broadcast_in_dim3A_25 = arith.constant 0.000000e+00 : f32
    %broadcast_in_dim3A_26 = vector.broadcast %broadcast_in_dim3A_25 : f32 to vector<64x1xf32>
    %slice3A_27 = vector.extract_strided_slice %concatenate3A {offsets = [0, 0], sizes = [64, 3135], strides = [1, 1]} : vector<64x3136xf32> to vector<64x3135xf32>
    %concatenate3A_28 = tpu.concatenate %broadcast_in_dim3A_26, %slice3A_27 in 1 : vector<64x1xf32>, vector<64x3135xf32> -> vector<64x3136xf32>
    %iota3A = tpu.iota {dimensions = array<i32: 1>} : vector<1x3136xi32>
    %jit3A = arith.constant 56 : i32
    %eq3A = arith.constant 0 : i32
    %eq3A_29 = arith.cmpi eq, %jit3A, %eq3A : i32
    %jit3A_30 = arith.constant 1 : i32
    %select_n3A_31 = arith.select %eq3A_29, %jit3A_30, %jit3A : i32
    %rem3A = vector.broadcast %select_n3A_31 : i32 to vector<1x3136xi32>
    %rem3A_32 = arith.remsi %iota3A, %rem3A : vector<1x3136xi32>
    %ne3A = arith.constant 0 : i32
    %ne3A_33 = vector.broadcast %ne3A : i32 to vector<1x3136xi32>
    %ne3A_34 = arith.cmpi ne, %rem3A_32, %ne3A_33 : vector<1x3136xi32>
    %lt3A = arith.constant 0 : i32
    %lt3A_35 = vector.broadcast %lt3A : i32 to vector<1x3136xi32>
    %lt3A_36 = arith.cmpi slt, %rem3A_32, %lt3A_35 : vector<1x3136xi32>
    %lt3A_37 = arith.constant 0 : i32
    %lt3A_38 = arith.cmpi slt, %select_n3A_31, %lt3A_37 : i32
    %ne3A_39 = vector.broadcast %lt3A_38 : i1 to vector<1x3136xi1>
    %ne3A_40 = vector.broadcast %ne3A_39 : vector<1x3136xi1> to vector<1x3136xi1>
    %ne3A_41 = arith.xori %lt3A_36, %ne3A_40 : vector<1x3136xi1>
    %and3A = arith.andi %ne3A_41, %ne3A_34 : vector<1x3136xi1>
    %add3A_42 = vector.broadcast %select_n3A_31 : i32 to vector<1x3136xi32>
    %add3A_43 = arith.addi %rem3A_32, %add3A_42 : vector<1x3136xi32>
    %select_n3A_44 = arith.select %and3A, %add3A_43, %rem3A_32 : vector<1x3136xi1>, vector<1x3136xi32>
    %eq3A_45 = arith.constant 0 : i32
    %eq3A_46 = vector.broadcast %eq3A_45 : i32 to vector<1x3136xi32>
    %eq3A_47 = arith.cmpi eq, %select_n3A_44, %eq3A_46 : vector<1x3136xi32>
    %broadcast_in_dim3A_48 = arith.constant 0.000000e+00 : f32
    %broadcast_in_dim3A_49 = vector.broadcast %broadcast_in_dim3A_48 : f32 to vector<64x3136xf32>
    %broadcast_in_dim3A_50 = vector.shape_cast %eq3A_47 : vector<1x3136xi1> to vector<1x3136xi1>
    %broadcast_in_dim3A_51 = vector.broadcast %broadcast_in_dim3A_50 : vector<1x3136xi1> to vector<64x3136xi1>
    %select_n3A_52 = arith.select %broadcast_in_dim3A_51, %broadcast_in_dim3A_49, %concatenate3A_28 : vector<64x3136xi1>, vector<64x3136xf32>
    %convert_element_type3A = arith.truncf %get3A_22 : vector<64x64xf32> to vector<64x64xbf16>
    %convert_element_type3A_53 = arith.truncf %select_n3A_52 : vector<64x3136xf32> to vector<64x3136xbf16>
    %dot_general3A = arith.constant dense<0.000000e+00> : vector<64x3136xf32>
    %dot_general3A_54 = tpu.matmul %convert_element_type3A, %convert_element_type3A_53, %dot_general3A {dimension_numbers = #tpu.dot_dimension_numbers<[1], [0], [0], [1], [0, 0, 1, 1], [], []>, transpose_lhs_hint = false} : vector<64x64xbf16>, vector<64x3136xbf16>, vector<64x3136xf32> -> vector<64x3136xf32>
    %add3A_55 = arith.addf %broadcast_in_dim3A_17, %dot_general3A_54 : vector<64x3136xf32>
    %get3A_56 = arith.constant 1 : index
    %get3A_57 = arith.constant 0 : index
    %get3A_58 = arith.constant 0 : index
    %get3A_59 = vector.load %arg2[%get3A_56, %get3A_57, %get3A_58] : memref<9x64x64xf32, #tpu.memory_space<vmem>>, vector<1x64x64xf32>
    %get3A_60 = vector.shape_cast %get3A_59 : vector<1x64x64xf32> to vector<64x64xf32>
    %broadcast_in_dim3A_61 = arith.constant 0.000000e+00 : f32
    %broadcast_in_dim3A_62 = vector.broadcast %broadcast_in_dim3A_61 : f32 to vector<64x56xf32>
    %slice3A_63 = vector.extract_strided_slice %select_n3A {offsets = [0, 0], sizes = [64, 3080], strides = [1, 1]} : vector<64x3136xf32> to vector<64x3080xf32>
    %concatenate3A_64 = tpu.concatenate %broadcast_in_dim3A_62, %slice3A_63 in 1 : vector<64x56xf32>, vector<64x3080xf32> -> vector<64x3136xf32>
    %convert_element_type3A_65 = arith.truncf %get3A_60 : vector<64x64xf32> to vector<64x64xbf16>
    %convert_element_type3A_66 = arith.truncf %concatenate3A_64 : vector<64x3136xf32> to vector<64x3136xbf16>
    %dot_general3A_67 = arith.constant dense<0.000000e+00> : vector<64x3136xf32>
    %dot_general3A_68 = tpu.matmul %convert_element_type3A_65, %convert_element_type3A_66, %dot_general3A_67 {dimension_numbers = #tpu.dot_dimension_numbers<[1], [0], [0], [1], [0, 0, 1, 1], [], []>, transpose_lhs_hint = false} : vector<64x64xbf16>, vector<64x3136xbf16>, vector<64x3136xf32> -> vector<64x3136xf32>
    %add3A_69 = arith.addf %add3A_55, %dot_general3A_68 : vector<64x3136xf32>
    %get3A_70 = arith.constant 2 : index
    %get3A_71 = arith.constant 0 : index
    %get3A_72 = arith.constant 0 : index
    %get3A_73 = vector.load %arg2[%get3A_70, %get3A_71, %get3A_72] : memref<9x64x64xf32, #tpu.memory_space<vmem>>, vector<1x64x64xf32>
    %get3A_74 = vector.shape_cast %get3A_73 : vector<1x64x64xf32> to vector<64x64xf32>
    %broadcast_in_dim3A_75 = arith.constant 0.000000e+00 : f32
    %broadcast_in_dim3A_76 = vector.broadcast %broadcast_in_dim3A_75 : f32 to vector<64x56xf32>
    %slice3A_77 = vector.extract_strided_slice %select_n3A {offsets = [0, 0], sizes = [64, 3080], strides = [1, 1]} : vector<64x3136xf32> to vector<64x3080xf32>
    %concatenate3A_78 = tpu.concatenate %broadcast_in_dim3A_76, %slice3A_77 in 1 : vector<64x56xf32>, vector<64x3080xf32> -> vector<64x3136xf32>
    %slice3A_79 = vector.extract_strided_slice %concatenate3A_78 {offsets = [0, 1], sizes = [64, 3135], strides = [1, 1]} : vector<64x3136xf32> to vector<64x3135xf32>
    %broadcast_in_dim3A_80 = arith.constant 0.000000e+00 : f32
    %broadcast_in_dim3A_81 = vector.broadcast %broadcast_in_dim3A_80 : f32 to vector<64x1xf32>
    %concatenate3A_82 = tpu.concatenate %slice3A_79, %broadcast_in_dim3A_81 in 1 : vector<64x3135xf32>, vector<64x1xf32> -> vector<64x3136xf32>
    %iota3A_83 = tpu.iota {dimensions = array<i32: 1>} : vector<1x3136xi32>
    %jit3A_84 = arith.constant 56 : i32
    %eq3A_85 = arith.constant 0 : i32
    %eq3A_86 = arith.cmpi eq, %jit3A_84, %eq3A_85 : i32
    %jit3A_87 = arith.constant 1 : i32
    %select_n3A_88 = arith.select %eq3A_86, %jit3A_87, %jit3A_84 : i32
    %rem3A_89 = vector.broadcast %select_n3A_88 : i32 to vector<1x3136xi32>
    %rem3A_90 = arith.remsi %iota3A_83, %rem3A_89 : vector<1x3136xi32>
    %ne3A_91 = arith.constant 0 : i32
    %ne3A_92 = vector.broadcast %ne3A_91 : i32 to vector<1x3136xi32>
    %ne3A_93 = arith.cmpi ne, %rem3A_90, %ne3A_92 : vector<1x3136xi32>
    %lt3A_94 = arith.constant 0 : i32
    %lt3A_95 = vector.broadcast %lt3A_94 : i32 to vector<1x3136xi32>
    %lt3A_96 = arith.cmpi slt, %rem3A_90, %lt3A_95 : vector<1x3136xi32>
    %lt3A_97 = arith.constant 0 : i32
    %lt3A_98 = arith.cmpi slt, %select_n3A_88, %lt3A_97 : i32
    %ne3A_99 = vector.broadcast %lt3A_98 : i1 to vector<1x3136xi1>
    %ne3A_100 = vector.broadcast %ne3A_99 : vector<1x3136xi1> to vector<1x3136xi1>
    %ne3A_101 = arith.xori %lt3A_96, %ne3A_100 : vector<1x3136xi1>
    %and3A_102 = arith.andi %ne3A_101, %ne3A_93 : vector<1x3136xi1>
    %add3A_103 = vector.broadcast %select_n3A_88 : i32 to vector<1x3136xi32>
    %add3A_104 = arith.addi %rem3A_90, %add3A_103 : vector<1x3136xi32>
    %select_n3A_105 = arith.select %and3A_102, %add3A_104, %rem3A_90 : vector<1x3136xi1>, vector<1x3136xi32>
    %eq3A_106 = arith.constant 55 : i32
    %eq3A_107 = vector.broadcast %eq3A_106 : i32 to vector<1x3136xi32>
    %eq3A_108 = arith.cmpi eq, %select_n3A_105, %eq3A_107 : vector<1x3136xi32>
    %broadcast_in_dim3A_109 = arith.constant 0.000000e+00 : f32
    %broadcast_in_dim3A_110 = vector.broadcast %broadcast_in_dim3A_109 : f32 to vector<64x3136xf32>
    %broadcast_in_dim3A_111 = vector.shape_cast %eq3A_108 : vector<1x3136xi1> to vector<1x3136xi1>
    %broadcast_in_dim3A_112 = vector.broadcast %broadcast_in_dim3A_111 : vector<1x3136xi1> to vector<64x3136xi1>
    %select_n3A_113 = arith.select %broadcast_in_dim3A_112, %broadcast_in_dim3A_110, %concatenate3A_82 : vector<64x3136xi1>, vector<64x3136xf32>
    %convert_element_type3A_114 = arith.truncf %get3A_74 : vector<64x64xf32> to vector<64x64xbf16>
    %convert_element_type3A_115 = arith.truncf %select_n3A_113 : vector<64x3136xf32> to vector<64x3136xbf16>
    %dot_general3A_116 = arith.constant dense<0.000000e+00> : vector<64x3136xf32>
    %dot_general3A_117 = tpu.matmul %convert_element_type3A_114, %convert_element_type3A_115, %dot_general3A_116 {dimension_numbers = #tpu.dot_dimension_numbers<[1], [0], [0], [1], [0, 0, 1, 1], [], []>, transpose_lhs_hint = false} : vector<64x64xbf16>, vector<64x3136xbf16>, vector<64x3136xf32> -> vector<64x3136xf32>
    %add3A_118 = arith.addf %add3A_69, %dot_general3A_117 : vector<64x3136xf32>
    %get3A_119 = arith.constant 3 : index
    %get3A_120 = arith.constant 0 : index
    %get3A_121 = arith.constant 0 : index
    %get3A_122 = vector.load %arg2[%get3A_119, %get3A_120, %get3A_121] : memref<9x64x64xf32, #tpu.memory_space<vmem>>, vector<1x64x64xf32>
    %get3A_123 = vector.shape_cast %get3A_122 : vector<1x64x64xf32> to vector<64x64xf32>
    %broadcast_in_dim3A_124 = arith.constant 0.000000e+00 : f32
    %broadcast_in_dim3A_125 = vector.broadcast %broadcast_in_dim3A_124 : f32 to vector<64x1xf32>
    %slice3A_126 = vector.extract_strided_slice %select_n3A {offsets = [0, 0], sizes = [64, 3135], strides = [1, 1]} : vector<64x3136xf32> to vector<64x3135xf32>
    %concatenate3A_127 = tpu.concatenate %broadcast_in_dim3A_125, %slice3A_126 in 1 : vector<64x1xf32>, vector<64x3135xf32> -> vector<64x3136xf32>
    %iota3A_128 = tpu.iota {dimensions = array<i32: 1>} : vector<1x3136xi32>
    %jit3A_129 = arith.constant 56 : i32
    %eq3A_130 = arith.constant 0 : i32
    %eq3A_131 = arith.cmpi eq, %jit3A_129, %eq3A_130 : i32
    %jit3A_132 = arith.constant 1 : i32
    %select_n3A_133 = arith.select %eq3A_131, %jit3A_132, %jit3A_129 : i32
    %rem3A_134 = vector.broadcast %select_n3A_133 : i32 to vector<1x3136xi32>
    %rem3A_135 = arith.remsi %iota3A_128, %rem3A_134 : vector<1x3136xi32>
    %ne3A_136 = arith.constant 0 : i32
    %ne3A_137 = vector.broadcast %ne3A_136 : i32 to vector<1x3136xi32>
    %ne3A_138 = arith.cmpi ne, %rem3A_135, %ne3A_137 : vector<1x3136xi32>
    %lt3A_139 = arith.constant 0 : i32
    %lt3A_140 = vector.broadcast %lt3A_139 : i32 to vector<1x3136xi32>
    %lt3A_141 = arith.cmpi slt, %rem3A_135, %lt3A_140 : vector<1x3136xi32>
    %lt3A_142 = arith.constant 0 : i32
    %lt3A_143 = arith.cmpi slt, %select_n3A_133, %lt3A_142 : i32
    %ne3A_144 = vector.broadcast %lt3A_143 : i1 to vector<1x3136xi1>
    %ne3A_145 = vector.broadcast %ne3A_144 : vector<1x3136xi1> to vector<1x3136xi1>
    %ne3A_146 = arith.xori %lt3A_141, %ne3A_145 : vector<1x3136xi1>
    %and3A_147 = arith.andi %ne3A_146, %ne3A_138 : vector<1x3136xi1>
    %add3A_148 = vector.broadcast %select_n3A_133 : i32 to vector<1x3136xi32>
    %add3A_149 = arith.addi %rem3A_135, %add3A_148 : vector<1x3136xi32>
    %select_n3A_150 = arith.select %and3A_147, %add3A_149, %rem3A_135 : vector<1x3136xi1>, vector<1x3136xi32>
    %eq3A_151 = arith.constant 0 : i32
    %eq3A_152 = vector.broadcast %eq3A_151 : i32 to vector<1x3136xi32>
    %eq3A_153 = arith.cmpi eq, %select_n3A_150, %eq3A_152 : vector<1x3136xi32>
    %broadcast_in_dim3A_154 = arith.constant 0.000000e+00 : f32
    %broadcast_in_dim3A_155 = vector.broadcast %broadcast_in_dim3A_154 : f32 to vector<64x3136xf32>
    %broadcast_in_dim3A_156 = vector.shape_cast %eq3A_153 : vector<1x3136xi1> to vector<1x3136xi1>
    %broadcast_in_dim3A_157 = vector.broadcast %broadcast_in_dim3A_156 : vector<1x3136xi1> to vector<64x3136xi1>
    %select_n3A_158 = arith.select %broadcast_in_dim3A_157, %broadcast_in_dim3A_155, %concatenate3A_127 : vector<64x3136xi1>, vector<64x3136xf32>
    %convert_element_type3A_159 = arith.truncf %get3A_123 : vector<64x64xf32> to vector<64x64xbf16>
    %convert_element_type3A_160 = arith.truncf %select_n3A_158 : vector<64x3136xf32> to vector<64x3136xbf16>
    %dot_general3A_161 = arith.constant dense<0.000000e+00> : vector<64x3136xf32>
    %dot_general3A_162 = tpu.matmul %convert_element_type3A_159, %convert_element_type3A_160, %dot_general3A_161 {dimension_numbers = #tpu.dot_dimension_numbers<[1], [0], [0], [1], [0, 0, 1, 1], [], []>, transpose_lhs_hint = false} : vector<64x64xbf16>, vector<64x3136xbf16>, vector<64x3136xf32> -> vector<64x3136xf32>
    %add3A_163 = arith.addf %add3A_118, %dot_general3A_162 : vector<64x3136xf32>
    %get3A_164 = arith.constant 4 : index
    %get3A_165 = arith.constant 0 : index
    %get3A_166 = arith.constant 0 : index
    %get3A_167 = vector.load %arg2[%get3A_164, %get3A_165, %get3A_166] : memref<9x64x64xf32, #tpu.memory_space<vmem>>, vector<1x64x64xf32>
    %get3A_168 = vector.shape_cast %get3A_167 : vector<1x64x64xf32> to vector<64x64xf32>
    %convert_element_type3A_169 = arith.truncf %get3A_168 : vector<64x64xf32> to vector<64x64xbf16>
    %convert_element_type3A_170 = arith.truncf %select_n3A : vector<64x3136xf32> to vector<64x3136xbf16>
    %dot_general3A_171 = arith.constant dense<0.000000e+00> : vector<64x3136xf32>
    %dot_general3A_172 = tpu.matmul %convert_element_type3A_169, %convert_element_type3A_170, %dot_general3A_171 {dimension_numbers = #tpu.dot_dimension_numbers<[1], [0], [0], [1], [0, 0, 1, 1], [], []>, transpose_lhs_hint = false} : vector<64x64xbf16>, vector<64x3136xbf16>, vector<64x3136xf32> -> vector<64x3136xf32>
    %add3A_173 = arith.addf %add3A_163, %dot_general3A_172 : vector<64x3136xf32>
    %get3A_174 = arith.constant 5 : index
    %get3A_175 = arith.constant 0 : index
    %get3A_176 = arith.constant 0 : index
    %get3A_177 = vector.load %arg2[%get3A_174, %get3A_175, %get3A_176] : memref<9x64x64xf32, #tpu.memory_space<vmem>>, vector<1x64x64xf32>
    %get3A_178 = vector.shape_cast %get3A_177 : vector<1x64x64xf32> to vector<64x64xf32>
    %slice3A_179 = vector.extract_strided_slice %select_n3A {offsets = [0, 1], sizes = [64, 3135], strides = [1, 1]} : vector<64x3136xf32> to vector<64x3135xf32>
    %broadcast_in_dim3A_180 = arith.constant 0.000000e+00 : f32
    %broadcast_in_dim3A_181 = vector.broadcast %broadcast_in_dim3A_180 : f32 to vector<64x1xf32>
    %concatenate3A_182 = tpu.concatenate %slice3A_179, %broadcast_in_dim3A_181 in 1 : vector<64x3135xf32>, vector<64x1xf32> -> vector<64x3136xf32>
    %iota3A_183 = tpu.iota {dimensions = array<i32: 1>} : vector<1x3136xi32>
    %jit3A_184 = arith.constant 56 : i32
    %eq3A_185 = arith.constant 0 : i32
    %eq3A_186 = arith.cmpi eq, %jit3A_184, %eq3A_185 : i32
    %jit3A_187 = arith.constant 1 : i32
    %select_n3A_188 = arith.select %eq3A_186, %jit3A_187, %jit3A_184 : i32
    %rem3A_189 = vector.broadcast %select_n3A_188 : i32 to vector<1x3136xi32>
    %rem3A_190 = arith.remsi %iota3A_183, %rem3A_189 : vector<1x3136xi32>
    %ne3A_191 = arith.constant 0 : i32
    %ne3A_192 = vector.broadcast %ne3A_191 : i32 to vector<1x3136xi32>
    %ne3A_193 = arith.cmpi ne, %rem3A_190, %ne3A_192 : vector<1x3136xi32>
    %lt3A_194 = arith.constant 0 : i32
    %lt3A_195 = vector.broadcast %lt3A_194 : i32 to vector<1x3136xi32>
    %lt3A_196 = arith.cmpi slt, %rem3A_190, %lt3A_195 : vector<1x3136xi32>
    %lt3A_197 = arith.constant 0 : i32
    %lt3A_198 = arith.cmpi slt, %select_n3A_188, %lt3A_197 : i32
    %ne3A_199 = vector.broadcast %lt3A_198 : i1 to vector<1x3136xi1>
    %ne3A_200 = vector.broadcast %ne3A_199 : vector<1x3136xi1> to vector<1x3136xi1>
    %ne3A_201 = arith.xori %lt3A_196, %ne3A_200 : vector<1x3136xi1>
    %and3A_202 = arith.andi %ne3A_201, %ne3A_193 : vector<1x3136xi1>
    %add3A_203 = vector.broadcast %select_n3A_188 : i32 to vector<1x3136xi32>
    %add3A_204 = arith.addi %rem3A_190, %add3A_203 : vector<1x3136xi32>
    %select_n3A_205 = arith.select %and3A_202, %add3A_204, %rem3A_190 : vector<1x3136xi1>, vector<1x3136xi32>
    %eq3A_206 = arith.constant 55 : i32
    %eq3A_207 = vector.broadcast %eq3A_206 : i32 to vector<1x3136xi32>
    %eq3A_208 = arith.cmpi eq, %select_n3A_205, %eq3A_207 : vector<1x3136xi32>
    %broadcast_in_dim3A_209 = arith.constant 0.000000e+00 : f32
    %broadcast_in_dim3A_210 = vector.broadcast %broadcast_in_dim3A_209 : f32 to vector<64x3136xf32>
    %broadcast_in_dim3A_211 = vector.shape_cast %eq3A_208 : vector<1x3136xi1> to vector<1x3136xi1>
    %broadcast_in_dim3A_212 = vector.broadcast %broadcast_in_dim3A_211 : vector<1x3136xi1> to vector<64x3136xi1>
    %select_n3A_213 = arith.select %broadcast_in_dim3A_212, %broadcast_in_dim3A_210, %concatenate3A_182 : vector<64x3136xi1>, vector<64x3136xf32>
    %convert_element_type3A_214 = arith.truncf %get3A_178 : vector<64x64xf32> to vector<64x64xbf16>
    %convert_element_type3A_215 = arith.truncf %select_n3A_213 : vector<64x3136xf32> to vector<64x3136xbf16>
    %dot_general3A_216 = arith.constant dense<0.000000e+00> : vector<64x3136xf32>
    %dot_general3A_217 = tpu.matmul %convert_element_type3A_214, %convert_element_type3A_215, %dot_general3A_216 {dimension_numbers = #tpu.dot_dimension_numbers<[1], [0], [0], [1], [0, 0, 1, 1], [], []>, transpose_lhs_hint = false} : vector<64x64xbf16>, vector<64x3136xbf16>, vector<64x3136xf32> -> vector<64x3136xf32>
    %add3A_218 = arith.addf %add3A_173, %dot_general3A_217 : vector<64x3136xf32>
    %get3A_219 = arith.constant 6 : index
    %get3A_220 = arith.constant 0 : index
    %get3A_221 = arith.constant 0 : index
    %get3A_222 = vector.load %arg2[%get3A_219, %get3A_220, %get3A_221] : memref<9x64x64xf32, #tpu.memory_space<vmem>>, vector<1x64x64xf32>
    %get3A_223 = vector.shape_cast %get3A_222 : vector<1x64x64xf32> to vector<64x64xf32>
    %slice3A_224 = vector.extract_strided_slice %select_n3A {offsets = [0, 56], sizes = [64, 3080], strides = [1, 1]} : vector<64x3136xf32> to vector<64x3080xf32>
    %broadcast_in_dim3A_225 = arith.constant 0.000000e+00 : f32
    %broadcast_in_dim3A_226 = vector.broadcast %broadcast_in_dim3A_225 : f32 to vector<64x56xf32>
    %concatenate3A_227 = tpu.concatenate %slice3A_224, %broadcast_in_dim3A_226 in 1 : vector<64x3080xf32>, vector<64x56xf32> -> vector<64x3136xf32>
    %broadcast_in_dim3A_228 = arith.constant 0.000000e+00 : f32
    %broadcast_in_dim3A_229 = vector.broadcast %broadcast_in_dim3A_228 : f32 to vector<64x1xf32>
    %slice3A_230 = vector.extract_strided_slice %concatenate3A_227 {offsets = [0, 0], sizes = [64, 3135], strides = [1, 1]} : vector<64x3136xf32> to vector<64x3135xf32>
    %concatenate3A_231 = tpu.concatenate %broadcast_in_dim3A_229, %slice3A_230 in 1 : vector<64x1xf32>, vector<64x3135xf32> -> vector<64x3136xf32>
    %iota3A_232 = tpu.iota {dimensions = array<i32: 1>} : vector<1x3136xi32>
    %jit3A_233 = arith.constant 56 : i32
    %eq3A_234 = arith.constant 0 : i32
    %eq3A_235 = arith.cmpi eq, %jit3A_233, %eq3A_234 : i32
    %jit3A_236 = arith.constant 1 : i32
    %select_n3A_237 = arith.select %eq3A_235, %jit3A_236, %jit3A_233 : i32
    %rem3A_238 = vector.broadcast %select_n3A_237 : i32 to vector<1x3136xi32>
    %rem3A_239 = arith.remsi %iota3A_232, %rem3A_238 : vector<1x3136xi32>
    %ne3A_240 = arith.constant 0 : i32
    %ne3A_241 = vector.broadcast %ne3A_240 : i32 to vector<1x3136xi32>
    %ne3A_242 = arith.cmpi ne, %rem3A_239, %ne3A_241 : vector<1x3136xi32>
    %lt3A_243 = arith.constant 0 : i32
    %lt3A_244 = vector.broadcast %lt3A_243 : i32 to vector<1x3136xi32>
    %lt3A_245 = arith.cmpi slt, %rem3A_239, %lt3A_244 : vector<1x3136xi32>
    %lt3A_246 = arith.constant 0 : i32
    %lt3A_247 = arith.cmpi slt, %select_n3A_237, %lt3A_246 : i32
    %ne3A_248 = vector.broadcast %lt3A_247 : i1 to vector<1x3136xi1>
    %ne3A_249 = vector.broadcast %ne3A_248 : vector<1x3136xi1> to vector<1x3136xi1>
    %ne3A_250 = arith.xori %lt3A_245, %ne3A_249 : vector<1x3136xi1>
    %and3A_251 = arith.andi %ne3A_250, %ne3A_242 : vector<1x3136xi1>
    %add3A_252 = vector.broadcast %select_n3A_237 : i32 to vector<1x3136xi32>
    %add3A_253 = arith.addi %rem3A_239, %add3A_252 : vector<1x3136xi32>
    %select_n3A_254 = arith.select %and3A_251, %add3A_253, %rem3A_239 : vector<1x3136xi1>, vector<1x3136xi32>
    %eq3A_255 = arith.constant 0 : i32
    %eq3A_256 = vector.broadcast %eq3A_255 : i32 to vector<1x3136xi32>
    %eq3A_257 = arith.cmpi eq, %select_n3A_254, %eq3A_256 : vector<1x3136xi32>
    %broadcast_in_dim3A_258 = arith.constant 0.000000e+00 : f32
    %broadcast_in_dim3A_259 = vector.broadcast %broadcast_in_dim3A_258 : f32 to vector<64x3136xf32>
    %broadcast_in_dim3A_260 = vector.shape_cast %eq3A_257 : vector<1x3136xi1> to vector<1x3136xi1>
    %broadcast_in_dim3A_261 = vector.broadcast %broadcast_in_dim3A_260 : vector<1x3136xi1> to vector<64x3136xi1>
    %select_n3A_262 = arith.select %broadcast_in_dim3A_261, %broadcast_in_dim3A_259, %concatenate3A_231 : vector<64x3136xi1>, vector<64x3136xf32>
    %convert_element_type3A_263 = arith.truncf %get3A_223 : vector<64x64xf32> to vector<64x64xbf16>
    %convert_element_type3A_264 = arith.truncf %select_n3A_262 : vector<64x3136xf32> to vector<64x3136xbf16>
    %dot_general3A_265 = arith.constant dense<0.000000e+00> : vector<64x3136xf32>
    %dot_general3A_266 = tpu.matmul %convert_element_type3A_263, %convert_element_type3A_264, %dot_general3A_265 {dimension_numbers = #tpu.dot_dimension_numbers<[1], [0], [0], [1], [0, 0, 1, 1], [], []>, transpose_lhs_hint = false} : vector<64x64xbf16>, vector<64x3136xbf16>, vector<64x3136xf32> -> vector<64x3136xf32>
    %add3A_267 = arith.addf %add3A_218, %dot_general3A_266 : vector<64x3136xf32>
    %get3A_268 = arith.constant 7 : index
    %get3A_269 = arith.constant 0 : index
    %get3A_270 = arith.constant 0 : index
    %get3A_271 = vector.load %arg2[%get3A_268, %get3A_269, %get3A_270] : memref<9x64x64xf32, #tpu.memory_space<vmem>>, vector<1x64x64xf32>
    %get3A_272 = vector.shape_cast %get3A_271 : vector<1x64x64xf32> to vector<64x64xf32>
    %slice3A_273 = vector.extract_strided_slice %select_n3A {offsets = [0, 56], sizes = [64, 3080], strides = [1, 1]} : vector<64x3136xf32> to vector<64x3080xf32>
    %broadcast_in_dim3A_274 = arith.constant 0.000000e+00 : f32
    %broadcast_in_dim3A_275 = vector.broadcast %broadcast_in_dim3A_274 : f32 to vector<64x56xf32>
    %concatenate3A_276 = tpu.concatenate %slice3A_273, %broadcast_in_dim3A_275 in 1 : vector<64x3080xf32>, vector<64x56xf32> -> vector<64x3136xf32>
    %convert_element_type3A_277 = arith.truncf %get3A_272 : vector<64x64xf32> to vector<64x64xbf16>
    %convert_element_type3A_278 = arith.truncf %concatenate3A_276 : vector<64x3136xf32> to vector<64x3136xbf16>
    %dot_general3A_279 = arith.constant dense<0.000000e+00> : vector<64x3136xf32>
    %dot_general3A_280 = tpu.matmul %convert_element_type3A_277, %convert_element_type3A_278, %dot_general3A_279 {dimension_numbers = #tpu.dot_dimension_numbers<[1], [0], [0], [1], [0, 0, 1, 1], [], []>, transpose_lhs_hint = false} : vector<64x64xbf16>, vector<64x3136xbf16>, vector<64x3136xf32> -> vector<64x3136xf32>
    %add3A_281 = arith.addf %add3A_267, %dot_general3A_280 : vector<64x3136xf32>
    %get3A_282 = arith.constant 8 : index
    %get3A_283 = arith.constant 0 : index
    %get3A_284 = arith.constant 0 : index
    %get3A_285 = vector.load %arg2[%get3A_282, %get3A_283, %get3A_284] : memref<9x64x64xf32, #tpu.memory_space<vmem>>, vector<1x64x64xf32>
    %get3A_286 = vector.shape_cast %get3A_285 : vector<1x64x64xf32> to vector<64x64xf32>
    %slice3A_287 = vector.extract_strided_slice %select_n3A {offsets = [0, 56], sizes = [64, 3080], strides = [1, 1]} : vector<64x3136xf32> to vector<64x3080xf32>
    %broadcast_in_dim3A_288 = arith.constant 0.000000e+00 : f32
    %broadcast_in_dim3A_289 = vector.broadcast %broadcast_in_dim3A_288 : f32 to vector<64x56xf32>
    %concatenate3A_290 = tpu.concatenate %slice3A_287, %broadcast_in_dim3A_289 in 1 : vector<64x3080xf32>, vector<64x56xf32> -> vector<64x3136xf32>
    %slice3A_291 = vector.extract_strided_slice %concatenate3A_290 {offsets = [0, 1], sizes = [64, 3135], strides = [1, 1]} : vector<64x3136xf32> to vector<64x3135xf32>
    %broadcast_in_dim3A_292 = arith.constant 0.000000e+00 : f32
    %broadcast_in_dim3A_293 = vector.broadcast %broadcast_in_dim3A_292 : f32 to vector<64x1xf32>
    %concatenate3A_294 = tpu.concatenate %slice3A_291, %broadcast_in_dim3A_293 in 1 : vector<64x3135xf32>, vector<64x1xf32> -> vector<64x3136xf32>
    %iota3A_295 = tpu.iota {dimensions = array<i32: 1>} : vector<1x3136xi32>
    %jit3A_296 = arith.constant 56 : i32
    %eq3A_297 = arith.constant 0 : i32
    %eq3A_298 = arith.cmpi eq, %jit3A_296, %eq3A_297 : i32
    %jit3A_299 = arith.constant 1 : i32
    %select_n3A_300 = arith.select %eq3A_298, %jit3A_299, %jit3A_296 : i32
    %rem3A_301 = vector.broadcast %select_n3A_300 : i32 to vector<1x3136xi32>
    %rem3A_302 = arith.remsi %iota3A_295, %rem3A_301 : vector<1x3136xi32>
    %ne3A_303 = arith.constant 0 : i32
    %ne3A_304 = vector.broadcast %ne3A_303 : i32 to vector<1x3136xi32>
    %ne3A_305 = arith.cmpi ne, %rem3A_302, %ne3A_304 : vector<1x3136xi32>
    %lt3A_306 = arith.constant 0 : i32
    %lt3A_307 = vector.broadcast %lt3A_306 : i32 to vector<1x3136xi32>
    %lt3A_308 = arith.cmpi slt, %rem3A_302, %lt3A_307 : vector<1x3136xi32>
    %lt3A_309 = arith.constant 0 : i32
    %lt3A_310 = arith.cmpi slt, %select_n3A_300, %lt3A_309 : i32
    %ne3A_311 = vector.broadcast %lt3A_310 : i1 to vector<1x3136xi1>
    %ne3A_312 = vector.broadcast %ne3A_311 : vector<1x3136xi1> to vector<1x3136xi1>
    %ne3A_313 = arith.xori %lt3A_308, %ne3A_312 : vector<1x3136xi1>
    %and3A_314 = arith.andi %ne3A_313, %ne3A_305 : vector<1x3136xi1>
    %add3A_315 = vector.broadcast %select_n3A_300 : i32 to vector<1x3136xi32>
    %add3A_316 = arith.addi %rem3A_302, %add3A_315 : vector<1x3136xi32>
    %select_n3A_317 = arith.select %and3A_314, %add3A_316, %rem3A_302 : vector<1x3136xi1>, vector<1x3136xi32>
    %eq3A_318 = arith.constant 55 : i32
    %eq3A_319 = vector.broadcast %eq3A_318 : i32 to vector<1x3136xi32>
    %eq3A_320 = arith.cmpi eq, %select_n3A_317, %eq3A_319 : vector<1x3136xi32>
    %broadcast_in_dim3A_321 = arith.constant 0.000000e+00 : f32
    %broadcast_in_dim3A_322 = vector.broadcast %broadcast_in_dim3A_321 : f32 to vector<64x3136xf32>
    %broadcast_in_dim3A_323 = vector.shape_cast %eq3A_320 : vector<1x3136xi1> to vector<1x3136xi1>
    %broadcast_in_dim3A_324 = vector.broadcast %broadcast_in_dim3A_323 : vector<1x3136xi1> to vector<64x3136xi1>
    %select_n3A_325 = arith.select %broadcast_in_dim3A_324, %broadcast_in_dim3A_322, %concatenate3A_294 : vector<64x3136xi1>, vector<64x3136xf32>
    %convert_element_type3A_326 = arith.truncf %get3A_286 : vector<64x64xf32> to vector<64x64xbf16>
    %convert_element_type3A_327 = arith.truncf %select_n3A_325 : vector<64x3136xf32> to vector<64x3136xbf16>
    %dot_general3A_328 = arith.constant dense<0.000000e+00> : vector<64x3136xf32>
    %dot_general3A_329 = tpu.matmul %convert_element_type3A_326, %convert_element_type3A_327, %dot_general3A_328 {dimension_numbers = #tpu.dot_dimension_numbers<[1], [0], [0], [1], [0, 0, 1, 1], [], []>, transpose_lhs_hint = false} : vector<64x64xbf16>, vector<64x3136xbf16>, vector<64x3136xf32> -> vector<64x3136xf32>
    %add3A_330 = arith.addf %add3A_281, %dot_general3A_329 : vector<64x3136xf32>
    %get3A_331 = arith.constant 0 : index
    %get3A_332 = arith.constant 0 : index
    %get3A_333 = vector.load %arg3[%get3A_331, %get3A_332] : memref<64x1xf32, #tpu.memory_space<vmem>>, vector<64x1xf32>
    %add3A_334 = vector.broadcast %get3A_333 : vector<64x1xf32> to vector<64x3136xf32>
    %add3A_335 = arith.addf %add3A_330, %add3A_334 : vector<64x3136xf32>
    %swap3A = arith.constant 0 : index
    %swap3A_336 = arith.constant 0 : index
    %swap3A_337 = arith.constant 0 : index
    %swap3A_338 = vector.load %arg6[%swap3A, %swap3A_336, %swap3A_337] : memref<1x64x3136xf32, #tpu.memory_space<vmem>>, vector<1x64x3136xf32>
    %swap3A_339 = vector.shape_cast %swap3A_338 : vector<1x64x3136xf32> to vector<64x3136xf32>
    %swap3A_340 = vector.shape_cast %add3A_335 : vector<64x3136xf32> to vector<1x64x3136xf32>
    tpu.vector_store %arg6[%swap3A, %swap3A_336, %swap3A_337], %swap3A_340 {strides = array<i32>} : memref<1x64x3136xf32, #tpu.memory_space<vmem>>, vector<1x64x3136xf32>,
    %reduce_sum3A = arith.constant dense<0.000000e+00> : vector<64xf32>
    %reduce_sum3A_341 = vector.multi_reduction <add>, %add3A_335, %reduce_sum3A [1] : vector<64x3136xf32> to vector<64xf32>
    %broadcast_in_dim3A_342 = vector.shape_cast %reduce_sum3A_341 : vector<64xf32> to vector<64x1xf32>
    %mul3A_343 = arith.mulf %add3A_335, %add3A_335 : vector<64x3136xf32>
    %reduce_sum3A_344 = arith.constant dense<0.000000e+00> : vector<64xf32>
    %reduce_sum3A_345 = vector.multi_reduction <add>, %mul3A_343, %reduce_sum3A_344 [1] : vector<64x3136xf32> to vector<64xf32>
    %broadcast_in_dim3A_346 = vector.shape_cast %reduce_sum3A_345 : vector<64xf32> to vector<64x1xf32>
    %eq3A_347 = arith.constant 0 : i32
    %eq3A_348 = arith.cmpi eq, %arg0, %eq3A_347 : i32
    %convert_element_type3A_349 = arith.extui %eq3A_348 : i1 to i32
    %cond3A = arith.constant 0 : i32
    %cond3A_350 = arith.cmpi ne, %convert_element_type3A_349, %cond3A : i32
    scf.if %cond3A_350 {
      %swap3A_355 = arith.constant 0 : index
      %swap3A_356 = arith.constant 0 : index
      %swap3A_357 = vector.load %arg7[%swap3A_355, %swap3A_356] : memref<64x1xf32, #tpu.memory_space<vmem>>, vector<64x1xf32>
      tpu.vector_store %arg7[%swap3A_355, %swap3A_356], %broadcast_in_dim3A_342 {strides = array<i32>} : memref<64x1xf32, #tpu.memory_space<vmem>>, vector<64x1xf32>,
      %swap3A_358 = arith.constant 0 : index
      %swap3A_359 = arith.constant 0 : index
      %swap3A_360 = vector.load %arg8[%swap3A_358, %swap3A_359] : memref<64x1xf32, #tpu.memory_space<vmem>>, vector<64x1xf32>
      tpu.vector_store %arg8[%swap3A_358, %swap3A_359], %broadcast_in_dim3A_346 {strides = array<i32>} : memref<64x1xf32, #tpu.memory_space<vmem>>, vector<64x1xf32>,
    } else {
    }
    %gt3A = arith.constant 0 : i32
    %gt3A_351 = arith.cmpi sgt, %arg0, %gt3A : i32
    %convert_element_type3A_352 = arith.extui %gt3A_351 : i1 to i32
    %cond3A_353 = arith.constant 0 : i32
    %cond3A_354 = arith.cmpi ne, %convert_element_type3A_352, %cond3A_353 : i32
    scf.if %cond3A_354 {
      %get3A_355 = arith.constant 0 : index
      %get3A_356 = arith.constant 0 : index
      %get3A_357 = vector.load %arg7[%get3A_355, %get3A_356] : memref<64x1xf32, #tpu.memory_space<vmem>>, vector<64x1xf32>
      %add3A_358 = arith.addf %get3A_357, %broadcast_in_dim3A_342 : vector<64x1xf32>
      %swap3A_359 = arith.constant 0 : index
      %swap3A_360 = arith.constant 0 : index
      %swap3A_361 = vector.load %arg7[%swap3A_359, %swap3A_360] : memref<64x1xf32, #tpu.memory_space<vmem>>, vector<64x1xf32>
      tpu.vector_store %arg7[%swap3A_359, %swap3A_360], %add3A_358 {strides = array<i32>} : memref<64x1xf32, #tpu.memory_space<vmem>>, vector<64x1xf32>,
      %get3A_362 = arith.constant 0 : index
      %get3A_363 = arith.constant 0 : index
      %get3A_364 = vector.load %arg8[%get3A_362, %get3A_363] : memref<64x1xf32, #tpu.memory_space<vmem>>, vector<64x1xf32>
      %add3A_365 = arith.addf %get3A_364, %broadcast_in_dim3A_346 : vector<64x1xf32>
      %swap3A_366 = arith.constant 0 : index
      %swap3A_367 = arith.constant 0 : index
      %swap3A_368 = vector.load %arg8[%swap3A_366, %swap3A_367] : memref<64x1xf32, #tpu.memory_space<vmem>>, vector<64x1xf32>
      tpu.vector_store %arg8[%swap3A_366, %swap3A_367], %add3A_365 {strides = array<i32>} : memref<64x1xf32, #tpu.memory_space<vmem>>, vector<64x1xf32>,
    } else {
    }
    return
  }
  func.func @transform_0(%arg0: i32) -> (i32, i32, i32) {
    %c0_i32 = arith.constant 0 : i32
    %c0_i32_0 = arith.constant 0 : i32
    %c0_i32_1 = arith.constant 0 : i32
    return %arg0, %c0_i32, %c0_i32_0 : i32, i32, i32
  }
  func.func @transform_1(%arg0: i32) -> (i32, i32, i32) {
    %c0_i32 = arith.constant 0 : i32
    %c0_i32_0 = arith.constant 0 : i32
    %c0_i32_1 = arith.constant 0 : i32
    %c0_i32_2 = arith.constant 0 : i32
    return %c0_i32, %c0_i32_0, %c0_i32_1 : i32, i32, i32
  }
  func.func @transform_2(%arg0: i32) -> (i32, i32) {
    %c0_i32 = arith.constant 0 : i32
    %c0_i32_0 = arith.constant 0 : i32
    %c0_i32_1 = arith.constant 0 : i32
    return %c0_i32, %c0_i32_0 : i32, i32
  }
  func.func @transform_3(%arg0: i32) -> (i32, i32) {
    %c0_i32 = arith.constant 0 : i32
    %c0_i32_0 = arith.constant 0 : i32
    %c0_i32_1 = arith.constant 0 : i32
    return %c0_i32, %c0_i32_0 : i32, i32
  }
  func.func @transform_4(%arg0: i32) -> (i32, i32) {
    %c0_i32 = arith.constant 0 : i32
    %c0_i32_0 = arith.constant 0 : i32
    %c0_i32_1 = arith.constant 0 : i32
    return %c0_i32, %c0_i32_0 : i32, i32
  }
  func.func @transform_5(%arg0: i32) -> (i32, i32, i32) {
    %c0_i32 = arith.constant 0 : i32
    %c0_i32_0 = arith.constant 0 : i32
    %c0_i32_1 = arith.constant 0 : i32
    return %arg0, %c0_i32, %c0_i32_0 : i32, i32, i32
  }
  func.func @transform_6(%arg0: i32) -> (i32, i32) {
    %c0_i32 = arith.constant 0 : i32
    %c0_i32_0 = arith.constant 0 : i32
    %c0_i32_1 = arith.constant 0 : i32
    return %c0_i32, %c0_i32_0 : i32, i32
  }
  func.func @transform_7(%arg0: i32) -> (i32, i32) {
    %c0_i32 = arith.constant 0 : i32
    %c0_i32_0 = arith.constant 0 : i32
    %c0_i32_1 = arith.constant 0 : i32
    return %c0_i32, %c0_i32_0 : i32, i32
  }
}

module attributes {stable_mosaic.version = 14 : i64} {
  func.func @body(%arg0: i32, %arg1: memref<1x64x3136xf32, #tpu.memory_space<vmem>>, %arg2: memref<64x1xf32, #tpu.memory_space<vmem>>, %arg3: memref<64x1xf32, #tpu.memory_space<vmem>>, %arg4: memref<1024x64xf32, #tpu.memory_space<vmem>>, %arg5: memref<64x1024xf32, #tpu.memory_space<vmem>>, %arg6: memref<1x64x3136xf32, #tpu.memory_space<vmem>>, %arg7: memref<1024x1xf32, #tpu.memory_space<vmem>>, %arg8: memref<1x1xf32, #tpu.memory_space<vmem>>, %arg9: memref<1x1xf32, #tpu.memory_space<vmem>>) attributes {dimension_semantics = [#tpu.dimension_semantics<arbitrary>], iteration_bounds = array<i64: 8>, scalar_prefetch = 0 : i64, scratch_operands = 0 : i64, tpu.core_type = #tpu.core_type<tc>, window_params = [{transform_indices = @transform_0, window_bounds = array<i64: 1, 64, 3136>}, {pipeline_mode = #tpu.pipeline_mode<synchronous>, transform_indices = @transform_1, window_bounds = array<i64: 64, 1>}, {pipeline_mode = #tpu.pipeline_mode<synchronous>, transform_indices = @transform_2, window_bounds = array<i64: 64, 1>}, {pipeline_mode = #tpu.pipeline_mode<synchronous>, transform_indices = @transform_3, window_bounds = array<i64: 1024, 64>}, {pipeline_mode = #tpu.pipeline_mode<synchronous>, transform_indices = @transform_4, window_bounds = array<i64: 64, 1024>}, {transform_indices = @transform_5, window_bounds = array<i64: 1, 64, 3136>}, {pipeline_mode = #tpu.pipeline_mode<synchronous>, transform_indices = @transform_6, window_bounds = array<i64: 1024, 1>}, {pipeline_mode = #tpu.pipeline_mode<synchronous>, transform_indices = @transform_7, window_bounds = array<i64: 1, 1>}, {pipeline_mode = #tpu.pipeline_mode<synchronous>, transform_indices = @transform_8, window_bounds = array<i64: 1, 1>}]} {
    %get3A = arith.constant 0 : index
    %get3A_0 = arith.constant 0 : index
    %get3A_1 = arith.constant 0 : index
    %get3A_2 = vector.load %arg1[%get3A, %get3A_0, %get3A_1] : memref<1x64x3136xf32, #tpu.memory_space<vmem>>, vector<1x64x3136xf32>
    %get3A_3 = vector.shape_cast %get3A_2 : vector<1x64x3136xf32> to vector<64x3136xf32>
    %get3A_4 = arith.constant 0 : index
    %get3A_5 = arith.constant 0 : index
    %get3A_6 = vector.load %arg2[%get3A_4, %get3A_5] : memref<64x1xf32, #tpu.memory_space<vmem>>, vector<64x1xf32>
    %mul3A = vector.broadcast %get3A_6 : vector<64x1xf32> to vector<64x3136xf32>
    %mul3A_7 = arith.mulf %get3A_3, %mul3A : vector<64x3136xf32>
    %get3A_8 = arith.constant 0 : index
    %get3A_9 = arith.constant 0 : index
    %get3A_10 = vector.load %arg3[%get3A_8, %get3A_9] : memref<64x1xf32, #tpu.memory_space<vmem>>, vector<64x1xf32>
    %add3A = vector.broadcast %get3A_10 : vector<64x1xf32> to vector<64x3136xf32>
    %add3A_11 = arith.addf %mul3A_7, %add3A : vector<64x3136xf32>
    %get3A_12 = arith.constant 0 : index
    %get3A_13 = arith.constant 0 : index
    %get3A_14 = vector.load %arg4[%get3A_12, %get3A_13] : memref<1024x64xf32, #tpu.memory_space<vmem>>, vector<1024x64xf32>
    %get3A_15 = arith.constant 0 : index
    %get3A_16 = arith.constant 0 : index
    %get3A_17 = vector.load %arg5[%get3A_15, %get3A_16] : memref<64x1024xf32, #tpu.memory_space<vmem>>, vector<64x1024xf32>
    %mul3A_18 = arith.mulf %get3A_14, %get3A_14 : vector<1024x64xf32>
    %reduce_sum3A = arith.constant dense<0.000000e+00> : vector<1024xf32>
    %reduce_sum3A_19 = vector.multi_reduction <add>, %mul3A_18, %reduce_sum3A [1] : vector<1024x64xf32> to vector<1024xf32>
    %broadcast_in_dim3A = vector.shape_cast %reduce_sum3A_19 : vector<1024xf32> to vector<1024x1xf32>
    %iota3A = tpu.iota {dimensions = array<i32: 0>} : vector<1024x448xi32>
    %broadcast_in_dim3A_20 = arith.constant 0.000000e+00 : f32
    %broadcast_in_dim3A_21 = vector.broadcast %broadcast_in_dim3A_20 : f32 to vector<1024x1xf32>
    %slice3A = vector.extract_strided_slice %add3A_11 {offsets = [0, 0], sizes = [64, 448], strides = [1, 1]} : vector<64x3136xf32> to vector<64x448xf32>
    %mul3A_22 = arith.mulf %slice3A, %slice3A : vector<64x448xf32>
    %reduce_sum3A_23 = arith.constant dense<0.000000e+00> : vector<448xf32>
    %reduce_sum3A_24 = vector.multi_reduction <add>, %mul3A_22, %reduce_sum3A_23 [0] : vector<64x448xf32> to vector<448xf32>
    %broadcast_in_dim3A_25 = vector.shape_cast %reduce_sum3A_24 : vector<448xf32> to vector<1x448xf32>
    %add3A_26 = vector.broadcast %broadcast_in_dim3A_25 : vector<1x448xf32> to vector<1024x448xf32>
    %add3A_27 = vector.broadcast %broadcast_in_dim3A : vector<1024x1xf32> to vector<1024x448xf32>
    %add3A_28 = arith.addf %add3A_26, %add3A_27 : vector<1024x448xf32>
    %convert_element_type3A = arith.truncf %get3A_14 : vector<1024x64xf32> to vector<1024x64xbf16>
    %convert_element_type3A_29 = arith.truncf %slice3A : vector<64x448xf32> to vector<64x448xbf16>
    %dot_general3A = arith.constant dense<0.000000e+00> : vector<1024x448xf32>
    %dot_general3A_30 = tpu.matmul %convert_element_type3A, %convert_element_type3A_29, %dot_general3A {dimension_numbers = #tpu.dot_dimension_numbers<[1], [0], [0], [1], [0, 0, 1, 1], [], []>, transpose_lhs_hint = false} : vector<1024x64xbf16>, vector<64x448xbf16>, vector<1024x448xf32> -> vector<1024x448xf32>
    %mul3A_31 = arith.constant 2.000000e+00 : f32
    %mul3A_32 = vector.broadcast %mul3A_31 : f32 to vector<1024x448xf32>
    %mul3A_33 = arith.mulf %mul3A_32, %dot_general3A_30 : vector<1024x448xf32>
    %sub3A = arith.subf %add3A_28, %mul3A_33 : vector<1024x448xf32>
    %reduce_min3A = arith.constant dense<0x7F800000> : vector<448xf32>
    %reduce_min3A_34 = vector.multi_reduction <minimumf>, %sub3A, %reduce_min3A [0] : vector<1024x448xf32> to vector<448xf32>
    %broadcast_in_dim3A_35 = vector.shape_cast %reduce_min3A_34 : vector<448xf32> to vector<1x448xf32>
    %eq3A = vector.broadcast %broadcast_in_dim3A_35 : vector<1x448xf32> to vector<1024x448xf32>
    %eq3A_36 = arith.cmpf oeq, %sub3A, %eq3A : vector<1024x448xf32>
    %jit3A = arith.constant 1024 : i32
    %broadcast_in_dim3A_37 = vector.broadcast %jit3A : i32 to vector<1024x448xi32>
    %select_n3A = arith.select %eq3A_36, %iota3A, %broadcast_in_dim3A_37 : vector<1024x448xi1>, vector<1024x448xi32>
    %reduce_min3A_38 = arith.constant dense<2147483647> : vector<448xi32>
    %reduce_min3A_39 = vector.multi_reduction <minsi>, %select_n3A, %reduce_min3A_38 [0] : vector<1024x448xi32> to vector<448xi32>
    %broadcast_in_dim3A_40 = vector.shape_cast %reduce_min3A_39 : vector<448xi32> to vector<1x448xi32>
    %eq3A_41 = vector.broadcast %broadcast_in_dim3A_40 : vector<1x448xi32> to vector<1024x448xi32>
    %eq3A_42 = arith.cmpi eq, %iota3A, %eq3A_41 : vector<1024x448xi32>
    %convert_element_type3A_43 = arith.extui %eq3A_42 : vector<1024x448xi1> to vector<1024x448xi32>
    %convert_element_type3A_44 = arith.sitofp %convert_element_type3A_43 : vector<1024x448xi32> to vector<1024x448xf32>
    %convert_element_type3A_45 = arith.truncf %get3A_17 : vector<64x1024xf32> to vector<64x1024xbf16>
    %convert_element_type3A_46 = arith.truncf %convert_element_type3A_44 : vector<1024x448xf32> to vector<1024x448xbf16>
    %dot_general3A_47 = arith.constant dense<0.000000e+00> : vector<64x448xf32>
    %dot_general3A_48 = tpu.matmul %convert_element_type3A_45, %convert_element_type3A_46, %dot_general3A_47 {dimension_numbers = #tpu.dot_dimension_numbers<[1], [0], [0], [1], [0, 0, 1, 1], [], []>, transpose_lhs_hint = false} : vector<64x1024xbf16>, vector<1024x448xbf16>, vector<64x448xf32> -> vector<64x448xf32>
    %swap3A = arith.constant 0 : index
    %swap3A_49 = arith.constant 0 : index
    %swap3A_50 = arith.constant 0 : index
    %swap3A_51 = vector.load %arg6[%swap3A, %swap3A_49, %swap3A_50] : memref<1x64x3136xf32, #tpu.memory_space<vmem>>, vector<1x64x448xf32>
    %swap3A_52 = vector.shape_cast %swap3A_51 : vector<1x64x448xf32> to vector<64x448xf32>
    %swap3A_53 = vector.shape_cast %dot_general3A_48 : vector<64x448xf32> to vector<1x64x448xf32>
    tpu.vector_store %arg6[%swap3A, %swap3A_49, %swap3A_50], %swap3A_53 {strides = array<i32>} : memref<1x64x3136xf32, #tpu.memory_space<vmem>>, vector<1x64x448xf32>,
    %reduce_sum3A_54 = arith.constant dense<0.000000e+00> : vector<1024xf32>
    %reduce_sum3A_55 = vector.multi_reduction <add>, %convert_element_type3A_44, %reduce_sum3A_54 [1] : vector<1024x448xf32> to vector<1024xf32>
    %broadcast_in_dim3A_56 = vector.shape_cast %reduce_sum3A_55 : vector<1024xf32> to vector<1024x1xf32>
    %add3A_57 = arith.addf %broadcast_in_dim3A_21, %broadcast_in_dim3A_56 : vector<1024x1xf32>
    %sub3A_58 = arith.subf %dot_general3A_48, %slice3A : vector<64x448xf32>
    %mul3A_59 = arith.mulf %sub3A_58, %sub3A_58 : vector<64x448xf32>
    %reduce_sum3A_60 = vector.shape_cast %mul3A_59 : vector<64x448xf32> to vector<1x64x448xf32>
    %reduce_sum3A_61 = arith.constant dense<0.000000e+00> : vector<1xf32>
    %reduce_sum3A_62 = vector.multi_reduction <add>, %reduce_sum3A_60, %reduce_sum3A_61 [1, 2] : vector<1x64x448xf32> to vector<1xf32>
    %reduce_sum3A_63 = vector.shape_cast %reduce_sum3A_62 : vector<1xf32> to vector<1x1x1xf32>
    %reduce_sum3A_64 = vector.extract %reduce_sum3A_63[0, 0, 0] : f32 from vector<1x1x1xf32>
    %add3A_65 = arith.constant 0.000000e+00 : f32
    %add3A_66 = arith.addf %add3A_65, %reduce_sum3A_64 : f32
    %slice3A_67 = vector.extract_strided_slice %add3A_11 {offsets = [0, 448], sizes = [64, 448], strides = [1, 1]} : vector<64x3136xf32> to vector<64x448xf32>
    %mul3A_68 = arith.mulf %slice3A_67, %slice3A_67 : vector<64x448xf32>
    %reduce_sum3A_69 = arith.constant dense<0.000000e+00> : vector<448xf32>
    %reduce_sum3A_70 = vector.multi_reduction <add>, %mul3A_68, %reduce_sum3A_69 [0] : vector<64x448xf32> to vector<448xf32>
    %broadcast_in_dim3A_71 = vector.shape_cast %reduce_sum3A_70 : vector<448xf32> to vector<1x448xf32>
    %add3A_72 = vector.broadcast %broadcast_in_dim3A_71 : vector<1x448xf32> to vector<1024x448xf32>
    %add3A_73 = vector.broadcast %broadcast_in_dim3A : vector<1024x1xf32> to vector<1024x448xf32>
    %add3A_74 = arith.addf %add3A_72, %add3A_73 : vector<1024x448xf32>
    %convert_element_type3A_75 = arith.truncf %get3A_14 : vector<1024x64xf32> to vector<1024x64xbf16>
    %convert_element_type3A_76 = arith.truncf %slice3A_67 : vector<64x448xf32> to vector<64x448xbf16>
    %dot_general3A_77 = arith.constant dense<0.000000e+00> : vector<1024x448xf32>
    %dot_general3A_78 = tpu.matmul %convert_element_type3A_75, %convert_element_type3A_76, %dot_general3A_77 {dimension_numbers = #tpu.dot_dimension_numbers<[1], [0], [0], [1], [0, 0, 1, 1], [], []>, transpose_lhs_hint = false} : vector<1024x64xbf16>, vector<64x448xbf16>, vector<1024x448xf32> -> vector<1024x448xf32>
    %mul3A_79 = arith.constant 2.000000e+00 : f32
    %mul3A_80 = vector.broadcast %mul3A_79 : f32 to vector<1024x448xf32>
    %mul3A_81 = arith.mulf %mul3A_80, %dot_general3A_78 : vector<1024x448xf32>
    %sub3A_82 = arith.subf %add3A_74, %mul3A_81 : vector<1024x448xf32>
    %reduce_min3A_83 = arith.constant dense<0x7F800000> : vector<448xf32>
    %reduce_min3A_84 = vector.multi_reduction <minimumf>, %sub3A_82, %reduce_min3A_83 [0] : vector<1024x448xf32> to vector<448xf32>
    %broadcast_in_dim3A_85 = vector.shape_cast %reduce_min3A_84 : vector<448xf32> to vector<1x448xf32>
    %eq3A_86 = vector.broadcast %broadcast_in_dim3A_85 : vector<1x448xf32> to vector<1024x448xf32>
    %eq3A_87 = arith.cmpf oeq, %sub3A_82, %eq3A_86 : vector<1024x448xf32>
    %jit3A_88 = arith.constant 1024 : i32
    %broadcast_in_dim3A_89 = vector.broadcast %jit3A_88 : i32 to vector<1024x448xi32>
    %select_n3A_90 = arith.select %eq3A_87, %iota3A, %broadcast_in_dim3A_89 : vector<1024x448xi1>, vector<1024x448xi32>
    %reduce_min3A_91 = arith.constant dense<2147483647> : vector<448xi32>
    %reduce_min3A_92 = vector.multi_reduction <minsi>, %select_n3A_90, %reduce_min3A_91 [0] : vector<1024x448xi32> to vector<448xi32>
    %broadcast_in_dim3A_93 = vector.shape_cast %reduce_min3A_92 : vector<448xi32> to vector<1x448xi32>
    %eq3A_94 = vector.broadcast %broadcast_in_dim3A_93 : vector<1x448xi32> to vector<1024x448xi32>
    %eq3A_95 = arith.cmpi eq, %iota3A, %eq3A_94 : vector<1024x448xi32>
    %convert_element_type3A_96 = arith.extui %eq3A_95 : vector<1024x448xi1> to vector<1024x448xi32>
    %convert_element_type3A_97 = arith.sitofp %convert_element_type3A_96 : vector<1024x448xi32> to vector<1024x448xf32>
    %convert_element_type3A_98 = arith.truncf %get3A_17 : vector<64x1024xf32> to vector<64x1024xbf16>
    %convert_element_type3A_99 = arith.truncf %convert_element_type3A_97 : vector<1024x448xf32> to vector<1024x448xbf16>
    %dot_general3A_100 = arith.constant dense<0.000000e+00> : vector<64x448xf32>
    %dot_general3A_101 = tpu.matmul %convert_element_type3A_98, %convert_element_type3A_99, %dot_general3A_100 {dimension_numbers = #tpu.dot_dimension_numbers<[1], [0], [0], [1], [0, 0, 1, 1], [], []>, transpose_lhs_hint = false} : vector<64x1024xbf16>, vector<1024x448xbf16>, vector<64x448xf32> -> vector<64x448xf32>
    %swap3A_102 = arith.constant 0 : index
    %swap3A_103 = arith.constant 0 : index
    %swap3A_104 = arith.constant 448 : index
    %swap3A_105 = vector.load %arg6[%swap3A_102, %swap3A_103, %swap3A_104] : memref<1x64x3136xf32, #tpu.memory_space<vmem>>, vector<1x64x448xf32>
    %swap3A_106 = vector.shape_cast %swap3A_105 : vector<1x64x448xf32> to vector<64x448xf32>
    %swap3A_107 = vector.shape_cast %dot_general3A_101 : vector<64x448xf32> to vector<1x64x448xf32>
    tpu.vector_store %arg6[%swap3A_102, %swap3A_103, %swap3A_104], %swap3A_107 {strides = array<i32>} : memref<1x64x3136xf32, #tpu.memory_space<vmem>>, vector<1x64x448xf32>,
    %reduce_sum3A_108 = arith.constant dense<0.000000e+00> : vector<1024xf32>
    %reduce_sum3A_109 = vector.multi_reduction <add>, %convert_element_type3A_97, %reduce_sum3A_108 [1] : vector<1024x448xf32> to vector<1024xf32>
    %broadcast_in_dim3A_110 = vector.shape_cast %reduce_sum3A_109 : vector<1024xf32> to vector<1024x1xf32>
    %add3A_111 = arith.addf %add3A_57, %broadcast_in_dim3A_110 : vector<1024x1xf32>
    %sub3A_112 = arith.subf %dot_general3A_101, %slice3A_67 : vector<64x448xf32>
    %mul3A_113 = arith.mulf %sub3A_112, %sub3A_112 : vector<64x448xf32>
    %reduce_sum3A_114 = vector.shape_cast %mul3A_113 : vector<64x448xf32> to vector<1x64x448xf32>
    %reduce_sum3A_115 = arith.constant dense<0.000000e+00> : vector<1xf32>
    %reduce_sum3A_116 = vector.multi_reduction <add>, %reduce_sum3A_114, %reduce_sum3A_115 [1, 2] : vector<1x64x448xf32> to vector<1xf32>
    %reduce_sum3A_117 = vector.shape_cast %reduce_sum3A_116 : vector<1xf32> to vector<1x1x1xf32>
    %reduce_sum3A_118 = vector.extract %reduce_sum3A_117[0, 0, 0] : f32 from vector<1x1x1xf32>
    %add3A_119 = arith.addf %add3A_66, %reduce_sum3A_118 : f32
    %slice3A_120 = vector.extract_strided_slice %add3A_11 {offsets = [0, 896], sizes = [64, 448], strides = [1, 1]} : vector<64x3136xf32> to vector<64x448xf32>
    %mul3A_121 = arith.mulf %slice3A_120, %slice3A_120 : vector<64x448xf32>
    %reduce_sum3A_122 = arith.constant dense<0.000000e+00> : vector<448xf32>
    %reduce_sum3A_123 = vector.multi_reduction <add>, %mul3A_121, %reduce_sum3A_122 [0] : vector<64x448xf32> to vector<448xf32>
    %broadcast_in_dim3A_124 = vector.shape_cast %reduce_sum3A_123 : vector<448xf32> to vector<1x448xf32>
    %add3A_125 = vector.broadcast %broadcast_in_dim3A_124 : vector<1x448xf32> to vector<1024x448xf32>
    %add3A_126 = vector.broadcast %broadcast_in_dim3A : vector<1024x1xf32> to vector<1024x448xf32>
    %add3A_127 = arith.addf %add3A_125, %add3A_126 : vector<1024x448xf32>
    %convert_element_type3A_128 = arith.truncf %get3A_14 : vector<1024x64xf32> to vector<1024x64xbf16>
    %convert_element_type3A_129 = arith.truncf %slice3A_120 : vector<64x448xf32> to vector<64x448xbf16>
    %dot_general3A_130 = arith.constant dense<0.000000e+00> : vector<1024x448xf32>
    %dot_general3A_131 = tpu.matmul %convert_element_type3A_128, %convert_element_type3A_129, %dot_general3A_130 {dimension_numbers = #tpu.dot_dimension_numbers<[1], [0], [0], [1], [0, 0, 1, 1], [], []>, transpose_lhs_hint = false} : vector<1024x64xbf16>, vector<64x448xbf16>, vector<1024x448xf32> -> vector<1024x448xf32>
    %mul3A_132 = arith.constant 2.000000e+00 : f32
    %mul3A_133 = vector.broadcast %mul3A_132 : f32 to vector<1024x448xf32>
    %mul3A_134 = arith.mulf %mul3A_133, %dot_general3A_131 : vector<1024x448xf32>
    %sub3A_135 = arith.subf %add3A_127, %mul3A_134 : vector<1024x448xf32>
    %reduce_min3A_136 = arith.constant dense<0x7F800000> : vector<448xf32>
    %reduce_min3A_137 = vector.multi_reduction <minimumf>, %sub3A_135, %reduce_min3A_136 [0] : vector<1024x448xf32> to vector<448xf32>
    %broadcast_in_dim3A_138 = vector.shape_cast %reduce_min3A_137 : vector<448xf32> to vector<1x448xf32>
    %eq3A_139 = vector.broadcast %broadcast_in_dim3A_138 : vector<1x448xf32> to vector<1024x448xf32>
    %eq3A_140 = arith.cmpf oeq, %sub3A_135, %eq3A_139 : vector<1024x448xf32>
    %jit3A_141 = arith.constant 1024 : i32
    %broadcast_in_dim3A_142 = vector.broadcast %jit3A_141 : i32 to vector<1024x448xi32>
    %select_n3A_143 = arith.select %eq3A_140, %iota3A, %broadcast_in_dim3A_142 : vector<1024x448xi1>, vector<1024x448xi32>
    %reduce_min3A_144 = arith.constant dense<2147483647> : vector<448xi32>
    %reduce_min3A_145 = vector.multi_reduction <minsi>, %select_n3A_143, %reduce_min3A_144 [0] : vector<1024x448xi32> to vector<448xi32>
    %broadcast_in_dim3A_146 = vector.shape_cast %reduce_min3A_145 : vector<448xi32> to vector<1x448xi32>
    %eq3A_147 = vector.broadcast %broadcast_in_dim3A_146 : vector<1x448xi32> to vector<1024x448xi32>
    %eq3A_148 = arith.cmpi eq, %iota3A, %eq3A_147 : vector<1024x448xi32>
    %convert_element_type3A_149 = arith.extui %eq3A_148 : vector<1024x448xi1> to vector<1024x448xi32>
    %convert_element_type3A_150 = arith.sitofp %convert_element_type3A_149 : vector<1024x448xi32> to vector<1024x448xf32>
    %convert_element_type3A_151 = arith.truncf %get3A_17 : vector<64x1024xf32> to vector<64x1024xbf16>
    %convert_element_type3A_152 = arith.truncf %convert_element_type3A_150 : vector<1024x448xf32> to vector<1024x448xbf16>
    %dot_general3A_153 = arith.constant dense<0.000000e+00> : vector<64x448xf32>
    %dot_general3A_154 = tpu.matmul %convert_element_type3A_151, %convert_element_type3A_152, %dot_general3A_153 {dimension_numbers = #tpu.dot_dimension_numbers<[1], [0], [0], [1], [0, 0, 1, 1], [], []>, transpose_lhs_hint = false} : vector<64x1024xbf16>, vector<1024x448xbf16>, vector<64x448xf32> -> vector<64x448xf32>
    %swap3A_155 = arith.constant 0 : index
    %swap3A_156 = arith.constant 0 : index
    %swap3A_157 = arith.constant 896 : index
    %swap3A_158 = vector.load %arg6[%swap3A_155, %swap3A_156, %swap3A_157] : memref<1x64x3136xf32, #tpu.memory_space<vmem>>, vector<1x64x448xf32>
    %swap3A_159 = vector.shape_cast %swap3A_158 : vector<1x64x448xf32> to vector<64x448xf32>
    %swap3A_160 = vector.shape_cast %dot_general3A_154 : vector<64x448xf32> to vector<1x64x448xf32>
    tpu.vector_store %arg6[%swap3A_155, %swap3A_156, %swap3A_157], %swap3A_160 {strides = array<i32>} : memref<1x64x3136xf32, #tpu.memory_space<vmem>>, vector<1x64x448xf32>,
    %reduce_sum3A_161 = arith.constant dense<0.000000e+00> : vector<1024xf32>
    %reduce_sum3A_162 = vector.multi_reduction <add>, %convert_element_type3A_150, %reduce_sum3A_161 [1] : vector<1024x448xf32> to vector<1024xf32>
    %broadcast_in_dim3A_163 = vector.shape_cast %reduce_sum3A_162 : vector<1024xf32> to vector<1024x1xf32>
    %add3A_164 = arith.addf %add3A_111, %broadcast_in_dim3A_163 : vector<1024x1xf32>
    %sub3A_165 = arith.subf %dot_general3A_154, %slice3A_120 : vector<64x448xf32>
    %mul3A_166 = arith.mulf %sub3A_165, %sub3A_165 : vector<64x448xf32>
    %reduce_sum3A_167 = vector.shape_cast %mul3A_166 : vector<64x448xf32> to vector<1x64x448xf32>
    %reduce_sum3A_168 = arith.constant dense<0.000000e+00> : vector<1xf32>
    %reduce_sum3A_169 = vector.multi_reduction <add>, %reduce_sum3A_167, %reduce_sum3A_168 [1, 2] : vector<1x64x448xf32> to vector<1xf32>
    %reduce_sum3A_170 = vector.shape_cast %reduce_sum3A_169 : vector<1xf32> to vector<1x1x1xf32>
    %reduce_sum3A_171 = vector.extract %reduce_sum3A_170[0, 0, 0] : f32 from vector<1x1x1xf32>
    %add3A_172 = arith.addf %add3A_119, %reduce_sum3A_171 : f32
    %slice3A_173 = vector.extract_strided_slice %add3A_11 {offsets = [0, 1344], sizes = [64, 448], strides = [1, 1]} : vector<64x3136xf32> to vector<64x448xf32>
    %mul3A_174 = arith.mulf %slice3A_173, %slice3A_173 : vector<64x448xf32>
    %reduce_sum3A_175 = arith.constant dense<0.000000e+00> : vector<448xf32>
    %reduce_sum3A_176 = vector.multi_reduction <add>, %mul3A_174, %reduce_sum3A_175 [0] : vector<64x448xf32> to vector<448xf32>
    %broadcast_in_dim3A_177 = vector.shape_cast %reduce_sum3A_176 : vector<448xf32> to vector<1x448xf32>
    %add3A_178 = vector.broadcast %broadcast_in_dim3A_177 : vector<1x448xf32> to vector<1024x448xf32>
    %add3A_179 = vector.broadcast %broadcast_in_dim3A : vector<1024x1xf32> to vector<1024x448xf32>
    %add3A_180 = arith.addf %add3A_178, %add3A_179 : vector<1024x448xf32>
    %convert_element_type3A_181 = arith.truncf %get3A_14 : vector<1024x64xf32> to vector<1024x64xbf16>
    %convert_element_type3A_182 = arith.truncf %slice3A_173 : vector<64x448xf32> to vector<64x448xbf16>
    %dot_general3A_183 = arith.constant dense<0.000000e+00> : vector<1024x448xf32>
    %dot_general3A_184 = tpu.matmul %convert_element_type3A_181, %convert_element_type3A_182, %dot_general3A_183 {dimension_numbers = #tpu.dot_dimension_numbers<[1], [0], [0], [1], [0, 0, 1, 1], [], []>, transpose_lhs_hint = false} : vector<1024x64xbf16>, vector<64x448xbf16>, vector<1024x448xf32> -> vector<1024x448xf32>
    %mul3A_185 = arith.constant 2.000000e+00 : f32
    %mul3A_186 = vector.broadcast %mul3A_185 : f32 to vector<1024x448xf32>
    %mul3A_187 = arith.mulf %mul3A_186, %dot_general3A_184 : vector<1024x448xf32>
    %sub3A_188 = arith.subf %add3A_180, %mul3A_187 : vector<1024x448xf32>
    %reduce_min3A_189 = arith.constant dense<0x7F800000> : vector<448xf32>
    %reduce_min3A_190 = vector.multi_reduction <minimumf>, %sub3A_188, %reduce_min3A_189 [0] : vector<1024x448xf32> to vector<448xf32>
    %broadcast_in_dim3A_191 = vector.shape_cast %reduce_min3A_190 : vector<448xf32> to vector<1x448xf32>
    %eq3A_192 = vector.broadcast %broadcast_in_dim3A_191 : vector<1x448xf32> to vector<1024x448xf32>
    %eq3A_193 = arith.cmpf oeq, %sub3A_188, %eq3A_192 : vector<1024x448xf32>
    %jit3A_194 = arith.constant 1024 : i32
    %broadcast_in_dim3A_195 = vector.broadcast %jit3A_194 : i32 to vector<1024x448xi32>
    %select_n3A_196 = arith.select %eq3A_193, %iota3A, %broadcast_in_dim3A_195 : vector<1024x448xi1>, vector<1024x448xi32>
    %reduce_min3A_197 = arith.constant dense<2147483647> : vector<448xi32>
    %reduce_min3A_198 = vector.multi_reduction <minsi>, %select_n3A_196, %reduce_min3A_197 [0] : vector<1024x448xi32> to vector<448xi32>
    %broadcast_in_dim3A_199 = vector.shape_cast %reduce_min3A_198 : vector<448xi32> to vector<1x448xi32>
    %eq3A_200 = vector.broadcast %broadcast_in_dim3A_199 : vector<1x448xi32> to vector<1024x448xi32>
    %eq3A_201 = arith.cmpi eq, %iota3A, %eq3A_200 : vector<1024x448xi32>
    %convert_element_type3A_202 = arith.extui %eq3A_201 : vector<1024x448xi1> to vector<1024x448xi32>
    %convert_element_type3A_203 = arith.sitofp %convert_element_type3A_202 : vector<1024x448xi32> to vector<1024x448xf32>
    %convert_element_type3A_204 = arith.truncf %get3A_17 : vector<64x1024xf32> to vector<64x1024xbf16>
    %convert_element_type3A_205 = arith.truncf %convert_element_type3A_203 : vector<1024x448xf32> to vector<1024x448xbf16>
    %dot_general3A_206 = arith.constant dense<0.000000e+00> : vector<64x448xf32>
    %dot_general3A_207 = tpu.matmul %convert_element_type3A_204, %convert_element_type3A_205, %dot_general3A_206 {dimension_numbers = #tpu.dot_dimension_numbers<[1], [0], [0], [1], [0, 0, 1, 1], [], []>, transpose_lhs_hint = false} : vector<64x1024xbf16>, vector<1024x448xbf16>, vector<64x448xf32> -> vector<64x448xf32>
    %swap3A_208 = arith.constant 0 : index
    %swap3A_209 = arith.constant 0 : index
    %swap3A_210 = arith.constant 1344 : index
    %swap3A_211 = vector.load %arg6[%swap3A_208, %swap3A_209, %swap3A_210] : memref<1x64x3136xf32, #tpu.memory_space<vmem>>, vector<1x64x448xf32>
    %swap3A_212 = vector.shape_cast %swap3A_211 : vector<1x64x448xf32> to vector<64x448xf32>
    %swap3A_213 = vector.shape_cast %dot_general3A_207 : vector<64x448xf32> to vector<1x64x448xf32>
    tpu.vector_store %arg6[%swap3A_208, %swap3A_209, %swap3A_210], %swap3A_213 {strides = array<i32>} : memref<1x64x3136xf32, #tpu.memory_space<vmem>>, vector<1x64x448xf32>,
    %reduce_sum3A_214 = arith.constant dense<0.000000e+00> : vector<1024xf32>
    %reduce_sum3A_215 = vector.multi_reduction <add>, %convert_element_type3A_203, %reduce_sum3A_214 [1] : vector<1024x448xf32> to vector<1024xf32>
    %broadcast_in_dim3A_216 = vector.shape_cast %reduce_sum3A_215 : vector<1024xf32> to vector<1024x1xf32>
    %add3A_217 = arith.addf %add3A_164, %broadcast_in_dim3A_216 : vector<1024x1xf32>
    %sub3A_218 = arith.subf %dot_general3A_207, %slice3A_173 : vector<64x448xf32>
    %mul3A_219 = arith.mulf %sub3A_218, %sub3A_218 : vector<64x448xf32>
    %reduce_sum3A_220 = vector.shape_cast %mul3A_219 : vector<64x448xf32> to vector<1x64x448xf32>
    %reduce_sum3A_221 = arith.constant dense<0.000000e+00> : vector<1xf32>
    %reduce_sum3A_222 = vector.multi_reduction <add>, %reduce_sum3A_220, %reduce_sum3A_221 [1, 2] : vector<1x64x448xf32> to vector<1xf32>
    %reduce_sum3A_223 = vector.shape_cast %reduce_sum3A_222 : vector<1xf32> to vector<1x1x1xf32>
    %reduce_sum3A_224 = vector.extract %reduce_sum3A_223[0, 0, 0] : f32 from vector<1x1x1xf32>
    %add3A_225 = arith.addf %add3A_172, %reduce_sum3A_224 : f32
    %slice3A_226 = vector.extract_strided_slice %add3A_11 {offsets = [0, 1792], sizes = [64, 448], strides = [1, 1]} : vector<64x3136xf32> to vector<64x448xf32>
    %mul3A_227 = arith.mulf %slice3A_226, %slice3A_226 : vector<64x448xf32>
    %reduce_sum3A_228 = arith.constant dense<0.000000e+00> : vector<448xf32>
    %reduce_sum3A_229 = vector.multi_reduction <add>, %mul3A_227, %reduce_sum3A_228 [0] : vector<64x448xf32> to vector<448xf32>
    %broadcast_in_dim3A_230 = vector.shape_cast %reduce_sum3A_229 : vector<448xf32> to vector<1x448xf32>
    %add3A_231 = vector.broadcast %broadcast_in_dim3A_230 : vector<1x448xf32> to vector<1024x448xf32>
    %add3A_232 = vector.broadcast %broadcast_in_dim3A : vector<1024x1xf32> to vector<1024x448xf32>
    %add3A_233 = arith.addf %add3A_231, %add3A_232 : vector<1024x448xf32>
    %convert_element_type3A_234 = arith.truncf %get3A_14 : vector<1024x64xf32> to vector<1024x64xbf16>
    %convert_element_type3A_235 = arith.truncf %slice3A_226 : vector<64x448xf32> to vector<64x448xbf16>
    %dot_general3A_236 = arith.constant dense<0.000000e+00> : vector<1024x448xf32>
    %dot_general3A_237 = tpu.matmul %convert_element_type3A_234, %convert_element_type3A_235, %dot_general3A_236 {dimension_numbers = #tpu.dot_dimension_numbers<[1], [0], [0], [1], [0, 0, 1, 1], [], []>, transpose_lhs_hint = false} : vector<1024x64xbf16>, vector<64x448xbf16>, vector<1024x448xf32> -> vector<1024x448xf32>
    %mul3A_238 = arith.constant 2.000000e+00 : f32
    %mul3A_239 = vector.broadcast %mul3A_238 : f32 to vector<1024x448xf32>
    %mul3A_240 = arith.mulf %mul3A_239, %dot_general3A_237 : vector<1024x448xf32>
    %sub3A_241 = arith.subf %add3A_233, %mul3A_240 : vector<1024x448xf32>
    %reduce_min3A_242 = arith.constant dense<0x7F800000> : vector<448xf32>
    %reduce_min3A_243 = vector.multi_reduction <minimumf>, %sub3A_241, %reduce_min3A_242 [0] : vector<1024x448xf32> to vector<448xf32>
    %broadcast_in_dim3A_244 = vector.shape_cast %reduce_min3A_243 : vector<448xf32> to vector<1x448xf32>
    %eq3A_245 = vector.broadcast %broadcast_in_dim3A_244 : vector<1x448xf32> to vector<1024x448xf32>
    %eq3A_246 = arith.cmpf oeq, %sub3A_241, %eq3A_245 : vector<1024x448xf32>
    %jit3A_247 = arith.constant 1024 : i32
    %broadcast_in_dim3A_248 = vector.broadcast %jit3A_247 : i32 to vector<1024x448xi32>
    %select_n3A_249 = arith.select %eq3A_246, %iota3A, %broadcast_in_dim3A_248 : vector<1024x448xi1>, vector<1024x448xi32>
    %reduce_min3A_250 = arith.constant dense<2147483647> : vector<448xi32>
    %reduce_min3A_251 = vector.multi_reduction <minsi>, %select_n3A_249, %reduce_min3A_250 [0] : vector<1024x448xi32> to vector<448xi32>
    %broadcast_in_dim3A_252 = vector.shape_cast %reduce_min3A_251 : vector<448xi32> to vector<1x448xi32>
    %eq3A_253 = vector.broadcast %broadcast_in_dim3A_252 : vector<1x448xi32> to vector<1024x448xi32>
    %eq3A_254 = arith.cmpi eq, %iota3A, %eq3A_253 : vector<1024x448xi32>
    %convert_element_type3A_255 = arith.extui %eq3A_254 : vector<1024x448xi1> to vector<1024x448xi32>
    %convert_element_type3A_256 = arith.sitofp %convert_element_type3A_255 : vector<1024x448xi32> to vector<1024x448xf32>
    %convert_element_type3A_257 = arith.truncf %get3A_17 : vector<64x1024xf32> to vector<64x1024xbf16>
    %convert_element_type3A_258 = arith.truncf %convert_element_type3A_256 : vector<1024x448xf32> to vector<1024x448xbf16>
    %dot_general3A_259 = arith.constant dense<0.000000e+00> : vector<64x448xf32>
    %dot_general3A_260 = tpu.matmul %convert_element_type3A_257, %convert_element_type3A_258, %dot_general3A_259 {dimension_numbers = #tpu.dot_dimension_numbers<[1], [0], [0], [1], [0, 0, 1, 1], [], []>, transpose_lhs_hint = false} : vector<64x1024xbf16>, vector<1024x448xbf16>, vector<64x448xf32> -> vector<64x448xf32>
    %swap3A_261 = arith.constant 0 : index
    %swap3A_262 = arith.constant 0 : index
    %swap3A_263 = arith.constant 1792 : index
    %swap3A_264 = vector.load %arg6[%swap3A_261, %swap3A_262, %swap3A_263] : memref<1x64x3136xf32, #tpu.memory_space<vmem>>, vector<1x64x448xf32>
    %swap3A_265 = vector.shape_cast %swap3A_264 : vector<1x64x448xf32> to vector<64x448xf32>
    %swap3A_266 = vector.shape_cast %dot_general3A_260 : vector<64x448xf32> to vector<1x64x448xf32>
    tpu.vector_store %arg6[%swap3A_261, %swap3A_262, %swap3A_263], %swap3A_266 {strides = array<i32>} : memref<1x64x3136xf32, #tpu.memory_space<vmem>>, vector<1x64x448xf32>,
    %reduce_sum3A_267 = arith.constant dense<0.000000e+00> : vector<1024xf32>
    %reduce_sum3A_268 = vector.multi_reduction <add>, %convert_element_type3A_256, %reduce_sum3A_267 [1] : vector<1024x448xf32> to vector<1024xf32>
    %broadcast_in_dim3A_269 = vector.shape_cast %reduce_sum3A_268 : vector<1024xf32> to vector<1024x1xf32>
    %add3A_270 = arith.addf %add3A_217, %broadcast_in_dim3A_269 : vector<1024x1xf32>
    %sub3A_271 = arith.subf %dot_general3A_260, %slice3A_226 : vector<64x448xf32>
    %mul3A_272 = arith.mulf %sub3A_271, %sub3A_271 : vector<64x448xf32>
    %reduce_sum3A_273 = vector.shape_cast %mul3A_272 : vector<64x448xf32> to vector<1x64x448xf32>
    %reduce_sum3A_274 = arith.constant dense<0.000000e+00> : vector<1xf32>
    %reduce_sum3A_275 = vector.multi_reduction <add>, %reduce_sum3A_273, %reduce_sum3A_274 [1, 2] : vector<1x64x448xf32> to vector<1xf32>
    %reduce_sum3A_276 = vector.shape_cast %reduce_sum3A_275 : vector<1xf32> to vector<1x1x1xf32>
    %reduce_sum3A_277 = vector.extract %reduce_sum3A_276[0, 0, 0] : f32 from vector<1x1x1xf32>
    %add3A_278 = arith.addf %add3A_225, %reduce_sum3A_277 : f32
    %slice3A_279 = vector.extract_strided_slice %add3A_11 {offsets = [0, 2240], sizes = [64, 448], strides = [1, 1]} : vector<64x3136xf32> to vector<64x448xf32>
    %mul3A_280 = arith.mulf %slice3A_279, %slice3A_279 : vector<64x448xf32>
    %reduce_sum3A_281 = arith.constant dense<0.000000e+00> : vector<448xf32>
    %reduce_sum3A_282 = vector.multi_reduction <add>, %mul3A_280, %reduce_sum3A_281 [0] : vector<64x448xf32> to vector<448xf32>
    %broadcast_in_dim3A_283 = vector.shape_cast %reduce_sum3A_282 : vector<448xf32> to vector<1x448xf32>
    %add3A_284 = vector.broadcast %broadcast_in_dim3A_283 : vector<1x448xf32> to vector<1024x448xf32>
    %add3A_285 = vector.broadcast %broadcast_in_dim3A : vector<1024x1xf32> to vector<1024x448xf32>
    %add3A_286 = arith.addf %add3A_284, %add3A_285 : vector<1024x448xf32>
    %convert_element_type3A_287 = arith.truncf %get3A_14 : vector<1024x64xf32> to vector<1024x64xbf16>
    %convert_element_type3A_288 = arith.truncf %slice3A_279 : vector<64x448xf32> to vector<64x448xbf16>
    %dot_general3A_289 = arith.constant dense<0.000000e+00> : vector<1024x448xf32>
    %dot_general3A_290 = tpu.matmul %convert_element_type3A_287, %convert_element_type3A_288, %dot_general3A_289 {dimension_numbers = #tpu.dot_dimension_numbers<[1], [0], [0], [1], [0, 0, 1, 1], [], []>, transpose_lhs_hint = false} : vector<1024x64xbf16>, vector<64x448xbf16>, vector<1024x448xf32> -> vector<1024x448xf32>
    %mul3A_291 = arith.constant 2.000000e+00 : f32
    %mul3A_292 = vector.broadcast %mul3A_291 : f32 to vector<1024x448xf32>
    %mul3A_293 = arith.mulf %mul3A_292, %dot_general3A_290 : vector<1024x448xf32>
    %sub3A_294 = arith.subf %add3A_286, %mul3A_293 : vector<1024x448xf32>
    %reduce_min3A_295 = arith.constant dense<0x7F800000> : vector<448xf32>
    %reduce_min3A_296 = vector.multi_reduction <minimumf>, %sub3A_294, %reduce_min3A_295 [0] : vector<1024x448xf32> to vector<448xf32>
    %broadcast_in_dim3A_297 = vector.shape_cast %reduce_min3A_296 : vector<448xf32> to vector<1x448xf32>
    %eq3A_298 = vector.broadcast %broadcast_in_dim3A_297 : vector<1x448xf32> to vector<1024x448xf32>
    %eq3A_299 = arith.cmpf oeq, %sub3A_294, %eq3A_298 : vector<1024x448xf32>
    %jit3A_300 = arith.constant 1024 : i32
    %broadcast_in_dim3A_301 = vector.broadcast %jit3A_300 : i32 to vector<1024x448xi32>
    %select_n3A_302 = arith.select %eq3A_299, %iota3A, %broadcast_in_dim3A_301 : vector<1024x448xi1>, vector<1024x448xi32>
    %reduce_min3A_303 = arith.constant dense<2147483647> : vector<448xi32>
    %reduce_min3A_304 = vector.multi_reduction <minsi>, %select_n3A_302, %reduce_min3A_303 [0] : vector<1024x448xi32> to vector<448xi32>
    %broadcast_in_dim3A_305 = vector.shape_cast %reduce_min3A_304 : vector<448xi32> to vector<1x448xi32>
    %eq3A_306 = vector.broadcast %broadcast_in_dim3A_305 : vector<1x448xi32> to vector<1024x448xi32>
    %eq3A_307 = arith.cmpi eq, %iota3A, %eq3A_306 : vector<1024x448xi32>
    %convert_element_type3A_308 = arith.extui %eq3A_307 : vector<1024x448xi1> to vector<1024x448xi32>
    %convert_element_type3A_309 = arith.sitofp %convert_element_type3A_308 : vector<1024x448xi32> to vector<1024x448xf32>
    %convert_element_type3A_310 = arith.truncf %get3A_17 : vector<64x1024xf32> to vector<64x1024xbf16>
    %convert_element_type3A_311 = arith.truncf %convert_element_type3A_309 : vector<1024x448xf32> to vector<1024x448xbf16>
    %dot_general3A_312 = arith.constant dense<0.000000e+00> : vector<64x448xf32>
    %dot_general3A_313 = tpu.matmul %convert_element_type3A_310, %convert_element_type3A_311, %dot_general3A_312 {dimension_numbers = #tpu.dot_dimension_numbers<[1], [0], [0], [1], [0, 0, 1, 1], [], []>, transpose_lhs_hint = false} : vector<64x1024xbf16>, vector<1024x448xbf16>, vector<64x448xf32> -> vector<64x448xf32>
    %swap3A_314 = arith.constant 0 : index
    %swap3A_315 = arith.constant 0 : index
    %swap3A_316 = arith.constant 2240 : index
    %swap3A_317 = vector.load %arg6[%swap3A_314, %swap3A_315, %swap3A_316] : memref<1x64x3136xf32, #tpu.memory_space<vmem>>, vector<1x64x448xf32>
    %swap3A_318 = vector.shape_cast %swap3A_317 : vector<1x64x448xf32> to vector<64x448xf32>
    %swap3A_319 = vector.shape_cast %dot_general3A_313 : vector<64x448xf32> to vector<1x64x448xf32>
    tpu.vector_store %arg6[%swap3A_314, %swap3A_315, %swap3A_316], %swap3A_319 {strides = array<i32>} : memref<1x64x3136xf32, #tpu.memory_space<vmem>>, vector<1x64x448xf32>,
    %reduce_sum3A_320 = arith.constant dense<0.000000e+00> : vector<1024xf32>
    %reduce_sum3A_321 = vector.multi_reduction <add>, %convert_element_type3A_309, %reduce_sum3A_320 [1] : vector<1024x448xf32> to vector<1024xf32>
    %broadcast_in_dim3A_322 = vector.shape_cast %reduce_sum3A_321 : vector<1024xf32> to vector<1024x1xf32>
    %add3A_323 = arith.addf %add3A_270, %broadcast_in_dim3A_322 : vector<1024x1xf32>
    %sub3A_324 = arith.subf %dot_general3A_313, %slice3A_279 : vector<64x448xf32>
    %mul3A_325 = arith.mulf %sub3A_324, %sub3A_324 : vector<64x448xf32>
    %reduce_sum3A_326 = vector.shape_cast %mul3A_325 : vector<64x448xf32> to vector<1x64x448xf32>
    %reduce_sum3A_327 = arith.constant dense<0.000000e+00> : vector<1xf32>
    %reduce_sum3A_328 = vector.multi_reduction <add>, %reduce_sum3A_326, %reduce_sum3A_327 [1, 2] : vector<1x64x448xf32> to vector<1xf32>
    %reduce_sum3A_329 = vector.shape_cast %reduce_sum3A_328 : vector<1xf32> to vector<1x1x1xf32>
    %reduce_sum3A_330 = vector.extract %reduce_sum3A_329[0, 0, 0] : f32 from vector<1x1x1xf32>
    %add3A_331 = arith.addf %add3A_278, %reduce_sum3A_330 : f32
    %slice3A_332 = vector.extract_strided_slice %add3A_11 {offsets = [0, 2688], sizes = [64, 448], strides = [1, 1]} : vector<64x3136xf32> to vector<64x448xf32>
    %mul3A_333 = arith.mulf %slice3A_332, %slice3A_332 : vector<64x448xf32>
    %reduce_sum3A_334 = arith.constant dense<0.000000e+00> : vector<448xf32>
    %reduce_sum3A_335 = vector.multi_reduction <add>, %mul3A_333, %reduce_sum3A_334 [0] : vector<64x448xf32> to vector<448xf32>
    %broadcast_in_dim3A_336 = vector.shape_cast %reduce_sum3A_335 : vector<448xf32> to vector<1x448xf32>
    %add3A_337 = vector.broadcast %broadcast_in_dim3A_336 : vector<1x448xf32> to vector<1024x448xf32>
    %add3A_338 = vector.broadcast %broadcast_in_dim3A : vector<1024x1xf32> to vector<1024x448xf32>
    %add3A_339 = arith.addf %add3A_337, %add3A_338 : vector<1024x448xf32>
    %convert_element_type3A_340 = arith.truncf %get3A_14 : vector<1024x64xf32> to vector<1024x64xbf16>
    %convert_element_type3A_341 = arith.truncf %slice3A_332 : vector<64x448xf32> to vector<64x448xbf16>
    %dot_general3A_342 = arith.constant dense<0.000000e+00> : vector<1024x448xf32>
    %dot_general3A_343 = tpu.matmul %convert_element_type3A_340, %convert_element_type3A_341, %dot_general3A_342 {dimension_numbers = #tpu.dot_dimension_numbers<[1], [0], [0], [1], [0, 0, 1, 1], [], []>, transpose_lhs_hint = false} : vector<1024x64xbf16>, vector<64x448xbf16>, vector<1024x448xf32> -> vector<1024x448xf32>
    %mul3A_344 = arith.constant 2.000000e+00 : f32
    %mul3A_345 = vector.broadcast %mul3A_344 : f32 to vector<1024x448xf32>
    %mul3A_346 = arith.mulf %mul3A_345, %dot_general3A_343 : vector<1024x448xf32>
    %sub3A_347 = arith.subf %add3A_339, %mul3A_346 : vector<1024x448xf32>
    %reduce_min3A_348 = arith.constant dense<0x7F800000> : vector<448xf32>
    %reduce_min3A_349 = vector.multi_reduction <minimumf>, %sub3A_347, %reduce_min3A_348 [0] : vector<1024x448xf32> to vector<448xf32>
    %broadcast_in_dim3A_350 = vector.shape_cast %reduce_min3A_349 : vector<448xf32> to vector<1x448xf32>
    %eq3A_351 = vector.broadcast %broadcast_in_dim3A_350 : vector<1x448xf32> to vector<1024x448xf32>
    %eq3A_352 = arith.cmpf oeq, %sub3A_347, %eq3A_351 : vector<1024x448xf32>
    %jit3A_353 = arith.constant 1024 : i32
    %broadcast_in_dim3A_354 = vector.broadcast %jit3A_353 : i32 to vector<1024x448xi32>
    %select_n3A_355 = arith.select %eq3A_352, %iota3A, %broadcast_in_dim3A_354 : vector<1024x448xi1>, vector<1024x448xi32>
    %reduce_min3A_356 = arith.constant dense<2147483647> : vector<448xi32>
    %reduce_min3A_357 = vector.multi_reduction <minsi>, %select_n3A_355, %reduce_min3A_356 [0] : vector<1024x448xi32> to vector<448xi32>
    %broadcast_in_dim3A_358 = vector.shape_cast %reduce_min3A_357 : vector<448xi32> to vector<1x448xi32>
    %eq3A_359 = vector.broadcast %broadcast_in_dim3A_358 : vector<1x448xi32> to vector<1024x448xi32>
    %eq3A_360 = arith.cmpi eq, %iota3A, %eq3A_359 : vector<1024x448xi32>
    %convert_element_type3A_361 = arith.extui %eq3A_360 : vector<1024x448xi1> to vector<1024x448xi32>
    %convert_element_type3A_362 = arith.sitofp %convert_element_type3A_361 : vector<1024x448xi32> to vector<1024x448xf32>
    %convert_element_type3A_363 = arith.truncf %get3A_17 : vector<64x1024xf32> to vector<64x1024xbf16>
    %convert_element_type3A_364 = arith.truncf %convert_element_type3A_362 : vector<1024x448xf32> to vector<1024x448xbf16>
    %dot_general3A_365 = arith.constant dense<0.000000e+00> : vector<64x448xf32>
    %dot_general3A_366 = tpu.matmul %convert_element_type3A_363, %convert_element_type3A_364, %dot_general3A_365 {dimension_numbers = #tpu.dot_dimension_numbers<[1], [0], [0], [1], [0, 0, 1, 1], [], []>, transpose_lhs_hint = false} : vector<64x1024xbf16>, vector<1024x448xbf16>, vector<64x448xf32> -> vector<64x448xf32>
    %swap3A_367 = arith.constant 0 : index
    %swap3A_368 = arith.constant 0 : index
    %swap3A_369 = arith.constant 2688 : index
    %swap3A_370 = vector.load %arg6[%swap3A_367, %swap3A_368, %swap3A_369] : memref<1x64x3136xf32, #tpu.memory_space<vmem>>, vector<1x64x448xf32>
    %swap3A_371 = vector.shape_cast %swap3A_370 : vector<1x64x448xf32> to vector<64x448xf32>
    %swap3A_372 = vector.shape_cast %dot_general3A_366 : vector<64x448xf32> to vector<1x64x448xf32>
    tpu.vector_store %arg6[%swap3A_367, %swap3A_368, %swap3A_369], %swap3A_372 {strides = array<i32>} : memref<1x64x3136xf32, #tpu.memory_space<vmem>>, vector<1x64x448xf32>,
    %reduce_sum3A_373 = arith.constant dense<0.000000e+00> : vector<1024xf32>
    %reduce_sum3A_374 = vector.multi_reduction <add>, %convert_element_type3A_362, %reduce_sum3A_373 [1] : vector<1024x448xf32> to vector<1024xf32>
    %broadcast_in_dim3A_375 = vector.shape_cast %reduce_sum3A_374 : vector<1024xf32> to vector<1024x1xf32>
    %add3A_376 = arith.addf %add3A_323, %broadcast_in_dim3A_375 : vector<1024x1xf32>
    %sub3A_377 = arith.subf %dot_general3A_366, %slice3A_332 : vector<64x448xf32>
    %mul3A_378 = arith.mulf %sub3A_377, %sub3A_377 : vector<64x448xf32>
    %reduce_sum3A_379 = vector.shape_cast %mul3A_378 : vector<64x448xf32> to vector<1x64x448xf32>
    %reduce_sum3A_380 = arith.constant dense<0.000000e+00> : vector<1xf32>
    %reduce_sum3A_381 = vector.multi_reduction <add>, %reduce_sum3A_379, %reduce_sum3A_380 [1, 2] : vector<1x64x448xf32> to vector<1xf32>
    %reduce_sum3A_382 = vector.shape_cast %reduce_sum3A_381 : vector<1xf32> to vector<1x1x1xf32>
    %reduce_sum3A_383 = vector.extract %reduce_sum3A_382[0, 0, 0] : f32 from vector<1x1x1xf32>
    %add3A_384 = arith.addf %add3A_331, %reduce_sum3A_383 : f32
    %broadcast_in_dim3A_385 = vector.broadcast %add3A_384 : f32 to vector<1x1xf32>
    %eq3A_386 = arith.constant 0 : i32
    %eq3A_387 = arith.cmpi eq, %arg0, %eq3A_386 : i32
    %convert_element_type3A_388 = arith.extui %eq3A_387 : i1 to i32
    %cond3A = arith.constant 0 : i32
    %cond3A_389 = arith.cmpi ne, %convert_element_type3A_388, %cond3A : i32
    scf.if %cond3A_389 {
      %swap3A_399 = arith.constant 0 : index
      %swap3A_400 = arith.constant 0 : index
      %swap3A_401 = vector.load %arg7[%swap3A_399, %swap3A_400] : memref<1024x1xf32, #tpu.memory_space<vmem>>, vector<1024x1xf32>
      tpu.vector_store %arg7[%swap3A_399, %swap3A_400], %add3A_376 {strides = array<i32>} : memref<1024x1xf32, #tpu.memory_space<vmem>>, vector<1024x1xf32>,
      %swap3A_402 = arith.constant 0 : index
      %swap3A_403 = arith.constant 0 : index
      %swap3A_404 = vector.load %arg8[%swap3A_402, %swap3A_403] : memref<1x1xf32, #tpu.memory_space<vmem>>, vector<1x1xf32>
      tpu.vector_store %arg8[%swap3A_402, %swap3A_403], %broadcast_in_dim3A_385 {strides = array<i32>} : memref<1x1xf32, #tpu.memory_space<vmem>>, vector<1x1xf32>,
      %broadcast_in_dim3A_405 = arith.constant 0.000000e+00 : f32
      %broadcast_in_dim3A_406 = vector.broadcast %broadcast_in_dim3A_405 : f32 to vector<1x1xf32>
      %swap3A_407 = arith.constant 0 : index
      %swap3A_408 = arith.constant 0 : index
      %swap3A_409 = vector.load %arg9[%swap3A_407, %swap3A_408] : memref<1x1xf32, #tpu.memory_space<vmem>>, vector<1x1xf32>
      tpu.vector_store %arg9[%swap3A_407, %swap3A_408], %broadcast_in_dim3A_406 {strides = array<i32>} : memref<1x1xf32, #tpu.memory_space<vmem>>, vector<1x1xf32>,
    } else {
    }
    %gt3A = arith.constant 0 : i32
    %gt3A_390 = arith.cmpi sgt, %arg0, %gt3A : i32
    %convert_element_type3A_391 = arith.extui %gt3A_390 : i1 to i32
    %cond3A_392 = arith.constant 0 : i32
    %cond3A_393 = arith.cmpi ne, %convert_element_type3A_391, %cond3A_392 : i32
    scf.if %cond3A_393 {
      %get3A_399 = arith.constant 0 : index
      %get3A_400 = arith.constant 0 : index
      %get3A_401 = vector.load %arg7[%get3A_399, %get3A_400] : memref<1024x1xf32, #tpu.memory_space<vmem>>, vector<1024x1xf32>
      %add3A_402 = arith.addf %get3A_401, %add3A_376 : vector<1024x1xf32>
      %swap3A_403 = arith.constant 0 : index
      %swap3A_404 = arith.constant 0 : index
      %swap3A_405 = vector.load %arg7[%swap3A_403, %swap3A_404] : memref<1024x1xf32, #tpu.memory_space<vmem>>, vector<1024x1xf32>
      tpu.vector_store %arg7[%swap3A_403, %swap3A_404], %add3A_402 {strides = array<i32>} : memref<1024x1xf32, #tpu.memory_space<vmem>>, vector<1024x1xf32>,
      %get3A_406 = arith.constant 0 : index
      %get3A_407 = arith.constant 0 : index
      %get3A_408 = vector.load %arg8[%get3A_406, %get3A_407] : memref<1x1xf32, #tpu.memory_space<vmem>>, vector<1x1xf32>
      %add3A_409 = arith.addf %get3A_408, %broadcast_in_dim3A_385 : vector<1x1xf32>
      %swap3A_410 = arith.constant 0 : index
      %swap3A_411 = arith.constant 0 : index
      %swap3A_412 = vector.load %arg8[%swap3A_410, %swap3A_411] : memref<1x1xf32, #tpu.memory_space<vmem>>, vector<1x1xf32>
      tpu.vector_store %arg8[%swap3A_410, %swap3A_411], %add3A_409 {strides = array<i32>} : memref<1x1xf32, #tpu.memory_space<vmem>>, vector<1x1xf32>,
    } else {
    }
    %eq3A_394 = arith.constant 7 : i32
    %eq3A_395 = arith.cmpi eq, %arg0, %eq3A_394 : i32
    %convert_element_type3A_396 = arith.extui %eq3A_395 : i1 to i32
    %cond3A_397 = arith.constant 0 : i32
    %cond3A_398 = arith.cmpi ne, %convert_element_type3A_396, %cond3A_397 : i32
    scf.if %cond3A_398 {
      %get3A_399 = arith.constant 0 : index
      %get3A_400 = arith.constant 0 : index
      %get3A_401 = vector.load %arg7[%get3A_399, %get3A_400] : memref<1024x1xf32, #tpu.memory_space<vmem>>, vector<1024x1xf32>
      %mul3A_402 = arith.constant 3.98596931E-5 : f32
      %mul3A_403 = vector.broadcast %mul3A_402 : f32 to vector<1024x1xf32>
      %mul3A_404 = arith.mulf %get3A_401, %mul3A_403 : vector<1024x1xf32>
      %add3A_405 = arith.constant 1.000000e-10 : f32
      %add3A_406 = vector.broadcast %add3A_405 : f32 to vector<1024x1xf32>
      %add3A_407 = arith.addf %mul3A_404, %add3A_406 : vector<1024x1xf32>
      %log3A = math.log %add3A_407 : vector<1024x1xf32>
      %mul3A_408 = arith.mulf %mul3A_404, %log3A : vector<1024x1xf32>
      %reduce_sum3A_409 = vector.shape_cast %mul3A_408 : vector<1024x1xf32> to vector<1x1024x1xf32>
      %reduce_sum3A_410 = arith.constant dense<0.000000e+00> : vector<1xf32>
      %reduce_sum3A_411 = vector.multi_reduction <add>, %reduce_sum3A_409, %reduce_sum3A_410 [1, 2] : vector<1x1024x1xf32> to vector<1xf32>
      %reduce_sum3A_412 = vector.shape_cast %reduce_sum3A_411 : vector<1xf32> to vector<1x1x1xf32>
      %reduce_sum3A_413 = vector.extract %reduce_sum3A_412[0, 0, 0] : f32 from vector<1x1x1xf32>
      %neg3A = arith.constant 0.000000e+00 : f32
      %neg3A_414 = arith.subf %neg3A, %reduce_sum3A_413 : f32
      %exp3A = math.exp %neg3A_414 : f32
      %broadcast_in_dim3A_415 = vector.broadcast %exp3A : f32 to vector<1x1xf32>
      %swap3A_416 = arith.constant 0 : index
      %swap3A_417 = arith.constant 0 : index
      %swap3A_418 = vector.load %arg9[%swap3A_416, %swap3A_417] : memref<1x1xf32, #tpu.memory_space<vmem>>, vector<1x1xf32>
      tpu.vector_store %arg9[%swap3A_416, %swap3A_417], %broadcast_in_dim3A_415 {strides = array<i32>} : memref<1x1xf32, #tpu.memory_space<vmem>>, vector<1x1xf32>,
      %get3A_419 = arith.constant 0 : index
      %get3A_420 = arith.constant 0 : index
      %get3A_421 = vector.load %arg8[%get3A_419, %get3A_420] : memref<1x1xf32, #tpu.memory_space<vmem>>, vector<1x1xf32>
      %mul3A_422 = arith.constant 7.78509673E-7 : f32
      %mul3A_423 = vector.broadcast %mul3A_422 : f32 to vector<1x1xf32>
      %mul3A_424 = arith.mulf %get3A_421, %mul3A_423 : vector<1x1xf32>
      %swap3A_425 = arith.constant 0 : index
      %swap3A_426 = arith.constant 0 : index
      %swap3A_427 = vector.load %arg8[%swap3A_425, %swap3A_426] : memref<1x1xf32, #tpu.memory_space<vmem>>, vector<1x1xf32>
      tpu.vector_store %arg8[%swap3A_425, %swap3A_426], %mul3A_424 {strides = array<i32>} : memref<1x1xf32, #tpu.memory_space<vmem>>, vector<1x1xf32>,
    } else {
    }
    return
  }
  func.func @transform_0(%arg0: i32) -> (i32, i32, i32) {
    %c0_i32 = arith.constant 0 : i32
    %c0_i32_0 = arith.constant 0 : i32
    %c0_i32_1 = arith.constant 0 : i32
    return %arg0, %c0_i32, %c0_i32_0 : i32, i32, i32
  }
  func.func @transform_1(%arg0: i32) -> (i32, i32) {
    %c0_i32 = arith.constant 0 : i32
    %c0_i32_0 = arith.constant 0 : i32
    %c0_i32_1 = arith.constant 0 : i32
    return %c0_i32, %c0_i32_0 : i32, i32
  }
  func.func @transform_2(%arg0: i32) -> (i32, i32) {
    %c0_i32 = arith.constant 0 : i32
    %c0_i32_0 = arith.constant 0 : i32
    %c0_i32_1 = arith.constant 0 : i32
    return %c0_i32, %c0_i32_0 : i32, i32
  }
  func.func @transform_3(%arg0: i32) -> (i32, i32) {
    %c0_i32 = arith.constant 0 : i32
    %c0_i32_0 = arith.constant 0 : i32
    %c0_i32_1 = arith.constant 0 : i32
    return %c0_i32, %c0_i32_0 : i32, i32
  }
  func.func @transform_4(%arg0: i32) -> (i32, i32) {
    %c0_i32 = arith.constant 0 : i32
    %c0_i32_0 = arith.constant 0 : i32
    %c0_i32_1 = arith.constant 0 : i32
    return %c0_i32, %c0_i32_0 : i32, i32
  }
  func.func @transform_5(%arg0: i32) -> (i32, i32, i32) {
    %c0_i32 = arith.constant 0 : i32
    %c0_i32_0 = arith.constant 0 : i32
    %c0_i32_1 = arith.constant 0 : i32
    return %arg0, %c0_i32, %c0_i32_0 : i32, i32, i32
  }
  func.func @transform_6(%arg0: i32) -> (i32, i32) {
    %c0_i32 = arith.constant 0 : i32
    %c0_i32_0 = arith.constant 0 : i32
    %c0_i32_1 = arith.constant 0 : i32
    return %c0_i32, %c0_i32_0 : i32, i32
  }
  func.func @transform_7(%arg0: i32) -> (i32, i32) {
    %c0_i32 = arith.constant 0 : i32
    %c0_i32_0 = arith.constant 0 : i32
    %c0_i32_1 = arith.constant 0 : i32
    return %c0_i32, %c0_i32_0 : i32, i32
  }
  func.func @transform_8(%arg0: i32) -> (i32, i32) {
    %c0_i32 = arith.constant 0 : i32
    %c0_i32_0 = arith.constant 0 : i32
    %c0_i32_1 = arith.constant 0 : i32
    return %c0_i32, %c0_i32_0 : i32, i32
  }
}

module attributes {stable_mosaic.version = 14 : i64} {
  func.func @body(%arg0: i32, %arg1: memref<1x64x12544xf32, #tpu.memory_space<vmem>>, %arg2: memref<9x64x64xf32, #tpu.memory_space<vmem>>, %arg3: memref<64x1xf32, #tpu.memory_space<vmem>>, %arg4: memref<1x64x12544xf32, #tpu.memory_space<vmem>>, %arg5: memref<64x1xf32, #tpu.memory_space<vmem>>, %arg6: memref<64x1xf32, #tpu.memory_space<vmem>>) attributes {dimension_semantics = [#tpu.dimension_semantics<arbitrary>], iteration_bounds = array<i64: 8>, scalar_prefetch = 0 : i64, scratch_operands = 0 : i64, tpu.core_type = #tpu.core_type<tc>, window_params = [{transform_indices = @transform_0, window_bounds = array<i64: 1, 64, 12544>}, {pipeline_mode = #tpu.pipeline_mode<synchronous>, transform_indices = @transform_1, window_bounds = array<i64: 9, 64, 64>}, {pipeline_mode = #tpu.pipeline_mode<synchronous>, transform_indices = @transform_2, window_bounds = array<i64: 64, 1>}, {transform_indices = @transform_3, window_bounds = array<i64: 1, 64, 12544>}, {pipeline_mode = #tpu.pipeline_mode<synchronous>, transform_indices = @transform_4, window_bounds = array<i64: 64, 1>}, {pipeline_mode = #tpu.pipeline_mode<synchronous>, transform_indices = @transform_5, window_bounds = array<i64: 64, 1>}]} {
    %get3A = arith.constant 0 : index
    %get3A_0 = arith.constant 0 : index
    %get3A_1 = arith.constant 0 : index
    %get3A_2 = vector.load %arg1[%get3A, %get3A_0, %get3A_1] : memref<1x64x12544xf32, #tpu.memory_space<vmem>>, vector<1x64x12544xf32>
    %get3A_3 = vector.shape_cast %get3A_2 : vector<1x64x12544xf32> to vector<64x12544xf32>
    %broadcast_in_dim3A = arith.constant 0.000000e+00 : f32
    %broadcast_in_dim3A_4 = vector.broadcast %broadcast_in_dim3A : f32 to vector<64x12544xf32>
    %get3A_5 = arith.constant 0 : index
    %get3A_6 = arith.constant 0 : index
    %get3A_7 = arith.constant 0 : index
    %get3A_8 = vector.load %arg2[%get3A_5, %get3A_6, %get3A_7] : memref<9x64x64xf32, #tpu.memory_space<vmem>>, vector<1x64x64xf32>
    %get3A_9 = vector.shape_cast %get3A_8 : vector<1x64x64xf32> to vector<64x64xf32>
    %broadcast_in_dim3A_10 = arith.constant 0.000000e+00 : f32
    %broadcast_in_dim3A_11 = vector.broadcast %broadcast_in_dim3A_10 : f32 to vector<64x112xf32>
    %slice3A = vector.extract_strided_slice %get3A_3 {offsets = [0, 0], sizes = [64, 12432], strides = [1, 1]} : vector<64x12544xf32> to vector<64x12432xf32>
    %concatenate3A = tpu.concatenate %broadcast_in_dim3A_11, %slice3A in 1 : vector<64x112xf32>, vector<64x12432xf32> -> vector<64x12544xf32>
    %broadcast_in_dim3A_12 = arith.constant 0.000000e+00 : f32
    %broadcast_in_dim3A_13 = vector.broadcast %broadcast_in_dim3A_12 : f32 to vector<64x1xf32>
    %slice3A_14 = vector.extract_strided_slice %concatenate3A {offsets = [0, 0], sizes = [64, 12543], strides = [1, 1]} : vector<64x12544xf32> to vector<64x12543xf32>
    %concatenate3A_15 = tpu.concatenate %broadcast_in_dim3A_13, %slice3A_14 in 1 : vector<64x1xf32>, vector<64x12543xf32> -> vector<64x12544xf32>
    %iota3A = tpu.iota {dimensions = array<i32: 1>} : vector<1x12544xi32>
    %jit3A = arith.constant 112 : i32
    %eq3A = arith.constant 0 : i32
    %eq3A_16 = arith.cmpi eq, %jit3A, %eq3A : i32
    %jit3A_17 = arith.constant 1 : i32
    %select_n3A = arith.select %eq3A_16, %jit3A_17, %jit3A : i32
    %rem3A = vector.broadcast %select_n3A : i32 to vector<1x12544xi32>
    %rem3A_18 = arith.remsi %iota3A, %rem3A : vector<1x12544xi32>
    %ne3A = arith.constant 0 : i32
    %ne3A_19 = vector.broadcast %ne3A : i32 to vector<1x12544xi32>
    %ne3A_20 = arith.cmpi ne, %rem3A_18, %ne3A_19 : vector<1x12544xi32>
    %lt3A = arith.constant 0 : i32
    %lt3A_21 = vector.broadcast %lt3A : i32 to vector<1x12544xi32>
    %lt3A_22 = arith.cmpi slt, %rem3A_18, %lt3A_21 : vector<1x12544xi32>
    %lt3A_23 = arith.constant 0 : i32
    %lt3A_24 = arith.cmpi slt, %select_n3A, %lt3A_23 : i32
    %ne3A_25 = vector.broadcast %lt3A_24 : i1 to vector<1x12544xi1>
    %ne3A_26 = vector.broadcast %ne3A_25 : vector<1x12544xi1> to vector<1x12544xi1>
    %ne3A_27 = arith.xori %lt3A_22, %ne3A_26 : vector<1x12544xi1>
    %and3A = arith.andi %ne3A_27, %ne3A_20 : vector<1x12544xi1>
    %add3A = vector.broadcast %select_n3A : i32 to vector<1x12544xi32>
    %add3A_28 = arith.addi %rem3A_18, %add3A : vector<1x12544xi32>
    %select_n3A_29 = arith.select %and3A, %add3A_28, %rem3A_18 : vector<1x12544xi1>, vector<1x12544xi32>
    %eq3A_30 = arith.constant 0 : i32
    %eq3A_31 = vector.broadcast %eq3A_30 : i32 to vector<1x12544xi32>
    %eq3A_32 = arith.cmpi eq, %select_n3A_29, %eq3A_31 : vector<1x12544xi32>
    %broadcast_in_dim3A_33 = arith.constant 0.000000e+00 : f32
    %broadcast_in_dim3A_34 = vector.broadcast %broadcast_in_dim3A_33 : f32 to vector<64x12544xf32>
    %broadcast_in_dim3A_35 = vector.shape_cast %eq3A_32 : vector<1x12544xi1> to vector<1x12544xi1>
    %broadcast_in_dim3A_36 = vector.broadcast %broadcast_in_dim3A_35 : vector<1x12544xi1> to vector<64x12544xi1>
    %select_n3A_37 = arith.select %broadcast_in_dim3A_36, %broadcast_in_dim3A_34, %concatenate3A_15 : vector<64x12544xi1>, vector<64x12544xf32>
    %convert_element_type3A = arith.truncf %get3A_9 : vector<64x64xf32> to vector<64x64xbf16>
    %convert_element_type3A_38 = arith.truncf %select_n3A_37 : vector<64x12544xf32> to vector<64x12544xbf16>
    %dot_general3A = arith.constant dense<0.000000e+00> : vector<64x12544xf32>
    %dot_general3A_39 = tpu.matmul %convert_element_type3A, %convert_element_type3A_38, %dot_general3A {dimension_numbers = #tpu.dot_dimension_numbers<[1], [0], [0], [1], [0, 0, 1, 1], [], []>, transpose_lhs_hint = false} : vector<64x64xbf16>, vector<64x12544xbf16>, vector<64x12544xf32> -> vector<64x12544xf32>
    %add3A_40 = arith.addf %broadcast_in_dim3A_4, %dot_general3A_39 : vector<64x12544xf32>
    %get3A_41 = arith.constant 1 : index
    %get3A_42 = arith.constant 0 : index
    %get3A_43 = arith.constant 0 : index
    %get3A_44 = vector.load %arg2[%get3A_41, %get3A_42, %get3A_43] : memref<9x64x64xf32, #tpu.memory_space<vmem>>, vector<1x64x64xf32>
    %get3A_45 = vector.shape_cast %get3A_44 : vector<1x64x64xf32> to vector<64x64xf32>
    %broadcast_in_dim3A_46 = arith.constant 0.000000e+00 : f32
    %broadcast_in_dim3A_47 = vector.broadcast %broadcast_in_dim3A_46 : f32 to vector<64x112xf32>
    %slice3A_48 = vector.extract_strided_slice %get3A_3 {offsets = [0, 0], sizes = [64, 12432], strides = [1, 1]} : vector<64x12544xf32> to vector<64x12432xf32>
    %concatenate3A_49 = tpu.concatenate %broadcast_in_dim3A_47, %slice3A_48 in 1 : vector<64x112xf32>, vector<64x12432xf32> -> vector<64x12544xf32>
    %convert_element_type3A_50 = arith.truncf %get3A_45 : vector<64x64xf32> to vector<64x64xbf16>
    %convert_element_type3A_51 = arith.truncf %concatenate3A_49 : vector<64x12544xf32> to vector<64x12544xbf16>
    %dot_general3A_52 = arith.constant dense<0.000000e+00> : vector<64x12544xf32>
    %dot_general3A_53 = tpu.matmul %convert_element_type3A_50, %convert_element_type3A_51, %dot_general3A_52 {dimension_numbers = #tpu.dot_dimension_numbers<[1], [0], [0], [1], [0, 0, 1, 1], [], []>, transpose_lhs_hint = false} : vector<64x64xbf16>, vector<64x12544xbf16>, vector<64x12544xf32> -> vector<64x12544xf32>
    %add3A_54 = arith.addf %add3A_40, %dot_general3A_53 : vector<64x12544xf32>
    %get3A_55 = arith.constant 2 : index
    %get3A_56 = arith.constant 0 : index
    %get3A_57 = arith.constant 0 : index
    %get3A_58 = vector.load %arg2[%get3A_55, %get3A_56, %get3A_57] : memref<9x64x64xf32, #tpu.memory_space<vmem>>, vector<1x64x64xf32>
    %get3A_59 = vector.shape_cast %get3A_58 : vector<1x64x64xf32> to vector<64x64xf32>
    %broadcast_in_dim3A_60 = arith.constant 0.000000e+00 : f32
    %broadcast_in_dim3A_61 = vector.broadcast %broadcast_in_dim3A_60 : f32 to vector<64x112xf32>
    %slice3A_62 = vector.extract_strided_slice %get3A_3 {offsets = [0, 0], sizes = [64, 12432], strides = [1, 1]} : vector<64x12544xf32> to vector<64x12432xf32>
    %concatenate3A_63 = tpu.concatenate %broadcast_in_dim3A_61, %slice3A_62 in 1 : vector<64x112xf32>, vector<64x12432xf32> -> vector<64x12544xf32>
    %slice3A_64 = vector.extract_strided_slice %concatenate3A_63 {offsets = [0, 1], sizes = [64, 12543], strides = [1, 1]} : vector<64x12544xf32> to vector<64x12543xf32>
    %broadcast_in_dim3A_65 = arith.constant 0.000000e+00 : f32
    %broadcast_in_dim3A_66 = vector.broadcast %broadcast_in_dim3A_65 : f32 to vector<64x1xf32>
    %concatenate3A_67 = tpu.concatenate %slice3A_64, %broadcast_in_dim3A_66 in 1 : vector<64x12543xf32>, vector<64x1xf32> -> vector<64x12544xf32>
    %iota3A_68 = tpu.iota {dimensions = array<i32: 1>} : vector<1x12544xi32>
    %jit3A_69 = arith.constant 112 : i32
    %eq3A_70 = arith.constant 0 : i32
    %eq3A_71 = arith.cmpi eq, %jit3A_69, %eq3A_70 : i32
    %jit3A_72 = arith.constant 1 : i32
    %select_n3A_73 = arith.select %eq3A_71, %jit3A_72, %jit3A_69 : i32
    %rem3A_74 = vector.broadcast %select_n3A_73 : i32 to vector<1x12544xi32>
    %rem3A_75 = arith.remsi %iota3A_68, %rem3A_74 : vector<1x12544xi32>
    %ne3A_76 = arith.constant 0 : i32
    %ne3A_77 = vector.broadcast %ne3A_76 : i32 to vector<1x12544xi32>
    %ne3A_78 = arith.cmpi ne, %rem3A_75, %ne3A_77 : vector<1x12544xi32>
    %lt3A_79 = arith.constant 0 : i32
    %lt3A_80 = vector.broadcast %lt3A_79 : i32 to vector<1x12544xi32>
    %lt3A_81 = arith.cmpi slt, %rem3A_75, %lt3A_80 : vector<1x12544xi32>
    %lt3A_82 = arith.constant 0 : i32
    %lt3A_83 = arith.cmpi slt, %select_n3A_73, %lt3A_82 : i32
    %ne3A_84 = vector.broadcast %lt3A_83 : i1 to vector<1x12544xi1>
    %ne3A_85 = vector.broadcast %ne3A_84 : vector<1x12544xi1> to vector<1x12544xi1>
    %ne3A_86 = arith.xori %lt3A_81, %ne3A_85 : vector<1x12544xi1>
    %and3A_87 = arith.andi %ne3A_86, %ne3A_78 : vector<1x12544xi1>
    %add3A_88 = vector.broadcast %select_n3A_73 : i32 to vector<1x12544xi32>
    %add3A_89 = arith.addi %rem3A_75, %add3A_88 : vector<1x12544xi32>
    %select_n3A_90 = arith.select %and3A_87, %add3A_89, %rem3A_75 : vector<1x12544xi1>, vector<1x12544xi32>
    %eq3A_91 = arith.constant 111 : i32
    %eq3A_92 = vector.broadcast %eq3A_91 : i32 to vector<1x12544xi32>
    %eq3A_93 = arith.cmpi eq, %select_n3A_90, %eq3A_92 : vector<1x12544xi32>
    %broadcast_in_dim3A_94 = arith.constant 0.000000e+00 : f32
    %broadcast_in_dim3A_95 = vector.broadcast %broadcast_in_dim3A_94 : f32 to vector<64x12544xf32>
    %broadcast_in_dim3A_96 = vector.shape_cast %eq3A_93 : vector<1x12544xi1> to vector<1x12544xi1>
    %broadcast_in_dim3A_97 = vector.broadcast %broadcast_in_dim3A_96 : vector<1x12544xi1> to vector<64x12544xi1>
    %select_n3A_98 = arith.select %broadcast_in_dim3A_97, %broadcast_in_dim3A_95, %concatenate3A_67 : vector<64x12544xi1>, vector<64x12544xf32>
    %convert_element_type3A_99 = arith.truncf %get3A_59 : vector<64x64xf32> to vector<64x64xbf16>
    %convert_element_type3A_100 = arith.truncf %select_n3A_98 : vector<64x12544xf32> to vector<64x12544xbf16>
    %dot_general3A_101 = arith.constant dense<0.000000e+00> : vector<64x12544xf32>
    %dot_general3A_102 = tpu.matmul %convert_element_type3A_99, %convert_element_type3A_100, %dot_general3A_101 {dimension_numbers = #tpu.dot_dimension_numbers<[1], [0], [0], [1], [0, 0, 1, 1], [], []>, transpose_lhs_hint = false} : vector<64x64xbf16>, vector<64x12544xbf16>, vector<64x12544xf32> -> vector<64x12544xf32>
    %add3A_103 = arith.addf %add3A_54, %dot_general3A_102 : vector<64x12544xf32>
    %get3A_104 = arith.constant 3 : index
    %get3A_105 = arith.constant 0 : index
    %get3A_106 = arith.constant 0 : index
    %get3A_107 = vector.load %arg2[%get3A_104, %get3A_105, %get3A_106] : memref<9x64x64xf32, #tpu.memory_space<vmem>>, vector<1x64x64xf32>
    %get3A_108 = vector.shape_cast %get3A_107 : vector<1x64x64xf32> to vector<64x64xf32>
    %broadcast_in_dim3A_109 = arith.constant 0.000000e+00 : f32
    %broadcast_in_dim3A_110 = vector.broadcast %broadcast_in_dim3A_109 : f32 to vector<64x1xf32>
    %slice3A_111 = vector.extract_strided_slice %get3A_3 {offsets = [0, 0], sizes = [64, 12543], strides = [1, 1]} : vector<64x12544xf32> to vector<64x12543xf32>
    %concatenate3A_112 = tpu.concatenate %broadcast_in_dim3A_110, %slice3A_111 in 1 : vector<64x1xf32>, vector<64x12543xf32> -> vector<64x12544xf32>
    %iota3A_113 = tpu.iota {dimensions = array<i32: 1>} : vector<1x12544xi32>
    %jit3A_114 = arith.constant 112 : i32
    %eq3A_115 = arith.constant 0 : i32
    %eq3A_116 = arith.cmpi eq, %jit3A_114, %eq3A_115 : i32
    %jit3A_117 = arith.constant 1 : i32
    %select_n3A_118 = arith.select %eq3A_116, %jit3A_117, %jit3A_114 : i32
    %rem3A_119 = vector.broadcast %select_n3A_118 : i32 to vector<1x12544xi32>
    %rem3A_120 = arith.remsi %iota3A_113, %rem3A_119 : vector<1x12544xi32>
    %ne3A_121 = arith.constant 0 : i32
    %ne3A_122 = vector.broadcast %ne3A_121 : i32 to vector<1x12544xi32>
    %ne3A_123 = arith.cmpi ne, %rem3A_120, %ne3A_122 : vector<1x12544xi32>
    %lt3A_124 = arith.constant 0 : i32
    %lt3A_125 = vector.broadcast %lt3A_124 : i32 to vector<1x12544xi32>
    %lt3A_126 = arith.cmpi slt, %rem3A_120, %lt3A_125 : vector<1x12544xi32>
    %lt3A_127 = arith.constant 0 : i32
    %lt3A_128 = arith.cmpi slt, %select_n3A_118, %lt3A_127 : i32
    %ne3A_129 = vector.broadcast %lt3A_128 : i1 to vector<1x12544xi1>
    %ne3A_130 = vector.broadcast %ne3A_129 : vector<1x12544xi1> to vector<1x12544xi1>
    %ne3A_131 = arith.xori %lt3A_126, %ne3A_130 : vector<1x12544xi1>
    %and3A_132 = arith.andi %ne3A_131, %ne3A_123 : vector<1x12544xi1>
    %add3A_133 = vector.broadcast %select_n3A_118 : i32 to vector<1x12544xi32>
    %add3A_134 = arith.addi %rem3A_120, %add3A_133 : vector<1x12544xi32>
    %select_n3A_135 = arith.select %and3A_132, %add3A_134, %rem3A_120 : vector<1x12544xi1>, vector<1x12544xi32>
    %eq3A_136 = arith.constant 0 : i32
    %eq3A_137 = vector.broadcast %eq3A_136 : i32 to vector<1x12544xi32>
    %eq3A_138 = arith.cmpi eq, %select_n3A_135, %eq3A_137 : vector<1x12544xi32>
    %broadcast_in_dim3A_139 = arith.constant 0.000000e+00 : f32
    %broadcast_in_dim3A_140 = vector.broadcast %broadcast_in_dim3A_139 : f32 to vector<64x12544xf32>
    %broadcast_in_dim3A_141 = vector.shape_cast %eq3A_138 : vector<1x12544xi1> to vector<1x12544xi1>
    %broadcast_in_dim3A_142 = vector.broadcast %broadcast_in_dim3A_141 : vector<1x12544xi1> to vector<64x12544xi1>
    %select_n3A_143 = arith.select %broadcast_in_dim3A_142, %broadcast_in_dim3A_140, %concatenate3A_112 : vector<64x12544xi1>, vector<64x12544xf32>
    %convert_element_type3A_144 = arith.truncf %get3A_108 : vector<64x64xf32> to vector<64x64xbf16>
    %convert_element_type3A_145 = arith.truncf %select_n3A_143 : vector<64x12544xf32> to vector<64x12544xbf16>
    %dot_general3A_146 = arith.constant dense<0.000000e+00> : vector<64x12544xf32>
    %dot_general3A_147 = tpu.matmul %convert_element_type3A_144, %convert_element_type3A_145, %dot_general3A_146 {dimension_numbers = #tpu.dot_dimension_numbers<[1], [0], [0], [1], [0, 0, 1, 1], [], []>, transpose_lhs_hint = false} : vector<64x64xbf16>, vector<64x12544xbf16>, vector<64x12544xf32> -> vector<64x12544xf32>
    %add3A_148 = arith.addf %add3A_103, %dot_general3A_147 : vector<64x12544xf32>
    %get3A_149 = arith.constant 4 : index
    %get3A_150 = arith.constant 0 : index
    %get3A_151 = arith.constant 0 : index
    %get3A_152 = vector.load %arg2[%get3A_149, %get3A_150, %get3A_151] : memref<9x64x64xf32, #tpu.memory_space<vmem>>, vector<1x64x64xf32>
    %get3A_153 = vector.shape_cast %get3A_152 : vector<1x64x64xf32> to vector<64x64xf32>
    %convert_element_type3A_154 = arith.truncf %get3A_153 : vector<64x64xf32> to vector<64x64xbf16>
    %convert_element_type3A_155 = arith.truncf %get3A_3 : vector<64x12544xf32> to vector<64x12544xbf16>
    %dot_general3A_156 = arith.constant dense<0.000000e+00> : vector<64x12544xf32>
    %dot_general3A_157 = tpu.matmul %convert_element_type3A_154, %convert_element_type3A_155, %dot_general3A_156 {dimension_numbers = #tpu.dot_dimension_numbers<[1], [0], [0], [1], [0, 0, 1, 1], [], []>, transpose_lhs_hint = false} : vector<64x64xbf16>, vector<64x12544xbf16>, vector<64x12544xf32> -> vector<64x12544xf32>
    %add3A_158 = arith.addf %add3A_148, %dot_general3A_157 : vector<64x12544xf32>
    %get3A_159 = arith.constant 5 : index
    %get3A_160 = arith.constant 0 : index
    %get3A_161 = arith.constant 0 : index
    %get3A_162 = vector.load %arg2[%get3A_159, %get3A_160, %get3A_161] : memref<9x64x64xf32, #tpu.memory_space<vmem>>, vector<1x64x64xf32>
    %get3A_163 = vector.shape_cast %get3A_162 : vector<1x64x64xf32> to vector<64x64xf32>
    %slice3A_164 = vector.extract_strided_slice %get3A_3 {offsets = [0, 1], sizes = [64, 12543], strides = [1, 1]} : vector<64x12544xf32> to vector<64x12543xf32>
    %broadcast_in_dim3A_165 = arith.constant 0.000000e+00 : f32
    %broadcast_in_dim3A_166 = vector.broadcast %broadcast_in_dim3A_165 : f32 to vector<64x1xf32>
    %concatenate3A_167 = tpu.concatenate %slice3A_164, %broadcast_in_dim3A_166 in 1 : vector<64x12543xf32>, vector<64x1xf32> -> vector<64x12544xf32>
    %iota3A_168 = tpu.iota {dimensions = array<i32: 1>} : vector<1x12544xi32>
    %jit3A_169 = arith.constant 112 : i32
    %eq3A_170 = arith.constant 0 : i32
    %eq3A_171 = arith.cmpi eq, %jit3A_169, %eq3A_170 : i32
    %jit3A_172 = arith.constant 1 : i32
    %select_n3A_173 = arith.select %eq3A_171, %jit3A_172, %jit3A_169 : i32
    %rem3A_174 = vector.broadcast %select_n3A_173 : i32 to vector<1x12544xi32>
    %rem3A_175 = arith.remsi %iota3A_168, %rem3A_174 : vector<1x12544xi32>
    %ne3A_176 = arith.constant 0 : i32
    %ne3A_177 = vector.broadcast %ne3A_176 : i32 to vector<1x12544xi32>
    %ne3A_178 = arith.cmpi ne, %rem3A_175, %ne3A_177 : vector<1x12544xi32>
    %lt3A_179 = arith.constant 0 : i32
    %lt3A_180 = vector.broadcast %lt3A_179 : i32 to vector<1x12544xi32>
    %lt3A_181 = arith.cmpi slt, %rem3A_175, %lt3A_180 : vector<1x12544xi32>
    %lt3A_182 = arith.constant 0 : i32
    %lt3A_183 = arith.cmpi slt, %select_n3A_173, %lt3A_182 : i32
    %ne3A_184 = vector.broadcast %lt3A_183 : i1 to vector<1x12544xi1>
    %ne3A_185 = vector.broadcast %ne3A_184 : vector<1x12544xi1> to vector<1x12544xi1>
    %ne3A_186 = arith.xori %lt3A_181, %ne3A_185 : vector<1x12544xi1>
    %and3A_187 = arith.andi %ne3A_186, %ne3A_178 : vector<1x12544xi1>
    %add3A_188 = vector.broadcast %select_n3A_173 : i32 to vector<1x12544xi32>
    %add3A_189 = arith.addi %rem3A_175, %add3A_188 : vector<1x12544xi32>
    %select_n3A_190 = arith.select %and3A_187, %add3A_189, %rem3A_175 : vector<1x12544xi1>, vector<1x12544xi32>
    %eq3A_191 = arith.constant 111 : i32
    %eq3A_192 = vector.broadcast %eq3A_191 : i32 to vector<1x12544xi32>
    %eq3A_193 = arith.cmpi eq, %select_n3A_190, %eq3A_192 : vector<1x12544xi32>
    %broadcast_in_dim3A_194 = arith.constant 0.000000e+00 : f32
    %broadcast_in_dim3A_195 = vector.broadcast %broadcast_in_dim3A_194 : f32 to vector<64x12544xf32>
    %broadcast_in_dim3A_196 = vector.shape_cast %eq3A_193 : vector<1x12544xi1> to vector<1x12544xi1>
    %broadcast_in_dim3A_197 = vector.broadcast %broadcast_in_dim3A_196 : vector<1x12544xi1> to vector<64x12544xi1>
    %select_n3A_198 = arith.select %broadcast_in_dim3A_197, %broadcast_in_dim3A_195, %concatenate3A_167 : vector<64x12544xi1>, vector<64x12544xf32>
    %convert_element_type3A_199 = arith.truncf %get3A_163 : vector<64x64xf32> to vector<64x64xbf16>
    %convert_element_type3A_200 = arith.truncf %select_n3A_198 : vector<64x12544xf32> to vector<64x12544xbf16>
    %dot_general3A_201 = arith.constant dense<0.000000e+00> : vector<64x12544xf32>
    %dot_general3A_202 = tpu.matmul %convert_element_type3A_199, %convert_element_type3A_200, %dot_general3A_201 {dimension_numbers = #tpu.dot_dimension_numbers<[1], [0], [0], [1], [0, 0, 1, 1], [], []>, transpose_lhs_hint = false} : vector<64x64xbf16>, vector<64x12544xbf16>, vector<64x12544xf32> -> vector<64x12544xf32>
    %add3A_203 = arith.addf %add3A_158, %dot_general3A_202 : vector<64x12544xf32>
    %get3A_204 = arith.constant 6 : index
    %get3A_205 = arith.constant 0 : index
    %get3A_206 = arith.constant 0 : index
    %get3A_207 = vector.load %arg2[%get3A_204, %get3A_205, %get3A_206] : memref<9x64x64xf32, #tpu.memory_space<vmem>>, vector<1x64x64xf32>
    %get3A_208 = vector.shape_cast %get3A_207 : vector<1x64x64xf32> to vector<64x64xf32>
    %slice3A_209 = vector.extract_strided_slice %get3A_3 {offsets = [0, 112], sizes = [64, 12432], strides = [1, 1]} : vector<64x12544xf32> to vector<64x12432xf32>
    %broadcast_in_dim3A_210 = arith.constant 0.000000e+00 : f32
    %broadcast_in_dim3A_211 = vector.broadcast %broadcast_in_dim3A_210 : f32 to vector<64x112xf32>
    %concatenate3A_212 = tpu.concatenate %slice3A_209, %broadcast_in_dim3A_211 in 1 : vector<64x12432xf32>, vector<64x112xf32> -> vector<64x12544xf32>
    %broadcast_in_dim3A_213 = arith.constant 0.000000e+00 : f32
    %broadcast_in_dim3A_214 = vector.broadcast %broadcast_in_dim3A_213 : f32 to vector<64x1xf32>
    %slice3A_215 = vector.extract_strided_slice %concatenate3A_212 {offsets = [0, 0], sizes = [64, 12543], strides = [1, 1]} : vector<64x12544xf32> to vector<64x12543xf32>
    %concatenate3A_216 = tpu.concatenate %broadcast_in_dim3A_214, %slice3A_215 in 1 : vector<64x1xf32>, vector<64x12543xf32> -> vector<64x12544xf32>
    %iota3A_217 = tpu.iota {dimensions = array<i32: 1>} : vector<1x12544xi32>
    %jit3A_218 = arith.constant 112 : i32
    %eq3A_219 = arith.constant 0 : i32
    %eq3A_220 = arith.cmpi eq, %jit3A_218, %eq3A_219 : i32
    %jit3A_221 = arith.constant 1 : i32
    %select_n3A_222 = arith.select %eq3A_220, %jit3A_221, %jit3A_218 : i32
    %rem3A_223 = vector.broadcast %select_n3A_222 : i32 to vector<1x12544xi32>
    %rem3A_224 = arith.remsi %iota3A_217, %rem3A_223 : vector<1x12544xi32>
    %ne3A_225 = arith.constant 0 : i32
    %ne3A_226 = vector.broadcast %ne3A_225 : i32 to vector<1x12544xi32>
    %ne3A_227 = arith.cmpi ne, %rem3A_224, %ne3A_226 : vector<1x12544xi32>
    %lt3A_228 = arith.constant 0 : i32
    %lt3A_229 = vector.broadcast %lt3A_228 : i32 to vector<1x12544xi32>
    %lt3A_230 = arith.cmpi slt, %rem3A_224, %lt3A_229 : vector<1x12544xi32>
    %lt3A_231 = arith.constant 0 : i32
    %lt3A_232 = arith.cmpi slt, %select_n3A_222, %lt3A_231 : i32
    %ne3A_233 = vector.broadcast %lt3A_232 : i1 to vector<1x12544xi1>
    %ne3A_234 = vector.broadcast %ne3A_233 : vector<1x12544xi1> to vector<1x12544xi1>
    %ne3A_235 = arith.xori %lt3A_230, %ne3A_234 : vector<1x12544xi1>
    %and3A_236 = arith.andi %ne3A_235, %ne3A_227 : vector<1x12544xi1>
    %add3A_237 = vector.broadcast %select_n3A_222 : i32 to vector<1x12544xi32>
    %add3A_238 = arith.addi %rem3A_224, %add3A_237 : vector<1x12544xi32>
    %select_n3A_239 = arith.select %and3A_236, %add3A_238, %rem3A_224 : vector<1x12544xi1>, vector<1x12544xi32>
    %eq3A_240 = arith.constant 0 : i32
    %eq3A_241 = vector.broadcast %eq3A_240 : i32 to vector<1x12544xi32>
    %eq3A_242 = arith.cmpi eq, %select_n3A_239, %eq3A_241 : vector<1x12544xi32>
    %broadcast_in_dim3A_243 = arith.constant 0.000000e+00 : f32
    %broadcast_in_dim3A_244 = vector.broadcast %broadcast_in_dim3A_243 : f32 to vector<64x12544xf32>
    %broadcast_in_dim3A_245 = vector.shape_cast %eq3A_242 : vector<1x12544xi1> to vector<1x12544xi1>
    %broadcast_in_dim3A_246 = vector.broadcast %broadcast_in_dim3A_245 : vector<1x12544xi1> to vector<64x12544xi1>
    %select_n3A_247 = arith.select %broadcast_in_dim3A_246, %broadcast_in_dim3A_244, %concatenate3A_216 : vector<64x12544xi1>, vector<64x12544xf32>
    %convert_element_type3A_248 = arith.truncf %get3A_208 : vector<64x64xf32> to vector<64x64xbf16>
    %convert_element_type3A_249 = arith.truncf %select_n3A_247 : vector<64x12544xf32> to vector<64x12544xbf16>
    %dot_general3A_250 = arith.constant dense<0.000000e+00> : vector<64x12544xf32>
    %dot_general3A_251 = tpu.matmul %convert_element_type3A_248, %convert_element_type3A_249, %dot_general3A_250 {dimension_numbers = #tpu.dot_dimension_numbers<[1], [0], [0], [1], [0, 0, 1, 1], [], []>, transpose_lhs_hint = false} : vector<64x64xbf16>, vector<64x12544xbf16>, vector<64x12544xf32> -> vector<64x12544xf32>
    %add3A_252 = arith.addf %add3A_203, %dot_general3A_251 : vector<64x12544xf32>
    %get3A_253 = arith.constant 7 : index
    %get3A_254 = arith.constant 0 : index
    %get3A_255 = arith.constant 0 : index
    %get3A_256 = vector.load %arg2[%get3A_253, %get3A_254, %get3A_255] : memref<9x64x64xf32, #tpu.memory_space<vmem>>, vector<1x64x64xf32>
    %get3A_257 = vector.shape_cast %get3A_256 : vector<1x64x64xf32> to vector<64x64xf32>
    %slice3A_258 = vector.extract_strided_slice %get3A_3 {offsets = [0, 112], sizes = [64, 12432], strides = [1, 1]} : vector<64x12544xf32> to vector<64x12432xf32>
    %broadcast_in_dim3A_259 = arith.constant 0.000000e+00 : f32
    %broadcast_in_dim3A_260 = vector.broadcast %broadcast_in_dim3A_259 : f32 to vector<64x112xf32>
    %concatenate3A_261 = tpu.concatenate %slice3A_258, %broadcast_in_dim3A_260 in 1 : vector<64x12432xf32>, vector<64x112xf32> -> vector<64x12544xf32>
    %convert_element_type3A_262 = arith.truncf %get3A_257 : vector<64x64xf32> to vector<64x64xbf16>
    %convert_element_type3A_263 = arith.truncf %concatenate3A_261 : vector<64x12544xf32> to vector<64x12544xbf16>
    %dot_general3A_264 = arith.constant dense<0.000000e+00> : vector<64x12544xf32>
    %dot_general3A_265 = tpu.matmul %convert_element_type3A_262, %convert_element_type3A_263, %dot_general3A_264 {dimension_numbers = #tpu.dot_dimension_numbers<[1], [0], [0], [1], [0, 0, 1, 1], [], []>, transpose_lhs_hint = false} : vector<64x64xbf16>, vector<64x12544xbf16>, vector<64x12544xf32> -> vector<64x12544xf32>
    %add3A_266 = arith.addf %add3A_252, %dot_general3A_265 : vector<64x12544xf32>
    %get3A_267 = arith.constant 8 : index
    %get3A_268 = arith.constant 0 : index
    %get3A_269 = arith.constant 0 : index
    %get3A_270 = vector.load %arg2[%get3A_267, %get3A_268, %get3A_269] : memref<9x64x64xf32, #tpu.memory_space<vmem>>, vector<1x64x64xf32>
    %get3A_271 = vector.shape_cast %get3A_270 : vector<1x64x64xf32> to vector<64x64xf32>
    %slice3A_272 = vector.extract_strided_slice %get3A_3 {offsets = [0, 112], sizes = [64, 12432], strides = [1, 1]} : vector<64x12544xf32> to vector<64x12432xf32>
    %broadcast_in_dim3A_273 = arith.constant 0.000000e+00 : f32
    %broadcast_in_dim3A_274 = vector.broadcast %broadcast_in_dim3A_273 : f32 to vector<64x112xf32>
    %concatenate3A_275 = tpu.concatenate %slice3A_272, %broadcast_in_dim3A_274 in 1 : vector<64x12432xf32>, vector<64x112xf32> -> vector<64x12544xf32>
    %slice3A_276 = vector.extract_strided_slice %concatenate3A_275 {offsets = [0, 1], sizes = [64, 12543], strides = [1, 1]} : vector<64x12544xf32> to vector<64x12543xf32>
    %broadcast_in_dim3A_277 = arith.constant 0.000000e+00 : f32
    %broadcast_in_dim3A_278 = vector.broadcast %broadcast_in_dim3A_277 : f32 to vector<64x1xf32>
    %concatenate3A_279 = tpu.concatenate %slice3A_276, %broadcast_in_dim3A_278 in 1 : vector<64x12543xf32>, vector<64x1xf32> -> vector<64x12544xf32>
    %iota3A_280 = tpu.iota {dimensions = array<i32: 1>} : vector<1x12544xi32>
    %jit3A_281 = arith.constant 112 : i32
    %eq3A_282 = arith.constant 0 : i32
    %eq3A_283 = arith.cmpi eq, %jit3A_281, %eq3A_282 : i32
    %jit3A_284 = arith.constant 1 : i32
    %select_n3A_285 = arith.select %eq3A_283, %jit3A_284, %jit3A_281 : i32
    %rem3A_286 = vector.broadcast %select_n3A_285 : i32 to vector<1x12544xi32>
    %rem3A_287 = arith.remsi %iota3A_280, %rem3A_286 : vector<1x12544xi32>
    %ne3A_288 = arith.constant 0 : i32
    %ne3A_289 = vector.broadcast %ne3A_288 : i32 to vector<1x12544xi32>
    %ne3A_290 = arith.cmpi ne, %rem3A_287, %ne3A_289 : vector<1x12544xi32>
    %lt3A_291 = arith.constant 0 : i32
    %lt3A_292 = vector.broadcast %lt3A_291 : i32 to vector<1x12544xi32>
    %lt3A_293 = arith.cmpi slt, %rem3A_287, %lt3A_292 : vector<1x12544xi32>
    %lt3A_294 = arith.constant 0 : i32
    %lt3A_295 = arith.cmpi slt, %select_n3A_285, %lt3A_294 : i32
    %ne3A_296 = vector.broadcast %lt3A_295 : i1 to vector<1x12544xi1>
    %ne3A_297 = vector.broadcast %ne3A_296 : vector<1x12544xi1> to vector<1x12544xi1>
    %ne3A_298 = arith.xori %lt3A_293, %ne3A_297 : vector<1x12544xi1>
    %and3A_299 = arith.andi %ne3A_298, %ne3A_290 : vector<1x12544xi1>
    %add3A_300 = vector.broadcast %select_n3A_285 : i32 to vector<1x12544xi32>
    %add3A_301 = arith.addi %rem3A_287, %add3A_300 : vector<1x12544xi32>
    %select_n3A_302 = arith.select %and3A_299, %add3A_301, %rem3A_287 : vector<1x12544xi1>, vector<1x12544xi32>
    %eq3A_303 = arith.constant 111 : i32
    %eq3A_304 = vector.broadcast %eq3A_303 : i32 to vector<1x12544xi32>
    %eq3A_305 = arith.cmpi eq, %select_n3A_302, %eq3A_304 : vector<1x12544xi32>
    %broadcast_in_dim3A_306 = arith.constant 0.000000e+00 : f32
    %broadcast_in_dim3A_307 = vector.broadcast %broadcast_in_dim3A_306 : f32 to vector<64x12544xf32>
    %broadcast_in_dim3A_308 = vector.shape_cast %eq3A_305 : vector<1x12544xi1> to vector<1x12544xi1>
    %broadcast_in_dim3A_309 = vector.broadcast %broadcast_in_dim3A_308 : vector<1x12544xi1> to vector<64x12544xi1>
    %select_n3A_310 = arith.select %broadcast_in_dim3A_309, %broadcast_in_dim3A_307, %concatenate3A_279 : vector<64x12544xi1>, vector<64x12544xf32>
    %convert_element_type3A_311 = arith.truncf %get3A_271 : vector<64x64xf32> to vector<64x64xbf16>
    %convert_element_type3A_312 = arith.truncf %select_n3A_310 : vector<64x12544xf32> to vector<64x12544xbf16>
    %dot_general3A_313 = arith.constant dense<0.000000e+00> : vector<64x12544xf32>
    %dot_general3A_314 = tpu.matmul %convert_element_type3A_311, %convert_element_type3A_312, %dot_general3A_313 {dimension_numbers = #tpu.dot_dimension_numbers<[1], [0], [0], [1], [0, 0, 1, 1], [], []>, transpose_lhs_hint = false} : vector<64x64xbf16>, vector<64x12544xbf16>, vector<64x12544xf32> -> vector<64x12544xf32>
    %add3A_315 = arith.addf %add3A_266, %dot_general3A_314 : vector<64x12544xf32>
    %get3A_316 = arith.constant 0 : index
    %get3A_317 = arith.constant 0 : index
    %get3A_318 = vector.load %arg3[%get3A_316, %get3A_317] : memref<64x1xf32, #tpu.memory_space<vmem>>, vector<64x1xf32>
    %add3A_319 = vector.broadcast %get3A_318 : vector<64x1xf32> to vector<64x12544xf32>
    %add3A_320 = arith.addf %add3A_315, %add3A_319 : vector<64x12544xf32>
    %swap3A = arith.constant 0 : index
    %swap3A_321 = arith.constant 0 : index
    %swap3A_322 = arith.constant 0 : index
    %swap3A_323 = vector.load %arg4[%swap3A, %swap3A_321, %swap3A_322] : memref<1x64x12544xf32, #tpu.memory_space<vmem>>, vector<1x64x12544xf32>
    %swap3A_324 = vector.shape_cast %swap3A_323 : vector<1x64x12544xf32> to vector<64x12544xf32>
    %swap3A_325 = vector.shape_cast %add3A_320 : vector<64x12544xf32> to vector<1x64x12544xf32>
    tpu.vector_store %arg4[%swap3A, %swap3A_321, %swap3A_322], %swap3A_325 {strides = array<i32>} : memref<1x64x12544xf32, #tpu.memory_space<vmem>>, vector<1x64x12544xf32>,
    %reduce_sum3A = arith.constant dense<0.000000e+00> : vector<64xf32>
    %reduce_sum3A_326 = vector.multi_reduction <add>, %add3A_320, %reduce_sum3A [1] : vector<64x12544xf32> to vector<64xf32>
    %broadcast_in_dim3A_327 = vector.shape_cast %reduce_sum3A_326 : vector<64xf32> to vector<64x1xf32>
    %mul3A = arith.mulf %add3A_320, %add3A_320 : vector<64x12544xf32>
    %reduce_sum3A_328 = arith.constant dense<0.000000e+00> : vector<64xf32>
    %reduce_sum3A_329 = vector.multi_reduction <add>, %mul3A, %reduce_sum3A_328 [1] : vector<64x12544xf32> to vector<64xf32>
    %broadcast_in_dim3A_330 = vector.shape_cast %reduce_sum3A_329 : vector<64xf32> to vector<64x1xf32>
    %eq3A_331 = arith.constant 0 : i32
    %eq3A_332 = arith.cmpi eq, %arg0, %eq3A_331 : i32
    %convert_element_type3A_333 = arith.extui %eq3A_332 : i1 to i32
    %cond3A = arith.constant 0 : i32
    %cond3A_334 = arith.cmpi ne, %convert_element_type3A_333, %cond3A : i32
    scf.if %cond3A_334 {
      %swap3A_339 = arith.constant 0 : index
      %swap3A_340 = arith.constant 0 : index
      %swap3A_341 = vector.load %arg5[%swap3A_339, %swap3A_340] : memref<64x1xf32, #tpu.memory_space<vmem>>, vector<64x1xf32>
      tpu.vector_store %arg5[%swap3A_339, %swap3A_340], %broadcast_in_dim3A_327 {strides = array<i32>} : memref<64x1xf32, #tpu.memory_space<vmem>>, vector<64x1xf32>,
      %swap3A_342 = arith.constant 0 : index
      %swap3A_343 = arith.constant 0 : index
      %swap3A_344 = vector.load %arg6[%swap3A_342, %swap3A_343] : memref<64x1xf32, #tpu.memory_space<vmem>>, vector<64x1xf32>
      tpu.vector_store %arg6[%swap3A_342, %swap3A_343], %broadcast_in_dim3A_330 {strides = array<i32>} : memref<64x1xf32, #tpu.memory_space<vmem>>, vector<64x1xf32>,
    } else {
    }
    %gt3A = arith.constant 0 : i32
    %gt3A_335 = arith.cmpi sgt, %arg0, %gt3A : i32
    %convert_element_type3A_336 = arith.extui %gt3A_335 : i1 to i32
    %cond3A_337 = arith.constant 0 : i32
    %cond3A_338 = arith.cmpi ne, %convert_element_type3A_336, %cond3A_337 : i32
    scf.if %cond3A_338 {
      %get3A_339 = arith.constant 0 : index
      %get3A_340 = arith.constant 0 : index
      %get3A_341 = vector.load %arg5[%get3A_339, %get3A_340] : memref<64x1xf32, #tpu.memory_space<vmem>>, vector<64x1xf32>
      %add3A_342 = arith.addf %get3A_341, %broadcast_in_dim3A_327 : vector<64x1xf32>
      %swap3A_343 = arith.constant 0 : index
      %swap3A_344 = arith.constant 0 : index
      %swap3A_345 = vector.load %arg5[%swap3A_343, %swap3A_344] : memref<64x1xf32, #tpu.memory_space<vmem>>, vector<64x1xf32>
      tpu.vector_store %arg5[%swap3A_343, %swap3A_344], %add3A_342 {strides = array<i32>} : memref<64x1xf32, #tpu.memory_space<vmem>>, vector<64x1xf32>,
      %get3A_346 = arith.constant 0 : index
      %get3A_347 = arith.constant 0 : index
      %get3A_348 = vector.load %arg6[%get3A_346, %get3A_347] : memref<64x1xf32, #tpu.memory_space<vmem>>, vector<64x1xf32>
      %add3A_349 = arith.addf %get3A_348, %broadcast_in_dim3A_330 : vector<64x1xf32>
      %swap3A_350 = arith.constant 0 : index
      %swap3A_351 = arith.constant 0 : index
      %swap3A_352 = vector.load %arg6[%swap3A_350, %swap3A_351] : memref<64x1xf32, #tpu.memory_space<vmem>>, vector<64x1xf32>
      tpu.vector_store %arg6[%swap3A_350, %swap3A_351], %add3A_349 {strides = array<i32>} : memref<64x1xf32, #tpu.memory_space<vmem>>, vector<64x1xf32>,
    } else {
    }
    return
  }
  func.func @transform_0(%arg0: i32) -> (i32, i32, i32) {
    %c0_i32 = arith.constant 0 : i32
    %c0_i32_0 = arith.constant 0 : i32
    %c0_i32_1 = arith.constant 0 : i32
    return %arg0, %c0_i32, %c0_i32_0 : i32, i32, i32
  }
  func.func @transform_1(%arg0: i32) -> (i32, i32, i32) {
    %c0_i32 = arith.constant 0 : i32
    %c0_i32_0 = arith.constant 0 : i32
    %c0_i32_1 = arith.constant 0 : i32
    %c0_i32_2 = arith.constant 0 : i32
    return %c0_i32, %c0_i32_0, %c0_i32_1 : i32, i32, i32
  }
  func.func @transform_2(%arg0: i32) -> (i32, i32) {
    %c0_i32 = arith.constant 0 : i32
    %c0_i32_0 = arith.constant 0 : i32
    %c0_i32_1 = arith.constant 0 : i32
    return %c0_i32, %c0_i32_0 : i32, i32
  }
  func.func @transform_3(%arg0: i32) -> (i32, i32, i32) {
    %c0_i32 = arith.constant 0 : i32
    %c0_i32_0 = arith.constant 0 : i32
    %c0_i32_1 = arith.constant 0 : i32
    return %arg0, %c0_i32, %c0_i32_0 : i32, i32, i32
  }
  func.func @transform_4(%arg0: i32) -> (i32, i32) {
    %c0_i32 = arith.constant 0 : i32
    %c0_i32_0 = arith.constant 0 : i32
    %c0_i32_1 = arith.constant 0 : i32
    return %c0_i32, %c0_i32_0 : i32, i32
  }
  func.func @transform_5(%arg0: i32) -> (i32, i32) {
    %c0_i32 = arith.constant 0 : i32
    %c0_i32_0 = arith.constant 0 : i32
    %c0_i32_1 = arith.constant 0 : i32
    return %c0_i32, %c0_i32_0 : i32, i32
  }
}

module attributes {stable_mosaic.version = 14 : i64} {
  func.func @body(%arg0: i32, %arg1: memref<1x64x12544xf32, #tpu.memory_space<vmem>>, %arg2: memref<64x1xf32, #tpu.memory_space<vmem>>, %arg3: memref<64x1xf32, #tpu.memory_space<vmem>>, %arg4: memref<1x64x12544xf32, #tpu.memory_space<vmem>>) attributes {dimension_semantics = [#tpu.dimension_semantics<arbitrary>], iteration_bounds = array<i64: 8>, scalar_prefetch = 0 : i64, scratch_operands = 0 : i64, tpu.core_type = #tpu.core_type<tc>, window_params = [{transform_indices = @transform_0, window_bounds = array<i64: 1, 64, 12544>}, {pipeline_mode = #tpu.pipeline_mode<synchronous>, transform_indices = @transform_1, window_bounds = array<i64: 64, 1>}, {pipeline_mode = #tpu.pipeline_mode<synchronous>, transform_indices = @transform_2, window_bounds = array<i64: 64, 1>}, {transform_indices = @transform_3, window_bounds = array<i64: 1, 64, 12544>}]} {
    %get3A = arith.constant 0 : index
    %get3A_0 = arith.constant 0 : index
    %get3A_1 = arith.constant 0 : index
    %get3A_2 = vector.load %arg1[%get3A, %get3A_0, %get3A_1] : memref<1x64x12544xf32, #tpu.memory_space<vmem>>, vector<1x64x12544xf32>
    %get3A_3 = vector.shape_cast %get3A_2 : vector<1x64x12544xf32> to vector<64x12544xf32>
    %get3A_4 = arith.constant 0 : index
    %get3A_5 = arith.constant 0 : index
    %get3A_6 = vector.load %arg2[%get3A_4, %get3A_5] : memref<64x1xf32, #tpu.memory_space<vmem>>, vector<64x1xf32>
    %get3A_7 = arith.constant 0 : index
    %get3A_8 = arith.constant 0 : index
    %get3A_9 = vector.load %arg3[%get3A_7, %get3A_8] : memref<64x1xf32, #tpu.memory_space<vmem>>, vector<64x1xf32>
    %mul3A = vector.broadcast %get3A_6 : vector<64x1xf32> to vector<64x12544xf32>
    %mul3A_10 = arith.mulf %get3A_3, %mul3A : vector<64x12544xf32>
    %add3A = vector.broadcast %get3A_9 : vector<64x1xf32> to vector<64x12544xf32>
    %add3A_11 = arith.addf %mul3A_10, %add3A : vector<64x12544xf32>
    %ge3A = arith.constant 0.000000e+00 : f32
    %ge3A_12 = vector.broadcast %ge3A : f32 to vector<64x12544xf32>
    %ge3A_13 = arith.cmpf oge, %add3A_11, %ge3A_12 : vector<64x12544xf32>
    %mul3A_14 = arith.constant 1.000000e-01 : f32
    %mul3A_15 = vector.broadcast %mul3A_14 : f32 to vector<64x12544xf32>
    %mul3A_16 = arith.mulf %mul3A_15, %add3A_11 : vector<64x12544xf32>
    %select_n3A = arith.select %ge3A_13, %add3A_11, %mul3A_16 : vector<64x12544xi1>, vector<64x12544xf32>
    %swap3A = arith.constant 0 : index
    %swap3A_17 = arith.constant 0 : index
    %swap3A_18 = arith.constant 0 : index
    %swap3A_19 = vector.load %arg4[%swap3A, %swap3A_17, %swap3A_18] : memref<1x64x12544xf32, #tpu.memory_space<vmem>>, vector<1x64x12544xf32>
    %swap3A_20 = vector.shape_cast %swap3A_19 : vector<1x64x12544xf32> to vector<64x12544xf32>
    %swap3A_21 = vector.shape_cast %select_n3A : vector<64x12544xf32> to vector<1x64x12544xf32>
    tpu.vector_store %arg4[%swap3A, %swap3A_17, %swap3A_18], %swap3A_21 {strides = array<i32>} : memref<1x64x12544xf32, #tpu.memory_space<vmem>>, vector<1x64x12544xf32>,
    return
  }
  func.func @transform_0(%arg0: i32) -> (i32, i32, i32) {
    %c0_i32 = arith.constant 0 : i32
    %c0_i32_0 = arith.constant 0 : i32
    %c0_i32_1 = arith.constant 0 : i32
    return %arg0, %c0_i32, %c0_i32_0 : i32, i32, i32
  }
  func.func @transform_1(%arg0: i32) -> (i32, i32) {
    %c0_i32 = arith.constant 0 : i32
    %c0_i32_0 = arith.constant 0 : i32
    %c0_i32_1 = arith.constant 0 : i32
    return %c0_i32, %c0_i32_0 : i32, i32
  }
  func.func @transform_2(%arg0: i32) -> (i32, i32) {
    %c0_i32 = arith.constant 0 : i32
    %c0_i32_0 = arith.constant 0 : i32
    %c0_i32_1 = arith.constant 0 : i32
    return %c0_i32, %c0_i32_0 : i32, i32
  }
  func.func @transform_3(%arg0: i32) -> (i32, i32, i32) {
    %c0_i32 = arith.constant 0 : i32
    %c0_i32_0 = arith.constant 0 : i32
    %c0_i32_1 = arith.constant 0 : i32
    return %arg0, %c0_i32, %c0_i32_0 : i32, i32, i32
  }
}

module attributes {stable_mosaic.version = 14 : i64} {
  func.func @body(%arg0: i32, %arg1: i32, %arg2: memref<1x64x12544xf32, #tpu.memory_space<vmem>>, %arg3: memref<1x1x64x512xf32, #tpu.memory_space<vmem>>, %arg4: memref<9x32x64xf32, #tpu.memory_space<vmem>>, %arg5: memref<32x1xf32, #tpu.memory_space<vmem>>, %arg6: memref<1x32x12544xf32, #tpu.memory_space<vmem>>, %arg7: memref<32x1xf32, #tpu.memory_space<vmem>>, %arg8: memref<32x1xf32, #tpu.memory_space<vmem>>) attributes {dimension_semantics = [#tpu.dimension_semantics<arbitrary>, #tpu.dimension_semantics<arbitrary>], iteration_bounds = array<i64: 8, 4>, scalar_prefetch = 0 : i64, scratch_operands = 0 : i64, tpu.core_type = #tpu.core_type<tc>, window_params = [{transform_indices = @transform_0, window_bounds = array<i64: 1, 64, 12544>}, {transform_indices = @transform_1, window_bounds = array<i64: 1, 1, 64, 512>}, {pipeline_mode = #tpu.pipeline_mode<synchronous>, transform_indices = @transform_2, window_bounds = array<i64: 9, 32, 64>}, {pipeline_mode = #tpu.pipeline_mode<synchronous>, transform_indices = @transform_3, window_bounds = array<i64: 32, 1>}, {transform_indices = @transform_4, window_bounds = array<i64: 1, 32, 12544>}, {pipeline_mode = #tpu.pipeline_mode<synchronous>, transform_indices = @transform_5, window_bounds = array<i64: 32, 1>}, {pipeline_mode = #tpu.pipeline_mode<synchronous>, transform_indices = @transform_6, window_bounds = array<i64: 32, 1>}]} {
    %get3A = arith.constant 0 : index
    %get3A_0 = arith.constant 0 : index
    %get3A_1 = arith.constant 0 : index
    %get3A_2 = arith.constant 0 : index
    %get3A_3 = vector.load %arg3[%get3A, %get3A_0, %get3A_1, %get3A_2] : memref<1x1x64x512xf32, #tpu.memory_space<vmem>>, vector<1x1x64x512xf32>
    %get3A_4 = vector.shape_cast %get3A_3 : vector<1x1x64x512xf32> to vector<64x512xf32>
    %slice3A = vector.extract_strided_slice %get3A_4 {offsets = [0, 0], sizes = [64, 224], strides = [1, 1]} : vector<64x512xf32> to vector<64x224xf32>
    %get3A_5 = arith.constant 0 : index
    %get3A_6 = arith.constant 0 : index
    %get3A_7 = arith.constant 0 : index
    %get3A_8 = arith.constant 0 : index
    %get3A_9 = vector.load %arg3[%get3A_5, %get3A_6, %get3A_7, %get3A_8] : memref<1x1x64x512xf32, #tpu.memory_space<vmem>>, vector<1x1x64x512xf32>
    %get3A_10 = vector.shape_cast %get3A_9 : vector<1x1x64x512xf32> to vector<64x512xf32>
    %slice3A_11 = vector.extract_strided_slice %get3A_10 {offsets = [0, 256], sizes = [64, 224], strides = [1, 1]} : vector<64x512xf32> to vector<64x224xf32>
    %get3A_12 = arith.constant 0 : index
    %get3A_13 = arith.constant 0 : index
    %get3A_14 = arith.constant 0 : index
    %get3A_15 = vector.load %arg2[%get3A_12, %get3A_13, %get3A_14] : memref<1x64x12544xf32, #tpu.memory_space<vmem>>, vector<1x64x12544xf32>
    %get3A_16 = vector.shape_cast %get3A_15 : vector<1x64x12544xf32> to vector<64x12544xf32>
    %concatenate3A = tpu.concatenate %slice3A, %get3A_16, %slice3A_11 in 1 : vector<64x224xf32>, vector<64x12544xf32>, vector<64x224xf32> -> vector<64x12992xf32>
    %broadcast_in_dim3A = arith.constant 0.000000e+00 : f32
    %broadcast_in_dim3A_17 = vector.broadcast %broadcast_in_dim3A : f32 to vector<32x12544xf32>
    %slice3A_18 = vector.extract_strided_slice %concatenate3A {offsets = [0, 0], sizes = [64, 12544], strides = [1, 1]} : vector<64x12992xf32> to vector<64x12544xf32>
    %get3A_19 = arith.constant 0 : index
    %get3A_20 = arith.constant 0 : index
    %get3A_21 = arith.constant 0 : index
    %get3A_22 = vector.load %arg4[%get3A_19, %get3A_20, %get3A_21] : memref<9x32x64xf32, #tpu.memory_space<vmem>>, vector<1x32x64xf32>
    %get3A_23 = vector.shape_cast %get3A_22 : vector<1x32x64xf32> to vector<32x64xf32>
    %broadcast_in_dim3A_24 = arith.constant 0.000000e+00 : f32
    %broadcast_in_dim3A_25 = vector.broadcast %broadcast_in_dim3A_24 : f32 to vector<64x1xf32>
    %slice3A_26 = vector.extract_strided_slice %slice3A_18 {offsets = [0, 0], sizes = [64, 12543], strides = [1, 1]} : vector<64x12544xf32> to vector<64x12543xf32>
    %concatenate3A_27 = tpu.concatenate %broadcast_in_dim3A_25, %slice3A_26 in 1 : vector<64x1xf32>, vector<64x12543xf32> -> vector<64x12544xf32>
    %iota3A = tpu.iota {dimensions = array<i32: 1>} : vector<1x12544xi32>
    %jit3A = arith.constant 224 : i32
    %eq3A = arith.constant 0 : i32
    %eq3A_28 = arith.cmpi eq, %jit3A, %eq3A : i32
    %jit3A_29 = arith.constant 1 : i32
    %select_n3A = arith.select %eq3A_28, %jit3A_29, %jit3A : i32
    %rem3A = vector.broadcast %select_n3A : i32 to vector<1x12544xi32>
    %rem3A_30 = arith.remsi %iota3A, %rem3A : vector<1x12544xi32>
    %ne3A = arith.constant 0 : i32
    %ne3A_31 = vector.broadcast %ne3A : i32 to vector<1x12544xi32>
    %ne3A_32 = arith.cmpi ne, %rem3A_30, %ne3A_31 : vector<1x12544xi32>
    %lt3A = arith.constant 0 : i32
    %lt3A_33 = vector.broadcast %lt3A : i32 to vector<1x12544xi32>
    %lt3A_34 = arith.cmpi slt, %rem3A_30, %lt3A_33 : vector<1x12544xi32>
    %lt3A_35 = arith.constant 0 : i32
    %lt3A_36 = arith.cmpi slt, %select_n3A, %lt3A_35 : i32
    %ne3A_37 = vector.broadcast %lt3A_36 : i1 to vector<1x12544xi1>
    %ne3A_38 = vector.broadcast %ne3A_37 : vector<1x12544xi1> to vector<1x12544xi1>
    %ne3A_39 = arith.xori %lt3A_34, %ne3A_38 : vector<1x12544xi1>
    %and3A = arith.andi %ne3A_39, %ne3A_32 : vector<1x12544xi1>
    %add3A = vector.broadcast %select_n3A : i32 to vector<1x12544xi32>
    %add3A_40 = arith.addi %rem3A_30, %add3A : vector<1x12544xi32>
    %select_n3A_41 = arith.select %and3A, %add3A_40, %rem3A_30 : vector<1x12544xi1>, vector<1x12544xi32>
    %eq3A_42 = arith.constant 0 : i32
    %eq3A_43 = vector.broadcast %eq3A_42 : i32 to vector<1x12544xi32>
    %eq3A_44 = arith.cmpi eq, %select_n3A_41, %eq3A_43 : vector<1x12544xi32>
    %broadcast_in_dim3A_45 = arith.constant 0.000000e+00 : f32
    %broadcast_in_dim3A_46 = vector.broadcast %broadcast_in_dim3A_45 : f32 to vector<64x12544xf32>
    %broadcast_in_dim3A_47 = vector.shape_cast %eq3A_44 : vector<1x12544xi1> to vector<1x12544xi1>
    %broadcast_in_dim3A_48 = vector.broadcast %broadcast_in_dim3A_47 : vector<1x12544xi1> to vector<64x12544xi1>
    %select_n3A_49 = arith.select %broadcast_in_dim3A_48, %broadcast_in_dim3A_46, %concatenate3A_27 : vector<64x12544xi1>, vector<64x12544xf32>
    %convert_element_type3A = arith.truncf %get3A_23 : vector<32x64xf32> to vector<32x64xbf16>
    %convert_element_type3A_50 = arith.truncf %select_n3A_49 : vector<64x12544xf32> to vector<64x12544xbf16>
    %dot_general3A = arith.constant dense<0.000000e+00> : vector<32x12544xf32>
    %dot_general3A_51 = tpu.matmul %convert_element_type3A, %convert_element_type3A_50, %dot_general3A {dimension_numbers = #tpu.dot_dimension_numbers<[1], [0], [0], [1], [0, 0, 1, 1], [], []>, transpose_lhs_hint = false} : vector<32x64xbf16>, vector<64x12544xbf16>, vector<32x12544xf32> -> vector<32x12544xf32>
    %add3A_52 = arith.addf %broadcast_in_dim3A_17, %dot_general3A_51 : vector<32x12544xf32>
    %get3A_53 = arith.constant 1 : index
    %get3A_54 = arith.constant 0 : index
    %get3A_55 = arith.constant 0 : index
    %get3A_56 = vector.load %arg4[%get3A_53, %get3A_54, %get3A_55] : memref<9x32x64xf32, #tpu.memory_space<vmem>>, vector<1x32x64xf32>
    %get3A_57 = vector.shape_cast %get3A_56 : vector<1x32x64xf32> to vector<32x64xf32>
    %convert_element_type3A_58 = arith.truncf %get3A_57 : vector<32x64xf32> to vector<32x64xbf16>
    %convert_element_type3A_59 = arith.truncf %slice3A_18 : vector<64x12544xf32> to vector<64x12544xbf16>
    %dot_general3A_60 = arith.constant dense<0.000000e+00> : vector<32x12544xf32>
    %dot_general3A_61 = tpu.matmul %convert_element_type3A_58, %convert_element_type3A_59, %dot_general3A_60 {dimension_numbers = #tpu.dot_dimension_numbers<[1], [0], [0], [1], [0, 0, 1, 1], [], []>, transpose_lhs_hint = false} : vector<32x64xbf16>, vector<64x12544xbf16>, vector<32x12544xf32> -> vector<32x12544xf32>
    %add3A_62 = arith.addf %add3A_52, %dot_general3A_61 : vector<32x12544xf32>
    %get3A_63 = arith.constant 2 : index
    %get3A_64 = arith.constant 0 : index
    %get3A_65 = arith.constant 0 : index
    %get3A_66 = vector.load %arg4[%get3A_63, %get3A_64, %get3A_65] : memref<9x32x64xf32, #tpu.memory_space<vmem>>, vector<1x32x64xf32>
    %get3A_67 = vector.shape_cast %get3A_66 : vector<1x32x64xf32> to vector<32x64xf32>
    %slice3A_68 = vector.extract_strided_slice %slice3A_18 {offsets = [0, 1], sizes = [64, 12543], strides = [1, 1]} : vector<64x12544xf32> to vector<64x12543xf32>
    %broadcast_in_dim3A_69 = arith.constant 0.000000e+00 : f32
    %broadcast_in_dim3A_70 = vector.broadcast %broadcast_in_dim3A_69 : f32 to vector<64x1xf32>
    %concatenate3A_71 = tpu.concatenate %slice3A_68, %broadcast_in_dim3A_70 in 1 : vector<64x12543xf32>, vector<64x1xf32> -> vector<64x12544xf32>
    %iota3A_72 = tpu.iota {dimensions = array<i32: 1>} : vector<1x12544xi32>
    %jit3A_73 = arith.constant 224 : i32
    %eq3A_74 = arith.constant 0 : i32
    %eq3A_75 = arith.cmpi eq, %jit3A_73, %eq3A_74 : i32
    %jit3A_76 = arith.constant 1 : i32
    %select_n3A_77 = arith.select %eq3A_75, %jit3A_76, %jit3A_73 : i32
    %rem3A_78 = vector.broadcast %select_n3A_77 : i32 to vector<1x12544xi32>
    %rem3A_79 = arith.remsi %iota3A_72, %rem3A_78 : vector<1x12544xi32>
    %ne3A_80 = arith.constant 0 : i32
    %ne3A_81 = vector.broadcast %ne3A_80 : i32 to vector<1x12544xi32>
    %ne3A_82 = arith.cmpi ne, %rem3A_79, %ne3A_81 : vector<1x12544xi32>
    %lt3A_83 = arith.constant 0 : i32
    %lt3A_84 = vector.broadcast %lt3A_83 : i32 to vector<1x12544xi32>
    %lt3A_85 = arith.cmpi slt, %rem3A_79, %lt3A_84 : vector<1x12544xi32>
    %lt3A_86 = arith.constant 0 : i32
    %lt3A_87 = arith.cmpi slt, %select_n3A_77, %lt3A_86 : i32
    %ne3A_88 = vector.broadcast %lt3A_87 : i1 to vector<1x12544xi1>
    %ne3A_89 = vector.broadcast %ne3A_88 : vector<1x12544xi1> to vector<1x12544xi1>
    %ne3A_90 = arith.xori %lt3A_85, %ne3A_89 : vector<1x12544xi1>
    %and3A_91 = arith.andi %ne3A_90, %ne3A_82 : vector<1x12544xi1>
    %add3A_92 = vector.broadcast %select_n3A_77 : i32 to vector<1x12544xi32>
    %add3A_93 = arith.addi %rem3A_79, %add3A_92 : vector<1x12544xi32>
    %select_n3A_94 = arith.select %and3A_91, %add3A_93, %rem3A_79 : vector<1x12544xi1>, vector<1x12544xi32>
    %eq3A_95 = arith.constant 223 : i32
    %eq3A_96 = vector.broadcast %eq3A_95 : i32 to vector<1x12544xi32>
    %eq3A_97 = arith.cmpi eq, %select_n3A_94, %eq3A_96 : vector<1x12544xi32>
    %broadcast_in_dim3A_98 = arith.constant 0.000000e+00 : f32
    %broadcast_in_dim3A_99 = vector.broadcast %broadcast_in_dim3A_98 : f32 to vector<64x12544xf32>
    %broadcast_in_dim3A_100 = vector.shape_cast %eq3A_97 : vector<1x12544xi1> to vector<1x12544xi1>
    %broadcast_in_dim3A_101 = vector.broadcast %broadcast_in_dim3A_100 : vector<1x12544xi1> to vector<64x12544xi1>
    %select_n3A_102 = arith.select %broadcast_in_dim3A_101, %broadcast_in_dim3A_99, %concatenate3A_71 : vector<64x12544xi1>, vector<64x12544xf32>
    %convert_element_type3A_103 = arith.truncf %get3A_67 : vector<32x64xf32> to vector<32x64xbf16>
    %convert_element_type3A_104 = arith.truncf %select_n3A_102 : vector<64x12544xf32> to vector<64x12544xbf16>
    %dot_general3A_105 = arith.constant dense<0.000000e+00> : vector<32x12544xf32>
    %dot_general3A_106 = tpu.matmul %convert_element_type3A_103, %convert_element_type3A_104, %dot_general3A_105 {dimension_numbers = #tpu.dot_dimension_numbers<[1], [0], [0], [1], [0, 0, 1, 1], [], []>, transpose_lhs_hint = false} : vector<32x64xbf16>, vector<64x12544xbf16>, vector<32x12544xf32> -> vector<32x12544xf32>
    %add3A_107 = arith.addf %add3A_62, %dot_general3A_106 : vector<32x12544xf32>
    %slice3A_108 = vector.extract_strided_slice %concatenate3A {offsets = [0, 224], sizes = [64, 12544], strides = [1, 1]} : vector<64x12992xf32> to vector<64x12544xf32>
    %get3A_109 = arith.constant 3 : index
    %get3A_110 = arith.constant 0 : index
    %get3A_111 = arith.constant 0 : index
    %get3A_112 = vector.load %arg4[%get3A_109, %get3A_110, %get3A_111] : memref<9x32x64xf32, #tpu.memory_space<vmem>>, vector<1x32x64xf32>
    %get3A_113 = vector.shape_cast %get3A_112 : vector<1x32x64xf32> to vector<32x64xf32>
    %broadcast_in_dim3A_114 = arith.constant 0.000000e+00 : f32
    %broadcast_in_dim3A_115 = vector.broadcast %broadcast_in_dim3A_114 : f32 to vector<64x1xf32>
    %slice3A_116 = vector.extract_strided_slice %slice3A_108 {offsets = [0, 0], sizes = [64, 12543], strides = [1, 1]} : vector<64x12544xf32> to vector<64x12543xf32>
    %concatenate3A_117 = tpu.concatenate %broadcast_in_dim3A_115, %slice3A_116 in 1 : vector<64x1xf32>, vector<64x12543xf32> -> vector<64x12544xf32>
    %iota3A_118 = tpu.iota {dimensions = array<i32: 1>} : vector<1x12544xi32>
    %jit3A_119 = arith.constant 224 : i32
    %eq3A_120 = arith.constant 0 : i32
    %eq3A_121 = arith.cmpi eq, %jit3A_119, %eq3A_120 : i32
    %jit3A_122 = arith.constant 1 : i32
    %select_n3A_123 = arith.select %eq3A_121, %jit3A_122, %jit3A_119 : i32
    %rem3A_124 = vector.broadcast %select_n3A_123 : i32 to vector<1x12544xi32>
    %rem3A_125 = arith.remsi %iota3A_118, %rem3A_124 : vector<1x12544xi32>
    %ne3A_126 = arith.constant 0 : i32
    %ne3A_127 = vector.broadcast %ne3A_126 : i32 to vector<1x12544xi32>
    %ne3A_128 = arith.cmpi ne, %rem3A_125, %ne3A_127 : vector<1x12544xi32>
    %lt3A_129 = arith.constant 0 : i32
    %lt3A_130 = vector.broadcast %lt3A_129 : i32 to vector<1x12544xi32>
    %lt3A_131 = arith.cmpi slt, %rem3A_125, %lt3A_130 : vector<1x12544xi32>
    %lt3A_132 = arith.constant 0 : i32
    %lt3A_133 = arith.cmpi slt, %select_n3A_123, %lt3A_132 : i32
    %ne3A_134 = vector.broadcast %lt3A_133 : i1 to vector<1x12544xi1>
    %ne3A_135 = vector.broadcast %ne3A_134 : vector<1x12544xi1> to vector<1x12544xi1>
    %ne3A_136 = arith.xori %lt3A_131, %ne3A_135 : vector<1x12544xi1>
    %and3A_137 = arith.andi %ne3A_136, %ne3A_128 : vector<1x12544xi1>
    %add3A_138 = vector.broadcast %select_n3A_123 : i32 to vector<1x12544xi32>
    %add3A_139 = arith.addi %rem3A_125, %add3A_138 : vector<1x12544xi32>
    %select_n3A_140 = arith.select %and3A_137, %add3A_139, %rem3A_125 : vector<1x12544xi1>, vector<1x12544xi32>
    %eq3A_141 = arith.constant 0 : i32
    %eq3A_142 = vector.broadcast %eq3A_141 : i32 to vector<1x12544xi32>
    %eq3A_143 = arith.cmpi eq, %select_n3A_140, %eq3A_142 : vector<1x12544xi32>
    %broadcast_in_dim3A_144 = arith.constant 0.000000e+00 : f32
    %broadcast_in_dim3A_145 = vector.broadcast %broadcast_in_dim3A_144 : f32 to vector<64x12544xf32>
    %broadcast_in_dim3A_146 = vector.shape_cast %eq3A_143 : vector<1x12544xi1> to vector<1x12544xi1>
    %broadcast_in_dim3A_147 = vector.broadcast %broadcast_in_dim3A_146 : vector<1x12544xi1> to vector<64x12544xi1>
    %select_n3A_148 = arith.select %broadcast_in_dim3A_147, %broadcast_in_dim3A_145, %concatenate3A_117 : vector<64x12544xi1>, vector<64x12544xf32>
    %convert_element_type3A_149 = arith.truncf %get3A_113 : vector<32x64xf32> to vector<32x64xbf16>
    %convert_element_type3A_150 = arith.truncf %select_n3A_148 : vector<64x12544xf32> to vector<64x12544xbf16>
    %dot_general3A_151 = arith.constant dense<0.000000e+00> : vector<32x12544xf32>
    %dot_general3A_152 = tpu.matmul %convert_element_type3A_149, %convert_element_type3A_150, %dot_general3A_151 {dimension_numbers = #tpu.dot_dimension_numbers<[1], [0], [0], [1], [0, 0, 1, 1], [], []>, transpose_lhs_hint = false} : vector<32x64xbf16>, vector<64x12544xbf16>, vector<32x12544xf32> -> vector<32x12544xf32>
    %add3A_153 = arith.addf %add3A_107, %dot_general3A_152 : vector<32x12544xf32>
    %get3A_154 = arith.constant 4 : index
    %get3A_155 = arith.constant 0 : index
    %get3A_156 = arith.constant 0 : index
    %get3A_157 = vector.load %arg4[%get3A_154, %get3A_155, %get3A_156] : memref<9x32x64xf32, #tpu.memory_space<vmem>>, vector<1x32x64xf32>
    %get3A_158 = vector.shape_cast %get3A_157 : vector<1x32x64xf32> to vector<32x64xf32>
    %convert_element_type3A_159 = arith.truncf %get3A_158 : vector<32x64xf32> to vector<32x64xbf16>
    %convert_element_type3A_160 = arith.truncf %slice3A_108 : vector<64x12544xf32> to vector<64x12544xbf16>
    %dot_general3A_161 = arith.constant dense<0.000000e+00> : vector<32x12544xf32>
    %dot_general3A_162 = tpu.matmul %convert_element_type3A_159, %convert_element_type3A_160, %dot_general3A_161 {dimension_numbers = #tpu.dot_dimension_numbers<[1], [0], [0], [1], [0, 0, 1, 1], [], []>, transpose_lhs_hint = false} : vector<32x64xbf16>, vector<64x12544xbf16>, vector<32x12544xf32> -> vector<32x12544xf32>
    %add3A_163 = arith.addf %add3A_153, %dot_general3A_162 : vector<32x12544xf32>
    %get3A_164 = arith.constant 5 : index
    %get3A_165 = arith.constant 0 : index
    %get3A_166 = arith.constant 0 : index
    %get3A_167 = vector.load %arg4[%get3A_164, %get3A_165, %get3A_166] : memref<9x32x64xf32, #tpu.memory_space<vmem>>, vector<1x32x64xf32>
    %get3A_168 = vector.shape_cast %get3A_167 : vector<1x32x64xf32> to vector<32x64xf32>
    %slice3A_169 = vector.extract_strided_slice %slice3A_108 {offsets = [0, 1], sizes = [64, 12543], strides = [1, 1]} : vector<64x12544xf32> to vector<64x12543xf32>
    %broadcast_in_dim3A_170 = arith.constant 0.000000e+00 : f32
    %broadcast_in_dim3A_171 = vector.broadcast %broadcast_in_dim3A_170 : f32 to vector<64x1xf32>
    %concatenate3A_172 = tpu.concatenate %slice3A_169, %broadcast_in_dim3A_171 in 1 : vector<64x12543xf32>, vector<64x1xf32> -> vector<64x12544xf32>
    %iota3A_173 = tpu.iota {dimensions = array<i32: 1>} : vector<1x12544xi32>
    %jit3A_174 = arith.constant 224 : i32
    %eq3A_175 = arith.constant 0 : i32
    %eq3A_176 = arith.cmpi eq, %jit3A_174, %eq3A_175 : i32
    %jit3A_177 = arith.constant 1 : i32
    %select_n3A_178 = arith.select %eq3A_176, %jit3A_177, %jit3A_174 : i32
    %rem3A_179 = vector.broadcast %select_n3A_178 : i32 to vector<1x12544xi32>
    %rem3A_180 = arith.remsi %iota3A_173, %rem3A_179 : vector<1x12544xi32>
    %ne3A_181 = arith.constant 0 : i32
    %ne3A_182 = vector.broadcast %ne3A_181 : i32 to vector<1x12544xi32>
    %ne3A_183 = arith.cmpi ne, %rem3A_180, %ne3A_182 : vector<1x12544xi32>
    %lt3A_184 = arith.constant 0 : i32
    %lt3A_185 = vector.broadcast %lt3A_184 : i32 to vector<1x12544xi32>
    %lt3A_186 = arith.cmpi slt, %rem3A_180, %lt3A_185 : vector<1x12544xi32>
    %lt3A_187 = arith.constant 0 : i32
    %lt3A_188 = arith.cmpi slt, %select_n3A_178, %lt3A_187 : i32
    %ne3A_189 = vector.broadcast %lt3A_188 : i1 to vector<1x12544xi1>
    %ne3A_190 = vector.broadcast %ne3A_189 : vector<1x12544xi1> to vector<1x12544xi1>
    %ne3A_191 = arith.xori %lt3A_186, %ne3A_190 : vector<1x12544xi1>
    %and3A_192 = arith.andi %ne3A_191, %ne3A_183 : vector<1x12544xi1>
    %add3A_193 = vector.broadcast %select_n3A_178 : i32 to vector<1x12544xi32>
    %add3A_194 = arith.addi %rem3A_180, %add3A_193 : vector<1x12544xi32>
    %select_n3A_195 = arith.select %and3A_192, %add3A_194, %rem3A_180 : vector<1x12544xi1>, vector<1x12544xi32>
    %eq3A_196 = arith.constant 223 : i32
    %eq3A_197 = vector.broadcast %eq3A_196 : i32 to vector<1x12544xi32>
    %eq3A_198 = arith.cmpi eq, %select_n3A_195, %eq3A_197 : vector<1x12544xi32>
    %broadcast_in_dim3A_199 = arith.constant 0.000000e+00 : f32
    %broadcast_in_dim3A_200 = vector.broadcast %broadcast_in_dim3A_199 : f32 to vector<64x12544xf32>
    %broadcast_in_dim3A_201 = vector.shape_cast %eq3A_198 : vector<1x12544xi1> to vector<1x12544xi1>
    %broadcast_in_dim3A_202 = vector.broadcast %broadcast_in_dim3A_201 : vector<1x12544xi1> to vector<64x12544xi1>
    %select_n3A_203 = arith.select %broadcast_in_dim3A_202, %broadcast_in_dim3A_200, %concatenate3A_172 : vector<64x12544xi1>, vector<64x12544xf32>
    %convert_element_type3A_204 = arith.truncf %get3A_168 : vector<32x64xf32> to vector<32x64xbf16>
    %convert_element_type3A_205 = arith.truncf %select_n3A_203 : vector<64x12544xf32> to vector<64x12544xbf16>
    %dot_general3A_206 = arith.constant dense<0.000000e+00> : vector<32x12544xf32>
    %dot_general3A_207 = tpu.matmul %convert_element_type3A_204, %convert_element_type3A_205, %dot_general3A_206 {dimension_numbers = #tpu.dot_dimension_numbers<[1], [0], [0], [1], [0, 0, 1, 1], [], []>, transpose_lhs_hint = false} : vector<32x64xbf16>, vector<64x12544xbf16>, vector<32x12544xf32> -> vector<32x12544xf32>
    %add3A_208 = arith.addf %add3A_163, %dot_general3A_207 : vector<32x12544xf32>
    %slice3A_209 = vector.extract_strided_slice %concatenate3A {offsets = [0, 448], sizes = [64, 12544], strides = [1, 1]} : vector<64x12992xf32> to vector<64x12544xf32>
    %get3A_210 = arith.constant 6 : index
    %get3A_211 = arith.constant 0 : index
    %get3A_212 = arith.constant 0 : index
    %get3A_213 = vector.load %arg4[%get3A_210, %get3A_211, %get3A_212] : memref<9x32x64xf32, #tpu.memory_space<vmem>>, vector<1x32x64xf32>
    %get3A_214 = vector.shape_cast %get3A_213 : vector<1x32x64xf32> to vector<32x64xf32>
    %broadcast_in_dim3A_215 = arith.constant 0.000000e+00 : f32
    %broadcast_in_dim3A_216 = vector.broadcast %broadcast_in_dim3A_215 : f32 to vector<64x1xf32>
    %slice3A_217 = vector.extract_strided_slice %slice3A_209 {offsets = [0, 0], sizes = [64, 12543], strides = [1, 1]} : vector<64x12544xf32> to vector<64x12543xf32>
    %concatenate3A_218 = tpu.concatenate %broadcast_in_dim3A_216, %slice3A_217 in 1 : vector<64x1xf32>, vector<64x12543xf32> -> vector<64x12544xf32>
    %iota3A_219 = tpu.iota {dimensions = array<i32: 1>} : vector<1x12544xi32>
    %jit3A_220 = arith.constant 224 : i32
    %eq3A_221 = arith.constant 0 : i32
    %eq3A_222 = arith.cmpi eq, %jit3A_220, %eq3A_221 : i32
    %jit3A_223 = arith.constant 1 : i32
    %select_n3A_224 = arith.select %eq3A_222, %jit3A_223, %jit3A_220 : i32
    %rem3A_225 = vector.broadcast %select_n3A_224 : i32 to vector<1x12544xi32>
    %rem3A_226 = arith.remsi %iota3A_219, %rem3A_225 : vector<1x12544xi32>
    %ne3A_227 = arith.constant 0 : i32
    %ne3A_228 = vector.broadcast %ne3A_227 : i32 to vector<1x12544xi32>
    %ne3A_229 = arith.cmpi ne, %rem3A_226, %ne3A_228 : vector<1x12544xi32>
    %lt3A_230 = arith.constant 0 : i32
    %lt3A_231 = vector.broadcast %lt3A_230 : i32 to vector<1x12544xi32>
    %lt3A_232 = arith.cmpi slt, %rem3A_226, %lt3A_231 : vector<1x12544xi32>
    %lt3A_233 = arith.constant 0 : i32
    %lt3A_234 = arith.cmpi slt, %select_n3A_224, %lt3A_233 : i32
    %ne3A_235 = vector.broadcast %lt3A_234 : i1 to vector<1x12544xi1>
    %ne3A_236 = vector.broadcast %ne3A_235 : vector<1x12544xi1> to vector<1x12544xi1>
    %ne3A_237 = arith.xori %lt3A_232, %ne3A_236 : vector<1x12544xi1>
    %and3A_238 = arith.andi %ne3A_237, %ne3A_229 : vector<1x12544xi1>
    %add3A_239 = vector.broadcast %select_n3A_224 : i32 to vector<1x12544xi32>
    %add3A_240 = arith.addi %rem3A_226, %add3A_239 : vector<1x12544xi32>
    %select_n3A_241 = arith.select %and3A_238, %add3A_240, %rem3A_226 : vector<1x12544xi1>, vector<1x12544xi32>
    %eq3A_242 = arith.constant 0 : i32
    %eq3A_243 = vector.broadcast %eq3A_242 : i32 to vector<1x12544xi32>
    %eq3A_244 = arith.cmpi eq, %select_n3A_241, %eq3A_243 : vector<1x12544xi32>
    %broadcast_in_dim3A_245 = arith.constant 0.000000e+00 : f32
    %broadcast_in_dim3A_246 = vector.broadcast %broadcast_in_dim3A_245 : f32 to vector<64x12544xf32>
    %broadcast_in_dim3A_247 = vector.shape_cast %eq3A_244 : vector<1x12544xi1> to vector<1x12544xi1>
    %broadcast_in_dim3A_248 = vector.broadcast %broadcast_in_dim3A_247 : vector<1x12544xi1> to vector<64x12544xi1>
    %select_n3A_249 = arith.select %broadcast_in_dim3A_248, %broadcast_in_dim3A_246, %concatenate3A_218 : vector<64x12544xi1>, vector<64x12544xf32>
    %convert_element_type3A_250 = arith.truncf %get3A_214 : vector<32x64xf32> to vector<32x64xbf16>
    %convert_element_type3A_251 = arith.truncf %select_n3A_249 : vector<64x12544xf32> to vector<64x12544xbf16>
    %dot_general3A_252 = arith.constant dense<0.000000e+00> : vector<32x12544xf32>
    %dot_general3A_253 = tpu.matmul %convert_element_type3A_250, %convert_element_type3A_251, %dot_general3A_252 {dimension_numbers = #tpu.dot_dimension_numbers<[1], [0], [0], [1], [0, 0, 1, 1], [], []>, transpose_lhs_hint = false} : vector<32x64xbf16>, vector<64x12544xbf16>, vector<32x12544xf32> -> vector<32x12544xf32>
    %add3A_254 = arith.addf %add3A_208, %dot_general3A_253 : vector<32x12544xf32>
    %get3A_255 = arith.constant 7 : index
    %get3A_256 = arith.constant 0 : index
    %get3A_257 = arith.constant 0 : index
    %get3A_258 = vector.load %arg4[%get3A_255, %get3A_256, %get3A_257] : memref<9x32x64xf32, #tpu.memory_space<vmem>>, vector<1x32x64xf32>
    %get3A_259 = vector.shape_cast %get3A_258 : vector<1x32x64xf32> to vector<32x64xf32>
    %convert_element_type3A_260 = arith.truncf %get3A_259 : vector<32x64xf32> to vector<32x64xbf16>
    %convert_element_type3A_261 = arith.truncf %slice3A_209 : vector<64x12544xf32> to vector<64x12544xbf16>
    %dot_general3A_262 = arith.constant dense<0.000000e+00> : vector<32x12544xf32>
    %dot_general3A_263 = tpu.matmul %convert_element_type3A_260, %convert_element_type3A_261, %dot_general3A_262 {dimension_numbers = #tpu.dot_dimension_numbers<[1], [0], [0], [1], [0, 0, 1, 1], [], []>, transpose_lhs_hint = false} : vector<32x64xbf16>, vector<64x12544xbf16>, vector<32x12544xf32> -> vector<32x12544xf32>
    %add3A_264 = arith.addf %add3A_254, %dot_general3A_263 : vector<32x12544xf32>
    %get3A_265 = arith.constant 8 : index
    %get3A_266 = arith.constant 0 : index
    %get3A_267 = arith.constant 0 : index
    %get3A_268 = vector.load %arg4[%get3A_265, %get3A_266, %get3A_267] : memref<9x32x64xf32, #tpu.memory_space<vmem>>, vector<1x32x64xf32>
    %get3A_269 = vector.shape_cast %get3A_268 : vector<1x32x64xf32> to vector<32x64xf32>
    %slice3A_270 = vector.extract_strided_slice %slice3A_209 {offsets = [0, 1], sizes = [64, 12543], strides = [1, 1]} : vector<64x12544xf32> to vector<64x12543xf32>
    %broadcast_in_dim3A_271 = arith.constant 0.000000e+00 : f32
    %broadcast_in_dim3A_272 = vector.broadcast %broadcast_in_dim3A_271 : f32 to vector<64x1xf32>
    %concatenate3A_273 = tpu.concatenate %slice3A_270, %broadcast_in_dim3A_272 in 1 : vector<64x12543xf32>, vector<64x1xf32> -> vector<64x12544xf32>
    %iota3A_274 = tpu.iota {dimensions = array<i32: 1>} : vector<1x12544xi32>
    %jit3A_275 = arith.constant 224 : i32
    %eq3A_276 = arith.constant 0 : i32
    %eq3A_277 = arith.cmpi eq, %jit3A_275, %eq3A_276 : i32
    %jit3A_278 = arith.constant 1 : i32
    %select_n3A_279 = arith.select %eq3A_277, %jit3A_278, %jit3A_275 : i32
    %rem3A_280 = vector.broadcast %select_n3A_279 : i32 to vector<1x12544xi32>
    %rem3A_281 = arith.remsi %iota3A_274, %rem3A_280 : vector<1x12544xi32>
    %ne3A_282 = arith.constant 0 : i32
    %ne3A_283 = vector.broadcast %ne3A_282 : i32 to vector<1x12544xi32>
    %ne3A_284 = arith.cmpi ne, %rem3A_281, %ne3A_283 : vector<1x12544xi32>
    %lt3A_285 = arith.constant 0 : i32
    %lt3A_286 = vector.broadcast %lt3A_285 : i32 to vector<1x12544xi32>
    %lt3A_287 = arith.cmpi slt, %rem3A_281, %lt3A_286 : vector<1x12544xi32>
    %lt3A_288 = arith.constant 0 : i32
    %lt3A_289 = arith.cmpi slt, %select_n3A_279, %lt3A_288 : i32
    %ne3A_290 = vector.broadcast %lt3A_289 : i1 to vector<1x12544xi1>
    %ne3A_291 = vector.broadcast %ne3A_290 : vector<1x12544xi1> to vector<1x12544xi1>
    %ne3A_292 = arith.xori %lt3A_287, %ne3A_291 : vector<1x12544xi1>
    %and3A_293 = arith.andi %ne3A_292, %ne3A_284 : vector<1x12544xi1>
    %add3A_294 = vector.broadcast %select_n3A_279 : i32 to vector<1x12544xi32>
    %add3A_295 = arith.addi %rem3A_281, %add3A_294 : vector<1x12544xi32>
    %select_n3A_296 = arith.select %and3A_293, %add3A_295, %rem3A_281 : vector<1x12544xi1>, vector<1x12544xi32>
    %eq3A_297 = arith.constant 223 : i32
    %eq3A_298 = vector.broadcast %eq3A_297 : i32 to vector<1x12544xi32>
    %eq3A_299 = arith.cmpi eq, %select_n3A_296, %eq3A_298 : vector<1x12544xi32>
    %broadcast_in_dim3A_300 = arith.constant 0.000000e+00 : f32
    %broadcast_in_dim3A_301 = vector.broadcast %broadcast_in_dim3A_300 : f32 to vector<64x12544xf32>
    %broadcast_in_dim3A_302 = vector.shape_cast %eq3A_299 : vector<1x12544xi1> to vector<1x12544xi1>
    %broadcast_in_dim3A_303 = vector.broadcast %broadcast_in_dim3A_302 : vector<1x12544xi1> to vector<64x12544xi1>
    %select_n3A_304 = arith.select %broadcast_in_dim3A_303, %broadcast_in_dim3A_301, %concatenate3A_273 : vector<64x12544xi1>, vector<64x12544xf32>
    %convert_element_type3A_305 = arith.truncf %get3A_269 : vector<32x64xf32> to vector<32x64xbf16>
    %convert_element_type3A_306 = arith.truncf %select_n3A_304 : vector<64x12544xf32> to vector<64x12544xbf16>
    %dot_general3A_307 = arith.constant dense<0.000000e+00> : vector<32x12544xf32>
    %dot_general3A_308 = tpu.matmul %convert_element_type3A_305, %convert_element_type3A_306, %dot_general3A_307 {dimension_numbers = #tpu.dot_dimension_numbers<[1], [0], [0], [1], [0, 0, 1, 1], [], []>, transpose_lhs_hint = false} : vector<32x64xbf16>, vector<64x12544xbf16>, vector<32x12544xf32> -> vector<32x12544xf32>
    %add3A_309 = arith.addf %add3A_264, %dot_general3A_308 : vector<32x12544xf32>
    %get3A_310 = arith.constant 0 : index
    %get3A_311 = arith.constant 0 : index
    %get3A_312 = vector.load %arg5[%get3A_310, %get3A_311] : memref<32x1xf32, #tpu.memory_space<vmem>>, vector<32x1xf32>
    %add3A_313 = vector.broadcast %get3A_312 : vector<32x1xf32> to vector<32x12544xf32>
    %add3A_314 = arith.addf %add3A_309, %add3A_313 : vector<32x12544xf32>
    %swap3A = arith.constant 0 : index
    %swap3A_315 = arith.constant 0 : index
    %swap3A_316 = arith.constant 0 : index
    %swap3A_317 = vector.load %arg6[%swap3A, %swap3A_315, %swap3A_316] : memref<1x32x12544xf32, #tpu.memory_space<vmem>>, vector<1x32x12544xf32>
    %swap3A_318 = vector.shape_cast %swap3A_317 : vector<1x32x12544xf32> to vector<32x12544xf32>
    %swap3A_319 = vector.shape_cast %add3A_314 : vector<32x12544xf32> to vector<1x32x12544xf32>
    tpu.vector_store %arg6[%swap3A, %swap3A_315, %swap3A_316], %swap3A_319 {strides = array<i32>} : memref<1x32x12544xf32, #tpu.memory_space<vmem>>, vector<1x32x12544xf32>,
    %reduce_sum3A = arith.constant dense<0.000000e+00> : vector<32xf32>
    %reduce_sum3A_320 = vector.multi_reduction <add>, %add3A_314, %reduce_sum3A [1] : vector<32x12544xf32> to vector<32xf32>
    %broadcast_in_dim3A_321 = vector.shape_cast %reduce_sum3A_320 : vector<32xf32> to vector<32x1xf32>
    %mul3A = arith.mulf %add3A_314, %add3A_314 : vector<32x12544xf32>
    %reduce_sum3A_322 = arith.constant dense<0.000000e+00> : vector<32xf32>
    %reduce_sum3A_323 = vector.multi_reduction <add>, %mul3A, %reduce_sum3A_322 [1] : vector<32x12544xf32> to vector<32xf32>
    %broadcast_in_dim3A_324 = vector.shape_cast %reduce_sum3A_323 : vector<32xf32> to vector<32x1xf32>
    %eq3A_325 = arith.constant 0 : i32
    %eq3A_326 = arith.cmpi eq, %arg0, %eq3A_325 : i32
    %eq3A_327 = arith.constant 0 : i32
    %eq3A_328 = arith.cmpi eq, %arg1, %eq3A_327 : i32
    %and3A_329 = arith.andi %eq3A_326, %eq3A_328 : i1
    %convert_element_type3A_330 = arith.extui %and3A_329 : i1 to i32
    %cond3A = arith.constant 0 : i32
    %cond3A_331 = arith.cmpi ne, %convert_element_type3A_330, %cond3A : i32
    scf.if %cond3A_331 {
      %swap3A_336 = arith.constant 0 : index
      %swap3A_337 = arith.constant 0 : index
      %swap3A_338 = vector.load %arg7[%swap3A_336, %swap3A_337] : memref<32x1xf32, #tpu.memory_space<vmem>>, vector<32x1xf32>
      tpu.vector_store %arg7[%swap3A_336, %swap3A_337], %broadcast_in_dim3A_321 {strides = array<i32>} : memref<32x1xf32, #tpu.memory_space<vmem>>, vector<32x1xf32>,
      %swap3A_339 = arith.constant 0 : index
      %swap3A_340 = arith.constant 0 : index
      %swap3A_341 = vector.load %arg8[%swap3A_339, %swap3A_340] : memref<32x1xf32, #tpu.memory_space<vmem>>, vector<32x1xf32>
      tpu.vector_store %arg8[%swap3A_339, %swap3A_340], %broadcast_in_dim3A_324 {strides = array<i32>} : memref<32x1xf32, #tpu.memory_space<vmem>>, vector<32x1xf32>,
    } else {
    }
    %not3A = arith.constant true
    %not3A_332 = arith.xori %and3A_329, %not3A : i1
    %convert_element_type3A_333 = arith.extui %not3A_332 : i1 to i32
    %cond3A_334 = arith.constant 0 : i32
    %cond3A_335 = arith.cmpi ne, %convert_element_type3A_333, %cond3A_334 : i32
    scf.if %cond3A_335 {
      %get3A_336 = arith.constant 0 : index
      %get3A_337 = arith.constant 0 : index
      %get3A_338 = vector.load %arg7[%get3A_336, %get3A_337] : memref<32x1xf32, #tpu.memory_space<vmem>>, vector<32x1xf32>
      %add3A_339 = arith.addf %get3A_338, %broadcast_in_dim3A_321 : vector<32x1xf32>
      %swap3A_340 = arith.constant 0 : index
      %swap3A_341 = arith.constant 0 : index
      %swap3A_342 = vector.load %arg7[%swap3A_340, %swap3A_341] : memref<32x1xf32, #tpu.memory_space<vmem>>, vector<32x1xf32>
      tpu.vector_store %arg7[%swap3A_340, %swap3A_341], %add3A_339 {strides = array<i32>} : memref<32x1xf32, #tpu.memory_space<vmem>>, vector<32x1xf32>,
      %get3A_343 = arith.constant 0 : index
      %get3A_344 = arith.constant 0 : index
      %get3A_345 = vector.load %arg8[%get3A_343, %get3A_344] : memref<32x1xf32, #tpu.memory_space<vmem>>, vector<32x1xf32>
      %add3A_346 = arith.addf %get3A_345, %broadcast_in_dim3A_324 : vector<32x1xf32>
      %swap3A_347 = arith.constant 0 : index
      %swap3A_348 = arith.constant 0 : index
      %swap3A_349 = vector.load %arg8[%swap3A_347, %swap3A_348] : memref<32x1xf32, #tpu.memory_space<vmem>>, vector<32x1xf32>
      tpu.vector_store %arg8[%swap3A_347, %swap3A_348], %add3A_346 {strides = array<i32>} : memref<32x1xf32, #tpu.memory_space<vmem>>, vector<32x1xf32>,
    } else {
    }
    return
  }
  func.func @transform_0(%arg0: i32, %arg1: i32) -> (i32, i32, i32) {
    %c0_i32 = arith.constant 0 : i32
    %c0_i32_0 = arith.constant 0 : i32
    return %arg0, %c0_i32, %arg1 : i32, i32, i32
  }
  func.func @transform_1(%arg0: i32, %arg1: i32) -> (i32, i32, i32, i32) {
    %c0_i32 = arith.constant 0 : i32
    %c0_i32_0 = arith.constant 0 : i32
    %c0_i32_1 = arith.constant 0 : i32
    return %arg0, %arg1, %c0_i32, %c0_i32_0 : i32, i32, i32, i32
  }
  func.func @transform_2(%arg0: i32, %arg1: i32) -> (i32, i32, i32) {
    %c0_i32 = arith.constant 0 : i32
    %c0_i32_0 = arith.constant 0 : i32
    %c0_i32_1 = arith.constant 0 : i32
    %c0_i32_2 = arith.constant 0 : i32
    return %c0_i32, %c0_i32_0, %c0_i32_1 : i32, i32, i32
  }
  func.func @transform_3(%arg0: i32, %arg1: i32) -> (i32, i32) {
    %c0_i32 = arith.constant 0 : i32
    %c0_i32_0 = arith.constant 0 : i32
    %c0_i32_1 = arith.constant 0 : i32
    return %c0_i32, %c0_i32_0 : i32, i32
  }
  func.func @transform_4(%arg0: i32, %arg1: i32) -> (i32, i32, i32) {
    %c0_i32 = arith.constant 0 : i32
    %c0_i32_0 = arith.constant 0 : i32
    return %arg0, %c0_i32, %arg1 : i32, i32, i32
  }
  func.func @transform_5(%arg0: i32, %arg1: i32) -> (i32, i32) {
    %c0_i32 = arith.constant 0 : i32
    %c0_i32_0 = arith.constant 0 : i32
    %c0_i32_1 = arith.constant 0 : i32
    return %c0_i32, %c0_i32_0 : i32, i32
  }
  func.func @transform_6(%arg0: i32, %arg1: i32) -> (i32, i32) {
    %c0_i32 = arith.constant 0 : i32
    %c0_i32_0 = arith.constant 0 : i32
    %c0_i32_1 = arith.constant 0 : i32
    return %c0_i32, %c0_i32_0 : i32, i32
  }
}

module attributes {stable_mosaic.version = 14 : i64} {
  func.func @body(%arg0: i32, %arg1: i32, %arg2: memref<1x32x12544xf32, #tpu.memory_space<vmem>>, %arg3: memref<1x1x32x512xf32, #tpu.memory_space<vmem>>, %arg4: memref<9x8x32xf32, #tpu.memory_space<vmem>>, %arg5: memref<8x1xf32, #tpu.memory_space<vmem>>, %arg6: memref<32x1xf32, #tpu.memory_space<vmem>>, %arg7: memref<32x1xf32, #tpu.memory_space<vmem>>, %arg8: memref<1x8x12544xf32, #tpu.memory_space<vmem>>) attributes {dimension_semantics = [#tpu.dimension_semantics<arbitrary>, #tpu.dimension_semantics<arbitrary>], iteration_bounds = array<i64: 8, 4>, scalar_prefetch = 0 : i64, scratch_operands = 0 : i64, tpu.core_type = #tpu.core_type<tc>, window_params = [{transform_indices = @transform_0, window_bounds = array<i64: 1, 32, 12544>}, {transform_indices = @transform_1, window_bounds = array<i64: 1, 1, 32, 512>}, {pipeline_mode = #tpu.pipeline_mode<synchronous>, transform_indices = @transform_2, window_bounds = array<i64: 9, 8, 32>}, {pipeline_mode = #tpu.pipeline_mode<synchronous>, transform_indices = @transform_3, window_bounds = array<i64: 8, 1>}, {pipeline_mode = #tpu.pipeline_mode<synchronous>, transform_indices = @transform_4, window_bounds = array<i64: 32, 1>}, {pipeline_mode = #tpu.pipeline_mode<synchronous>, transform_indices = @transform_5, window_bounds = array<i64: 32, 1>}, {transform_indices = @transform_6, window_bounds = array<i64: 1, 8, 12544>}]} {
    %get3A = arith.constant 0 : index
    %get3A_0 = arith.constant 0 : index
    %get3A_1 = arith.constant 0 : index
    %get3A_2 = arith.constant 0 : index
    %get3A_3 = vector.load %arg3[%get3A, %get3A_0, %get3A_1, %get3A_2] : memref<1x1x32x512xf32, #tpu.memory_space<vmem>>, vector<1x1x32x512xf32>
    %get3A_4 = vector.shape_cast %get3A_3 : vector<1x1x32x512xf32> to vector<32x512xf32>
    %slice3A = vector.extract_strided_slice %get3A_4 {offsets = [0, 0], sizes = [32, 224], strides = [1, 1]} : vector<32x512xf32> to vector<32x224xf32>
    %get3A_5 = arith.constant 0 : index
    %get3A_6 = arith.constant 0 : index
    %get3A_7 = arith.constant 0 : index
    %get3A_8 = arith.constant 0 : index
    %get3A_9 = vector.load %arg3[%get3A_5, %get3A_6, %get3A_7, %get3A_8] : memref<1x1x32x512xf32, #tpu.memory_space<vmem>>, vector<1x1x32x512xf32>
    %get3A_10 = vector.shape_cast %get3A_9 : vector<1x1x32x512xf32> to vector<32x512xf32>
    %slice3A_11 = vector.extract_strided_slice %get3A_10 {offsets = [0, 256], sizes = [32, 224], strides = [1, 1]} : vector<32x512xf32> to vector<32x224xf32>
    %get3A_12 = arith.constant 0 : index
    %get3A_13 = arith.constant 0 : index
    %get3A_14 = arith.constant 0 : index
    %get3A_15 = vector.load %arg2[%get3A_12, %get3A_13, %get3A_14] : memref<1x32x12544xf32, #tpu.memory_space<vmem>>, vector<1x32x12544xf32>
    %get3A_16 = vector.shape_cast %get3A_15 : vector<1x32x12544xf32> to vector<32x12544xf32>
    %concatenate3A = tpu.concatenate %slice3A, %get3A_16, %slice3A_11 in 1 : vector<32x224xf32>, vector<32x12544xf32>, vector<32x224xf32> -> vector<32x12992xf32>
    %get3A_17 = arith.constant 0 : index
    %get3A_18 = arith.constant 0 : index
    %get3A_19 = vector.load %arg6[%get3A_17, %get3A_18] : memref<32x1xf32, #tpu.memory_space<vmem>>, vector<32x1xf32>
    %get3A_20 = arith.constant 0 : index
    %get3A_21 = arith.constant 0 : index
    %get3A_22 = vector.load %arg7[%get3A_20, %get3A_21] : memref<32x1xf32, #tpu.memory_space<vmem>>, vector<32x1xf32>
    %mul3A = vector.broadcast %get3A_19 : vector<32x1xf32> to vector<32x12992xf32>
    %mul3A_23 = arith.mulf %concatenate3A, %mul3A : vector<32x12992xf32>
    %add3A = vector.broadcast %get3A_22 : vector<32x1xf32> to vector<32x12992xf32>
    %add3A_24 = arith.addf %mul3A_23, %add3A : vector<32x12992xf32>
    %ge3A = arith.constant 0.000000e+00 : f32
    %ge3A_25 = vector.broadcast %ge3A : f32 to vector<32x12992xf32>
    %ge3A_26 = arith.cmpf oge, %add3A_24, %ge3A_25 : vector<32x12992xf32>
    %mul3A_27 = arith.constant 1.000000e-01 : f32
    %mul3A_28 = vector.broadcast %mul3A_27 : f32 to vector<32x12992xf32>
    %mul3A_29 = arith.mulf %mul3A_28, %add3A_24 : vector<32x12992xf32>
    %select_n3A = arith.select %ge3A_26, %add3A_24, %mul3A_29 : vector<32x12992xi1>, vector<32x12992xf32>
    %broadcast_in_dim3A = arith.constant 0.000000e+00 : f32
    %broadcast_in_dim3A_30 = vector.broadcast %broadcast_in_dim3A : f32 to vector<8x12544xf32>
    %slice3A_31 = vector.extract_strided_slice %select_n3A {offsets = [0, 0], sizes = [32, 12544], strides = [1, 1]} : vector<32x12992xf32> to vector<32x12544xf32>
    %get3A_32 = arith.constant 0 : index
    %get3A_33 = arith.constant 0 : index
    %get3A_34 = arith.constant 0 : index
    %get3A_35 = vector.load %arg4[%get3A_32, %get3A_33, %get3A_34] : memref<9x8x32xf32, #tpu.memory_space<vmem>>, vector<1x8x32xf32>
    %get3A_36 = vector.shape_cast %get3A_35 : vector<1x8x32xf32> to vector<8x32xf32>
    %broadcast_in_dim3A_37 = arith.constant 0.000000e+00 : f32
    %broadcast_in_dim3A_38 = vector.broadcast %broadcast_in_dim3A_37 : f32 to vector<32x1xf32>
    %slice3A_39 = vector.extract_strided_slice %slice3A_31 {offsets = [0, 0], sizes = [32, 12543], strides = [1, 1]} : vector<32x12544xf32> to vector<32x12543xf32>
    %concatenate3A_40 = tpu.concatenate %broadcast_in_dim3A_38, %slice3A_39 in 1 : vector<32x1xf32>, vector<32x12543xf32> -> vector<32x12544xf32>
    %iota3A = tpu.iota {dimensions = array<i32: 1>} : vector<1x12544xi32>
    %jit3A = arith.constant 224 : i32
    %eq3A = arith.constant 0 : i32
    %eq3A_41 = arith.cmpi eq, %jit3A, %eq3A : i32
    %jit3A_42 = arith.constant 1 : i32
    %select_n3A_43 = arith.select %eq3A_41, %jit3A_42, %jit3A : i32
    %rem3A = vector.broadcast %select_n3A_43 : i32 to vector<1x12544xi32>
    %rem3A_44 = arith.remsi %iota3A, %rem3A : vector<1x12544xi32>
    %ne3A = arith.constant 0 : i32
    %ne3A_45 = vector.broadcast %ne3A : i32 to vector<1x12544xi32>
    %ne3A_46 = arith.cmpi ne, %rem3A_44, %ne3A_45 : vector<1x12544xi32>
    %lt3A = arith.constant 0 : i32
    %lt3A_47 = vector.broadcast %lt3A : i32 to vector<1x12544xi32>
    %lt3A_48 = arith.cmpi slt, %rem3A_44, %lt3A_47 : vector<1x12544xi32>
    %lt3A_49 = arith.constant 0 : i32
    %lt3A_50 = arith.cmpi slt, %select_n3A_43, %lt3A_49 : i32
    %ne3A_51 = vector.broadcast %lt3A_50 : i1 to vector<1x12544xi1>
    %ne3A_52 = vector.broadcast %ne3A_51 : vector<1x12544xi1> to vector<1x12544xi1>
    %ne3A_53 = arith.xori %lt3A_48, %ne3A_52 : vector<1x12544xi1>
    %and3A = arith.andi %ne3A_53, %ne3A_46 : vector<1x12544xi1>
    %add3A_54 = vector.broadcast %select_n3A_43 : i32 to vector<1x12544xi32>
    %add3A_55 = arith.addi %rem3A_44, %add3A_54 : vector<1x12544xi32>
    %select_n3A_56 = arith.select %and3A, %add3A_55, %rem3A_44 : vector<1x12544xi1>, vector<1x12544xi32>
    %eq3A_57 = arith.constant 0 : i32
    %eq3A_58 = vector.broadcast %eq3A_57 : i32 to vector<1x12544xi32>
    %eq3A_59 = arith.cmpi eq, %select_n3A_56, %eq3A_58 : vector<1x12544xi32>
    %broadcast_in_dim3A_60 = arith.constant 0.000000e+00 : f32
    %broadcast_in_dim3A_61 = vector.broadcast %broadcast_in_dim3A_60 : f32 to vector<32x12544xf32>
    %broadcast_in_dim3A_62 = vector.shape_cast %eq3A_59 : vector<1x12544xi1> to vector<1x12544xi1>
    %broadcast_in_dim3A_63 = vector.broadcast %broadcast_in_dim3A_62 : vector<1x12544xi1> to vector<32x12544xi1>
    %select_n3A_64 = arith.select %broadcast_in_dim3A_63, %broadcast_in_dim3A_61, %concatenate3A_40 : vector<32x12544xi1>, vector<32x12544xf32>
    %convert_element_type3A = arith.truncf %get3A_36 : vector<8x32xf32> to vector<8x32xbf16>
    %convert_element_type3A_65 = arith.truncf %select_n3A_64 : vector<32x12544xf32> to vector<32x12544xbf16>
    %dot_general3A = arith.constant dense<0.000000e+00> : vector<8x12544xf32>
    %dot_general3A_66 = tpu.matmul %convert_element_type3A, %convert_element_type3A_65, %dot_general3A {dimension_numbers = #tpu.dot_dimension_numbers<[1], [0], [0], [1], [0, 0, 1, 1], [], []>, transpose_lhs_hint = false} : vector<8x32xbf16>, vector<32x12544xbf16>, vector<8x12544xf32> -> vector<8x12544xf32>
    %add3A_67 = arith.addf %broadcast_in_dim3A_30, %dot_general3A_66 : vector<8x12544xf32>
    %get3A_68 = arith.constant 1 : index
    %get3A_69 = arith.constant 0 : index
    %get3A_70 = arith.constant 0 : index
    %get3A_71 = vector.load %arg4[%get3A_68, %get3A_69, %get3A_70] : memref<9x8x32xf32, #tpu.memory_space<vmem>>, vector<1x8x32xf32>
    %get3A_72 = vector.shape_cast %get3A_71 : vector<1x8x32xf32> to vector<8x32xf32>
    %convert_element_type3A_73 = arith.truncf %get3A_72 : vector<8x32xf32> to vector<8x32xbf16>
    %convert_element_type3A_74 = arith.truncf %slice3A_31 : vector<32x12544xf32> to vector<32x12544xbf16>
    %dot_general3A_75 = arith.constant dense<0.000000e+00> : vector<8x12544xf32>
    %dot_general3A_76 = tpu.matmul %convert_element_type3A_73, %convert_element_type3A_74, %dot_general3A_75 {dimension_numbers = #tpu.dot_dimension_numbers<[1], [0], [0], [1], [0, 0, 1, 1], [], []>, transpose_lhs_hint = false} : vector<8x32xbf16>, vector<32x12544xbf16>, vector<8x12544xf32> -> vector<8x12544xf32>
    %add3A_77 = arith.addf %add3A_67, %dot_general3A_76 : vector<8x12544xf32>
    %get3A_78 = arith.constant 2 : index
    %get3A_79 = arith.constant 0 : index
    %get3A_80 = arith.constant 0 : index
    %get3A_81 = vector.load %arg4[%get3A_78, %get3A_79, %get3A_80] : memref<9x8x32xf32, #tpu.memory_space<vmem>>, vector<1x8x32xf32>
    %get3A_82 = vector.shape_cast %get3A_81 : vector<1x8x32xf32> to vector<8x32xf32>
    %slice3A_83 = vector.extract_strided_slice %slice3A_31 {offsets = [0, 1], sizes = [32, 12543], strides = [1, 1]} : vector<32x12544xf32> to vector<32x12543xf32>
    %broadcast_in_dim3A_84 = arith.constant 0.000000e+00 : f32
    %broadcast_in_dim3A_85 = vector.broadcast %broadcast_in_dim3A_84 : f32 to vector<32x1xf32>
    %concatenate3A_86 = tpu.concatenate %slice3A_83, %broadcast_in_dim3A_85 in 1 : vector<32x12543xf32>, vector<32x1xf32> -> vector<32x12544xf32>
    %iota3A_87 = tpu.iota {dimensions = array<i32: 1>} : vector<1x12544xi32>
    %jit3A_88 = arith.constant 224 : i32
    %eq3A_89 = arith.constant 0 : i32
    %eq3A_90 = arith.cmpi eq, %jit3A_88, %eq3A_89 : i32
    %jit3A_91 = arith.constant 1 : i32
    %select_n3A_92 = arith.select %eq3A_90, %jit3A_91, %jit3A_88 : i32
    %rem3A_93 = vector.broadcast %select_n3A_92 : i32 to vector<1x12544xi32>
    %rem3A_94 = arith.remsi %iota3A_87, %rem3A_93 : vector<1x12544xi32>
    %ne3A_95 = arith.constant 0 : i32
    %ne3A_96 = vector.broadcast %ne3A_95 : i32 to vector<1x12544xi32>
    %ne3A_97 = arith.cmpi ne, %rem3A_94, %ne3A_96 : vector<1x12544xi32>
    %lt3A_98 = arith.constant 0 : i32
    %lt3A_99 = vector.broadcast %lt3A_98 : i32 to vector<1x12544xi32>
    %lt3A_100 = arith.cmpi slt, %rem3A_94, %lt3A_99 : vector<1x12544xi32>
    %lt3A_101 = arith.constant 0 : i32
    %lt3A_102 = arith.cmpi slt, %select_n3A_92, %lt3A_101 : i32
    %ne3A_103 = vector.broadcast %lt3A_102 : i1 to vector<1x12544xi1>
    %ne3A_104 = vector.broadcast %ne3A_103 : vector<1x12544xi1> to vector<1x12544xi1>
    %ne3A_105 = arith.xori %lt3A_100, %ne3A_104 : vector<1x12544xi1>
    %and3A_106 = arith.andi %ne3A_105, %ne3A_97 : vector<1x12544xi1>
    %add3A_107 = vector.broadcast %select_n3A_92 : i32 to vector<1x12544xi32>
    %add3A_108 = arith.addi %rem3A_94, %add3A_107 : vector<1x12544xi32>
    %select_n3A_109 = arith.select %and3A_106, %add3A_108, %rem3A_94 : vector<1x12544xi1>, vector<1x12544xi32>
    %eq3A_110 = arith.constant 223 : i32
    %eq3A_111 = vector.broadcast %eq3A_110 : i32 to vector<1x12544xi32>
    %eq3A_112 = arith.cmpi eq, %select_n3A_109, %eq3A_111 : vector<1x12544xi32>
    %broadcast_in_dim3A_113 = arith.constant 0.000000e+00 : f32
    %broadcast_in_dim3A_114 = vector.broadcast %broadcast_in_dim3A_113 : f32 to vector<32x12544xf32>
    %broadcast_in_dim3A_115 = vector.shape_cast %eq3A_112 : vector<1x12544xi1> to vector<1x12544xi1>
    %broadcast_in_dim3A_116 = vector.broadcast %broadcast_in_dim3A_115 : vector<1x12544xi1> to vector<32x12544xi1>
    %select_n3A_117 = arith.select %broadcast_in_dim3A_116, %broadcast_in_dim3A_114, %concatenate3A_86 : vector<32x12544xi1>, vector<32x12544xf32>
    %convert_element_type3A_118 = arith.truncf %get3A_82 : vector<8x32xf32> to vector<8x32xbf16>
    %convert_element_type3A_119 = arith.truncf %select_n3A_117 : vector<32x12544xf32> to vector<32x12544xbf16>
    %dot_general3A_120 = arith.constant dense<0.000000e+00> : vector<8x12544xf32>
    %dot_general3A_121 = tpu.matmul %convert_element_type3A_118, %convert_element_type3A_119, %dot_general3A_120 {dimension_numbers = #tpu.dot_dimension_numbers<[1], [0], [0], [1], [0, 0, 1, 1], [], []>, transpose_lhs_hint = false} : vector<8x32xbf16>, vector<32x12544xbf16>, vector<8x12544xf32> -> vector<8x12544xf32>
    %add3A_122 = arith.addf %add3A_77, %dot_general3A_121 : vector<8x12544xf32>
    %slice3A_123 = vector.extract_strided_slice %select_n3A {offsets = [0, 224], sizes = [32, 12544], strides = [1, 1]} : vector<32x12992xf32> to vector<32x12544xf32>
    %get3A_124 = arith.constant 3 : index
    %get3A_125 = arith.constant 0 : index
    %get3A_126 = arith.constant 0 : index
    %get3A_127 = vector.load %arg4[%get3A_124, %get3A_125, %get3A_126] : memref<9x8x32xf32, #tpu.memory_space<vmem>>, vector<1x8x32xf32>
    %get3A_128 = vector.shape_cast %get3A_127 : vector<1x8x32xf32> to vector<8x32xf32>
    %broadcast_in_dim3A_129 = arith.constant 0.000000e+00 : f32
    %broadcast_in_dim3A_130 = vector.broadcast %broadcast_in_dim3A_129 : f32 to vector<32x1xf32>
    %slice3A_131 = vector.extract_strided_slice %slice3A_123 {offsets = [0, 0], sizes = [32, 12543], strides = [1, 1]} : vector<32x12544xf32> to vector<32x12543xf32>
    %concatenate3A_132 = tpu.concatenate %broadcast_in_dim3A_130, %slice3A_131 in 1 : vector<32x1xf32>, vector<32x12543xf32> -> vector<32x12544xf32>
    %iota3A_133 = tpu.iota {dimensions = array<i32: 1>} : vector<1x12544xi32>
    %jit3A_134 = arith.constant 224 : i32
    %eq3A_135 = arith.constant 0 : i32
    %eq3A_136 = arith.cmpi eq, %jit3A_134, %eq3A_135 : i32
    %jit3A_137 = arith.constant 1 : i32
    %select_n3A_138 = arith.select %eq3A_136, %jit3A_137, %jit3A_134 : i32
    %rem3A_139 = vector.broadcast %select_n3A_138 : i32 to vector<1x12544xi32>
    %rem3A_140 = arith.remsi %iota3A_133, %rem3A_139 : vector<1x12544xi32>
    %ne3A_141 = arith.constant 0 : i32
    %ne3A_142 = vector.broadcast %ne3A_141 : i32 to vector<1x12544xi32>
    %ne3A_143 = arith.cmpi ne, %rem3A_140, %ne3A_142 : vector<1x12544xi32>
    %lt3A_144 = arith.constant 0 : i32
    %lt3A_145 = vector.broadcast %lt3A_144 : i32 to vector<1x12544xi32>
    %lt3A_146 = arith.cmpi slt, %rem3A_140, %lt3A_145 : vector<1x12544xi32>
    %lt3A_147 = arith.constant 0 : i32
    %lt3A_148 = arith.cmpi slt, %select_n3A_138, %lt3A_147 : i32
    %ne3A_149 = vector.broadcast %lt3A_148 : i1 to vector<1x12544xi1>
    %ne3A_150 = vector.broadcast %ne3A_149 : vector<1x12544xi1> to vector<1x12544xi1>
    %ne3A_151 = arith.xori %lt3A_146, %ne3A_150 : vector<1x12544xi1>
    %and3A_152 = arith.andi %ne3A_151, %ne3A_143 : vector<1x12544xi1>
    %add3A_153 = vector.broadcast %select_n3A_138 : i32 to vector<1x12544xi32>
    %add3A_154 = arith.addi %rem3A_140, %add3A_153 : vector<1x12544xi32>
    %select_n3A_155 = arith.select %and3A_152, %add3A_154, %rem3A_140 : vector<1x12544xi1>, vector<1x12544xi32>
    %eq3A_156 = arith.constant 0 : i32
    %eq3A_157 = vector.broadcast %eq3A_156 : i32 to vector<1x12544xi32>
    %eq3A_158 = arith.cmpi eq, %select_n3A_155, %eq3A_157 : vector<1x12544xi32>
    %broadcast_in_dim3A_159 = arith.constant 0.000000e+00 : f32
    %broadcast_in_dim3A_160 = vector.broadcast %broadcast_in_dim3A_159 : f32 to vector<32x12544xf32>
    %broadcast_in_dim3A_161 = vector.shape_cast %eq3A_158 : vector<1x12544xi1> to vector<1x12544xi1>
    %broadcast_in_dim3A_162 = vector.broadcast %broadcast_in_dim3A_161 : vector<1x12544xi1> to vector<32x12544xi1>
    %select_n3A_163 = arith.select %broadcast_in_dim3A_162, %broadcast_in_dim3A_160, %concatenate3A_132 : vector<32x12544xi1>, vector<32x12544xf32>
    %convert_element_type3A_164 = arith.truncf %get3A_128 : vector<8x32xf32> to vector<8x32xbf16>
    %convert_element_type3A_165 = arith.truncf %select_n3A_163 : vector<32x12544xf32> to vector<32x12544xbf16>
    %dot_general3A_166 = arith.constant dense<0.000000e+00> : vector<8x12544xf32>
    %dot_general3A_167 = tpu.matmul %convert_element_type3A_164, %convert_element_type3A_165, %dot_general3A_166 {dimension_numbers = #tpu.dot_dimension_numbers<[1], [0], [0], [1], [0, 0, 1, 1], [], []>, transpose_lhs_hint = false} : vector<8x32xbf16>, vector<32x12544xbf16>, vector<8x12544xf32> -> vector<8x12544xf32>
    %add3A_168 = arith.addf %add3A_122, %dot_general3A_167 : vector<8x12544xf32>
    %get3A_169 = arith.constant 4 : index
    %get3A_170 = arith.constant 0 : index
    %get3A_171 = arith.constant 0 : index
    %get3A_172 = vector.load %arg4[%get3A_169, %get3A_170, %get3A_171] : memref<9x8x32xf32, #tpu.memory_space<vmem>>, vector<1x8x32xf32>
    %get3A_173 = vector.shape_cast %get3A_172 : vector<1x8x32xf32> to vector<8x32xf32>
    %convert_element_type3A_174 = arith.truncf %get3A_173 : vector<8x32xf32> to vector<8x32xbf16>
    %convert_element_type3A_175 = arith.truncf %slice3A_123 : vector<32x12544xf32> to vector<32x12544xbf16>
    %dot_general3A_176 = arith.constant dense<0.000000e+00> : vector<8x12544xf32>
    %dot_general3A_177 = tpu.matmul %convert_element_type3A_174, %convert_element_type3A_175, %dot_general3A_176 {dimension_numbers = #tpu.dot_dimension_numbers<[1], [0], [0], [1], [0, 0, 1, 1], [], []>, transpose_lhs_hint = false} : vector<8x32xbf16>, vector<32x12544xbf16>, vector<8x12544xf32> -> vector<8x12544xf32>
    %add3A_178 = arith.addf %add3A_168, %dot_general3A_177 : vector<8x12544xf32>
    %get3A_179 = arith.constant 5 : index
    %get3A_180 = arith.constant 0 : index
    %get3A_181 = arith.constant 0 : index
    %get3A_182 = vector.load %arg4[%get3A_179, %get3A_180, %get3A_181] : memref<9x8x32xf32, #tpu.memory_space<vmem>>, vector<1x8x32xf32>
    %get3A_183 = vector.shape_cast %get3A_182 : vector<1x8x32xf32> to vector<8x32xf32>
    %slice3A_184 = vector.extract_strided_slice %slice3A_123 {offsets = [0, 1], sizes = [32, 12543], strides = [1, 1]} : vector<32x12544xf32> to vector<32x12543xf32>
    %broadcast_in_dim3A_185 = arith.constant 0.000000e+00 : f32
    %broadcast_in_dim3A_186 = vector.broadcast %broadcast_in_dim3A_185 : f32 to vector<32x1xf32>
    %concatenate3A_187 = tpu.concatenate %slice3A_184, %broadcast_in_dim3A_186 in 1 : vector<32x12543xf32>, vector<32x1xf32> -> vector<32x12544xf32>
    %iota3A_188 = tpu.iota {dimensions = array<i32: 1>} : vector<1x12544xi32>
    %jit3A_189 = arith.constant 224 : i32
    %eq3A_190 = arith.constant 0 : i32
    %eq3A_191 = arith.cmpi eq, %jit3A_189, %eq3A_190 : i32
    %jit3A_192 = arith.constant 1 : i32
    %select_n3A_193 = arith.select %eq3A_191, %jit3A_192, %jit3A_189 : i32
    %rem3A_194 = vector.broadcast %select_n3A_193 : i32 to vector<1x12544xi32>
    %rem3A_195 = arith.remsi %iota3A_188, %rem3A_194 : vector<1x12544xi32>
    %ne3A_196 = arith.constant 0 : i32
    %ne3A_197 = vector.broadcast %ne3A_196 : i32 to vector<1x12544xi32>
    %ne3A_198 = arith.cmpi ne, %rem3A_195, %ne3A_197 : vector<1x12544xi32>
    %lt3A_199 = arith.constant 0 : i32
    %lt3A_200 = vector.broadcast %lt3A_199 : i32 to vector<1x12544xi32>
    %lt3A_201 = arith.cmpi slt, %rem3A_195, %lt3A_200 : vector<1x12544xi32>
    %lt3A_202 = arith.constant 0 : i32
    %lt3A_203 = arith.cmpi slt, %select_n3A_193, %lt3A_202 : i32
    %ne3A_204 = vector.broadcast %lt3A_203 : i1 to vector<1x12544xi1>
    %ne3A_205 = vector.broadcast %ne3A_204 : vector<1x12544xi1> to vector<1x12544xi1>
    %ne3A_206 = arith.xori %lt3A_201, %ne3A_205 : vector<1x12544xi1>
    %and3A_207 = arith.andi %ne3A_206, %ne3A_198 : vector<1x12544xi1>
    %add3A_208 = vector.broadcast %select_n3A_193 : i32 to vector<1x12544xi32>
    %add3A_209 = arith.addi %rem3A_195, %add3A_208 : vector<1x12544xi32>
    %select_n3A_210 = arith.select %and3A_207, %add3A_209, %rem3A_195 : vector<1x12544xi1>, vector<1x12544xi32>
    %eq3A_211 = arith.constant 223 : i32
    %eq3A_212 = vector.broadcast %eq3A_211 : i32 to vector<1x12544xi32>
    %eq3A_213 = arith.cmpi eq, %select_n3A_210, %eq3A_212 : vector<1x12544xi32>
    %broadcast_in_dim3A_214 = arith.constant 0.000000e+00 : f32
    %broadcast_in_dim3A_215 = vector.broadcast %broadcast_in_dim3A_214 : f32 to vector<32x12544xf32>
    %broadcast_in_dim3A_216 = vector.shape_cast %eq3A_213 : vector<1x12544xi1> to vector<1x12544xi1>
    %broadcast_in_dim3A_217 = vector.broadcast %broadcast_in_dim3A_216 : vector<1x12544xi1> to vector<32x12544xi1>
    %select_n3A_218 = arith.select %broadcast_in_dim3A_217, %broadcast_in_dim3A_215, %concatenate3A_187 : vector<32x12544xi1>, vector<32x12544xf32>
    %convert_element_type3A_219 = arith.truncf %get3A_183 : vector<8x32xf32> to vector<8x32xbf16>
    %convert_element_type3A_220 = arith.truncf %select_n3A_218 : vector<32x12544xf32> to vector<32x12544xbf16>
    %dot_general3A_221 = arith.constant dense<0.000000e+00> : vector<8x12544xf32>
    %dot_general3A_222 = tpu.matmul %convert_element_type3A_219, %convert_element_type3A_220, %dot_general3A_221 {dimension_numbers = #tpu.dot_dimension_numbers<[1], [0], [0], [1], [0, 0, 1, 1], [], []>, transpose_lhs_hint = false} : vector<8x32xbf16>, vector<32x12544xbf16>, vector<8x12544xf32> -> vector<8x12544xf32>
    %add3A_223 = arith.addf %add3A_178, %dot_general3A_222 : vector<8x12544xf32>
    %slice3A_224 = vector.extract_strided_slice %select_n3A {offsets = [0, 448], sizes = [32, 12544], strides = [1, 1]} : vector<32x12992xf32> to vector<32x12544xf32>
    %get3A_225 = arith.constant 6 : index
    %get3A_226 = arith.constant 0 : index
    %get3A_227 = arith.constant 0 : index
    %get3A_228 = vector.load %arg4[%get3A_225, %get3A_226, %get3A_227] : memref<9x8x32xf32, #tpu.memory_space<vmem>>, vector<1x8x32xf32>
    %get3A_229 = vector.shape_cast %get3A_228 : vector<1x8x32xf32> to vector<8x32xf32>
    %broadcast_in_dim3A_230 = arith.constant 0.000000e+00 : f32
    %broadcast_in_dim3A_231 = vector.broadcast %broadcast_in_dim3A_230 : f32 to vector<32x1xf32>
    %slice3A_232 = vector.extract_strided_slice %slice3A_224 {offsets = [0, 0], sizes = [32, 12543], strides = [1, 1]} : vector<32x12544xf32> to vector<32x12543xf32>
    %concatenate3A_233 = tpu.concatenate %broadcast_in_dim3A_231, %slice3A_232 in 1 : vector<32x1xf32>, vector<32x12543xf32> -> vector<32x12544xf32>
    %iota3A_234 = tpu.iota {dimensions = array<i32: 1>} : vector<1x12544xi32>
    %jit3A_235 = arith.constant 224 : i32
    %eq3A_236 = arith.constant 0 : i32
    %eq3A_237 = arith.cmpi eq, %jit3A_235, %eq3A_236 : i32
    %jit3A_238 = arith.constant 1 : i32
    %select_n3A_239 = arith.select %eq3A_237, %jit3A_238, %jit3A_235 : i32
    %rem3A_240 = vector.broadcast %select_n3A_239 : i32 to vector<1x12544xi32>
    %rem3A_241 = arith.remsi %iota3A_234, %rem3A_240 : vector<1x12544xi32>
    %ne3A_242 = arith.constant 0 : i32
    %ne3A_243 = vector.broadcast %ne3A_242 : i32 to vector<1x12544xi32>
    %ne3A_244 = arith.cmpi ne, %rem3A_241, %ne3A_243 : vector<1x12544xi32>
    %lt3A_245 = arith.constant 0 : i32
    %lt3A_246 = vector.broadcast %lt3A_245 : i32 to vector<1x12544xi32>
    %lt3A_247 = arith.cmpi slt, %rem3A_241, %lt3A_246 : vector<1x12544xi32>
    %lt3A_248 = arith.constant 0 : i32
    %lt3A_249 = arith.cmpi slt, %select_n3A_239, %lt3A_248 : i32
    %ne3A_250 = vector.broadcast %lt3A_249 : i1 to vector<1x12544xi1>
    %ne3A_251 = vector.broadcast %ne3A_250 : vector<1x12544xi1> to vector<1x12544xi1>
    %ne3A_252 = arith.xori %lt3A_247, %ne3A_251 : vector<1x12544xi1>
    %and3A_253 = arith.andi %ne3A_252, %ne3A_244 : vector<1x12544xi1>
    %add3A_254 = vector.broadcast %select_n3A_239 : i32 to vector<1x12544xi32>
    %add3A_255 = arith.addi %rem3A_241, %add3A_254 : vector<1x12544xi32>
    %select_n3A_256 = arith.select %and3A_253, %add3A_255, %rem3A_241 : vector<1x12544xi1>, vector<1x12544xi32>
    %eq3A_257 = arith.constant 0 : i32
    %eq3A_258 = vector.broadcast %eq3A_257 : i32 to vector<1x12544xi32>
    %eq3A_259 = arith.cmpi eq, %select_n3A_256, %eq3A_258 : vector<1x12544xi32>
    %broadcast_in_dim3A_260 = arith.constant 0.000000e+00 : f32
    %broadcast_in_dim3A_261 = vector.broadcast %broadcast_in_dim3A_260 : f32 to vector<32x12544xf32>
    %broadcast_in_dim3A_262 = vector.shape_cast %eq3A_259 : vector<1x12544xi1> to vector<1x12544xi1>
    %broadcast_in_dim3A_263 = vector.broadcast %broadcast_in_dim3A_262 : vector<1x12544xi1> to vector<32x12544xi1>
    %select_n3A_264 = arith.select %broadcast_in_dim3A_263, %broadcast_in_dim3A_261, %concatenate3A_233 : vector<32x12544xi1>, vector<32x12544xf32>
    %convert_element_type3A_265 = arith.truncf %get3A_229 : vector<8x32xf32> to vector<8x32xbf16>
    %convert_element_type3A_266 = arith.truncf %select_n3A_264 : vector<32x12544xf32> to vector<32x12544xbf16>
    %dot_general3A_267 = arith.constant dense<0.000000e+00> : vector<8x12544xf32>
    %dot_general3A_268 = tpu.matmul %convert_element_type3A_265, %convert_element_type3A_266, %dot_general3A_267 {dimension_numbers = #tpu.dot_dimension_numbers<[1], [0], [0], [1], [0, 0, 1, 1], [], []>, transpose_lhs_hint = false} : vector<8x32xbf16>, vector<32x12544xbf16>, vector<8x12544xf32> -> vector<8x12544xf32>
    %add3A_269 = arith.addf %add3A_223, %dot_general3A_268 : vector<8x12544xf32>
    %get3A_270 = arith.constant 7 : index
    %get3A_271 = arith.constant 0 : index
    %get3A_272 = arith.constant 0 : index
    %get3A_273 = vector.load %arg4[%get3A_270, %get3A_271, %get3A_272] : memref<9x8x32xf32, #tpu.memory_space<vmem>>, vector<1x8x32xf32>
    %get3A_274 = vector.shape_cast %get3A_273 : vector<1x8x32xf32> to vector<8x32xf32>
    %convert_element_type3A_275 = arith.truncf %get3A_274 : vector<8x32xf32> to vector<8x32xbf16>
    %convert_element_type3A_276 = arith.truncf %slice3A_224 : vector<32x12544xf32> to vector<32x12544xbf16>
    %dot_general3A_277 = arith.constant dense<0.000000e+00> : vector<8x12544xf32>
    %dot_general3A_278 = tpu.matmul %convert_element_type3A_275, %convert_element_type3A_276, %dot_general3A_277 {dimension_numbers = #tpu.dot_dimension_numbers<[1], [0], [0], [1], [0, 0, 1, 1], [], []>, transpose_lhs_hint = false} : vector<8x32xbf16>, vector<32x12544xbf16>, vector<8x12544xf32> -> vector<8x12544xf32>
    %add3A_279 = arith.addf %add3A_269, %dot_general3A_278 : vector<8x12544xf32>
    %get3A_280 = arith.constant 8 : index
    %get3A_281 = arith.constant 0 : index
    %get3A_282 = arith.constant 0 : index
    %get3A_283 = vector.load %arg4[%get3A_280, %get3A_281, %get3A_282] : memref<9x8x32xf32, #tpu.memory_space<vmem>>, vector<1x8x32xf32>
    %get3A_284 = vector.shape_cast %get3A_283 : vector<1x8x32xf32> to vector<8x32xf32>
    %slice3A_285 = vector.extract_strided_slice %slice3A_224 {offsets = [0, 1], sizes = [32, 12543], strides = [1, 1]} : vector<32x12544xf32> to vector<32x12543xf32>
    %broadcast_in_dim3A_286 = arith.constant 0.000000e+00 : f32
    %broadcast_in_dim3A_287 = vector.broadcast %broadcast_in_dim3A_286 : f32 to vector<32x1xf32>
    %concatenate3A_288 = tpu.concatenate %slice3A_285, %broadcast_in_dim3A_287 in 1 : vector<32x12543xf32>, vector<32x1xf32> -> vector<32x12544xf32>
    %iota3A_289 = tpu.iota {dimensions = array<i32: 1>} : vector<1x12544xi32>
    %jit3A_290 = arith.constant 224 : i32
    %eq3A_291 = arith.constant 0 : i32
    %eq3A_292 = arith.cmpi eq, %jit3A_290, %eq3A_291 : i32
    %jit3A_293 = arith.constant 1 : i32
    %select_n3A_294 = arith.select %eq3A_292, %jit3A_293, %jit3A_290 : i32
    %rem3A_295 = vector.broadcast %select_n3A_294 : i32 to vector<1x12544xi32>
    %rem3A_296 = arith.remsi %iota3A_289, %rem3A_295 : vector<1x12544xi32>
    %ne3A_297 = arith.constant 0 : i32
    %ne3A_298 = vector.broadcast %ne3A_297 : i32 to vector<1x12544xi32>
    %ne3A_299 = arith.cmpi ne, %rem3A_296, %ne3A_298 : vector<1x12544xi32>
    %lt3A_300 = arith.constant 0 : i32
    %lt3A_301 = vector.broadcast %lt3A_300 : i32 to vector<1x12544xi32>
    %lt3A_302 = arith.cmpi slt, %rem3A_296, %lt3A_301 : vector<1x12544xi32>
    %lt3A_303 = arith.constant 0 : i32
    %lt3A_304 = arith.cmpi slt, %select_n3A_294, %lt3A_303 : i32
    %ne3A_305 = vector.broadcast %lt3A_304 : i1 to vector<1x12544xi1>
    %ne3A_306 = vector.broadcast %ne3A_305 : vector<1x12544xi1> to vector<1x12544xi1>
    %ne3A_307 = arith.xori %lt3A_302, %ne3A_306 : vector<1x12544xi1>
    %and3A_308 = arith.andi %ne3A_307, %ne3A_299 : vector<1x12544xi1>
    %add3A_309 = vector.broadcast %select_n3A_294 : i32 to vector<1x12544xi32>
    %add3A_310 = arith.addi %rem3A_296, %add3A_309 : vector<1x12544xi32>
    %select_n3A_311 = arith.select %and3A_308, %add3A_310, %rem3A_296 : vector<1x12544xi1>, vector<1x12544xi32>
    %eq3A_312 = arith.constant 223 : i32
    %eq3A_313 = vector.broadcast %eq3A_312 : i32 to vector<1x12544xi32>
    %eq3A_314 = arith.cmpi eq, %select_n3A_311, %eq3A_313 : vector<1x12544xi32>
    %broadcast_in_dim3A_315 = arith.constant 0.000000e+00 : f32
    %broadcast_in_dim3A_316 = vector.broadcast %broadcast_in_dim3A_315 : f32 to vector<32x12544xf32>
    %broadcast_in_dim3A_317 = vector.shape_cast %eq3A_314 : vector<1x12544xi1> to vector<1x12544xi1>
    %broadcast_in_dim3A_318 = vector.broadcast %broadcast_in_dim3A_317 : vector<1x12544xi1> to vector<32x12544xi1>
    %select_n3A_319 = arith.select %broadcast_in_dim3A_318, %broadcast_in_dim3A_316, %concatenate3A_288 : vector<32x12544xi1>, vector<32x12544xf32>
    %convert_element_type3A_320 = arith.truncf %get3A_284 : vector<8x32xf32> to vector<8x32xbf16>
    %convert_element_type3A_321 = arith.truncf %select_n3A_319 : vector<32x12544xf32> to vector<32x12544xbf16>
    %dot_general3A_322 = arith.constant dense<0.000000e+00> : vector<8x12544xf32>
    %dot_general3A_323 = tpu.matmul %convert_element_type3A_320, %convert_element_type3A_321, %dot_general3A_322 {dimension_numbers = #tpu.dot_dimension_numbers<[1], [0], [0], [1], [0, 0, 1, 1], [], []>, transpose_lhs_hint = false} : vector<8x32xbf16>, vector<32x12544xbf16>, vector<8x12544xf32> -> vector<8x12544xf32>
    %add3A_324 = arith.addf %add3A_279, %dot_general3A_323 : vector<8x12544xf32>
    %get3A_325 = arith.constant 0 : index
    %get3A_326 = arith.constant 0 : index
    %get3A_327 = vector.load %arg5[%get3A_325, %get3A_326] : memref<8x1xf32, #tpu.memory_space<vmem>>, vector<8x1xf32>
    %add3A_328 = vector.broadcast %get3A_327 : vector<8x1xf32> to vector<8x12544xf32>
    %add3A_329 = arith.addf %add3A_324, %add3A_328 : vector<8x12544xf32>
    %logistic3A = arith.negf %add3A_329 : vector<8x12544xf32>
    %logistic3A_330 = math.exp %logistic3A : vector<8x12544xf32>
    %logistic3A_331 = arith.constant 1.000000e+00 : f32
    %logistic3A_332 = vector.broadcast %logistic3A_331 : f32 to vector<8x12544xf32>
    %logistic3A_333 = arith.addf %logistic3A_332, %logistic3A_330 : vector<8x12544xf32>
    %logistic3A_334 = arith.divf %logistic3A_332, %logistic3A_333 : vector<8x12544xf32>
    %swap3A = arith.constant 0 : index
    %swap3A_335 = arith.constant 0 : index
    %swap3A_336 = arith.constant 0 : index
    %swap3A_337 = vector.load %arg8[%swap3A, %swap3A_335, %swap3A_336] : memref<1x8x12544xf32, #tpu.memory_space<vmem>>, vector<1x8x12544xf32>
    %swap3A_338 = vector.shape_cast %swap3A_337 : vector<1x8x12544xf32> to vector<8x12544xf32>
    %swap3A_339 = vector.shape_cast %logistic3A_334 : vector<8x12544xf32> to vector<1x8x12544xf32>
    tpu.vector_store %arg8[%swap3A, %swap3A_335, %swap3A_336], %swap3A_339 {strides = array<i32>} : memref<1x8x12544xf32, #tpu.memory_space<vmem>>, vector<1x8x12544xf32>,
    return
  }
  func.func @transform_0(%arg0: i32, %arg1: i32) -> (i32, i32, i32) {
    %c0_i32 = arith.constant 0 : i32
    %c0_i32_0 = arith.constant 0 : i32
    return %arg0, %c0_i32, %arg1 : i32, i32, i32
  }
  func.func @transform_1(%arg0: i32, %arg1: i32) -> (i32, i32, i32, i32) {
    %c0_i32 = arith.constant 0 : i32
    %c0_i32_0 = arith.constant 0 : i32
    %c0_i32_1 = arith.constant 0 : i32
    return %arg0, %arg1, %c0_i32, %c0_i32_0 : i32, i32, i32, i32
  }
  func.func @transform_2(%arg0: i32, %arg1: i32) -> (i32, i32, i32) {
    %c0_i32 = arith.constant 0 : i32
    %c0_i32_0 = arith.constant 0 : i32
    %c0_i32_1 = arith.constant 0 : i32
    %c0_i32_2 = arith.constant 0 : i32
    return %c0_i32, %c0_i32_0, %c0_i32_1 : i32, i32, i32
  }
  func.func @transform_3(%arg0: i32, %arg1: i32) -> (i32, i32) {
    %c0_i32 = arith.constant 0 : i32
    %c0_i32_0 = arith.constant 0 : i32
    %c0_i32_1 = arith.constant 0 : i32
    return %c0_i32, %c0_i32_0 : i32, i32
  }
  func.func @transform_4(%arg0: i32, %arg1: i32) -> (i32, i32) {
    %c0_i32 = arith.constant 0 : i32
    %c0_i32_0 = arith.constant 0 : i32
    %c0_i32_1 = arith.constant 0 : i32
    return %c0_i32, %c0_i32_0 : i32, i32
  }
  func.func @transform_5(%arg0: i32, %arg1: i32) -> (i32, i32) {
    %c0_i32 = arith.constant 0 : i32
    %c0_i32_0 = arith.constant 0 : i32
    %c0_i32_1 = arith.constant 0 : i32
    return %c0_i32, %c0_i32_0 : i32, i32
  }
  func.func @transform_6(%arg0: i32, %arg1: i32) -> (i32, i32, i32) {
    %c0_i32 = arith.constant 0 : i32
    %c0_i32_0 = arith.constant 0 : i32
    return %arg0, %c0_i32, %arg1 : i32, i32, i32
  }
}

</mosaic_0001>

<sc_bundles>
// kernel: scatter_offload_async_start.1
scs
__scs_entry_jumppad:
0x0: {  	(pc) =	sbr.rel $0x88, $3  }
0x1: {  	(tag) =	ssettag $0x0;
	lr =	simm.s32 $0x1  }
0x2: {  	[smem:$0x3F89] =	sst lr;
	_ =	strace $0xD0000000  }
0x3: {  	_ = 	snop  }
0x4: {  	_ = 	snop  }
0x5: {  	_ = 	snop  }
0x6: {  	_ = 	snop  }
0x7: {  	_ = 	snop  }
__scs_overlays_trampoline_lowered:
0x8: {  	[smem:$0x3F98] =	sst s0  }
0x9: {  	[smem:$0x3F99] =	sst s1  }
0xa: {  	[smem:$0x3F9A] =	sst s2  }
0xb: {  	[smem:$0x3F9B] =	sst s3  }
0xc: {  	[smem:$0x3F9C] =	sst s4  }
0xd: {  	[smem:$0x3F9D] =	sst s5  }
0xe: {  	[smem:$0x3F9E] =	sst s6  }
0xf: {  	[smem:$0x3F9F] =	sst s7  }
0x10: {  	[smem:$0x3FA0] =	sst s8  }
0x11: {  	[smem:$0x3FA1] =	sst s9;
	s0 =	simm.s32 @!p0 $0x0  }
0x12: {  	s1 =	sld [smem:$0x3F87];
	s0 =	simm.s32 @p0 $0x1  }
0x13: {  	[smem:$0x3FA2] =	sst s0;
	s0 =	simm.s32 @!p1 $0x0  }
0x14: {  	s2 =	sld [smem:$0x3F86];
	s0 =	simm.s32 @p1 $0x1  }
0x15: {  	[smem:$0x3FA3] =	sst s0;
	s0 =	simm.s32 @!p2 $0x0  }
0x16: {  	s3 =	sld [smem:$0x3FDB];
	s0 =	simm.s32 @p2 $0x1  }
0x17: {  	s4 =	simm.s32 $0x1BF5;
	[smem:$0x3FA5] =	sst s0  }
0x18: {  	s0 =	sld [smem:$0x3F88];
	_ =	swait.ge [sflag:s4], $0x0  }
0x19: {  	s7 =	sld [smem:$0x3F89]  }
0x1a: {  	s8 =	sadd.s32 $0xFFFFE003, lr  }
0x1b: {  	s9 =	sadd.s32 $0xFFFFFEF7, lr;
	s5 =	simm.s32 $0xFFFFFFFF;
	p2 =	slt.u32 s8, $0xFFFFF086  }
0x1c: {  	p1 =	slt.u32 s9, $0xF7A;
	s5 =	simm.s32 @!p2 $0x0  }
0x1d: {  	s5 =	simm.s32 @p1 $0x1;
	p0 =	seq.s32 s7, s2  }
0x1e: {  	s7 =	smul.u32 @!p0 $0xF7A, s2;
	p2 =	seq.s32 @!p0 s5, $0x0  }
0x1f: {  	s9 =	smul.u32 $0xF7A, s1;
	s8 =	simm.s32 @!p0 $0x1BF5;
	p2 =	por !p2, p0  }
0x20: {  	[sflag:s8] =	ssyncset.s32 @!p0 $0xFFFFF086;
	s6 =	sadd.s32 @!p0 s3, s7;
	s7 =	simm.s32 @!p0 $0x108  }
0x21: {  	s3 =	sadd.s32 s3, s9;
	s6 =	sadd.s32 @!p0 $0x88, s6;
	s7 =	simm.s32 @p2 $0x1082  }
0x22: {  	[simem:s7], [sflag:s8] =	dma.local @!p0 [hbm:s6], $0xF7A  }
0x23: {  	s9 =	sor.u32 $0xD0000000, s2;
	s6 =	simm.s32 $0x108;
	_ =	swait.ge @!p0 [sflag:s8], $0x0  }
0x24: {  	s3 =	sadd.s32 $0x88, s3;
	s6 =	simm.s32 @!p1 $0x1082;
	[sflag:s4] =	ssyncset.s32 $0xFFFFF086  }
0x25: {  	[simem:s6], [sflag:s4] =	dma.local [hbm:s3], $0xF7A  }
0x26: {  	[smem:$0x3F89] =	sst s1;
	(tag) =	ssettag s2;
	_ =	strace s9  }
0x27: {  	s1 =	sld [smem:$0x3F99]  }
0x28: {  	s2 =	sld [smem:$0x3F9A]  }
0x29: {  	s4 =	sld [smem:$0x3F9C]  }
0x2a: {  	p0 =	seq.s32 s5, $0x0;
	s5 =	sld [smem:$0x3F9D]  }
0x2b: {  	s6 =	sld [smem:$0x3F9E]  }
0x2c: {  	s7 =	sld [smem:$0x3F9F]  }
0x2d: {  	s3 =	simm.s32 $0x108;
	s8 =	sld [smem:$0x3FA0]  }
0x2e: {  	s3 =	simm.s32 @!p0 $0x1082;
	s9 =	sld [smem:$0x3FA1]  }
0x2f: {  	lr =	sadd.s32 s0, s3;
	s0 =	sld [smem:$0x3F98]  }
0x30: {  	s3 =	sld [smem:$0x3F9B]  }
0x31: {  	[smem:$0x3FA4] =	sst s10  }
0x32: {  	s10 =	sld [smem:$0x3FA2];
	_ =	sdelay $0x3  }
0x33: {  	p0 =	seq.s32 s10, $0x1;
	s10 =	sld [smem:$0x3FA4];
	_ =	sdelay $0x3  }
0x34: {  	[smem:$0x3FA4] =	sst s10  }
0x35: {  	s10 =	sld [smem:$0x3FA3];
	_ =	sdelay $0x3  }
0x36: {  	p1 =	seq.s32 s10, $0x1;
	s10 =	sld [smem:$0x3FA4];
	_ =	sdelay $0x3  }
0x37: {  	[smem:$0x3FA4] =	sst s10  }
0x38: {  	s10 =	sld [smem:$0x3FA5]  }
0x39: {  	_ = 	snop;
	(pc) =	sbr.ind lr, $3  }
0x3a: {  	_ = 	snop  }
0x3b: {  	_ = 	snop  }
0x3c: {  	p2 =	seq.s32 s10, $0x1;
	s10 =	sld [smem:$0x3FA4]  }
0x3d: {  	_ =	shalt  }
0x3e: {  	_ =	shalt  }
0x3f: {  	_ =	shalt  }
0x40: {  	_ =	shalt  }
0x41: {  	_ =	shalt  }
0x42: {  	_ =	shalt  }
0x43: {  	_ =	shalt  }
0x44: {  	_ =	shalt  }
0x45: {  	_ =	shalt  }
0x46: {  	_ =	shalt  }
0x47: {  	_ =	shalt  }
0x48: {  	_ =	shalt  }
0x49: {  	_ =	shalt  }
0x4a: {  	_ =	shalt  }
0x4b: {  	_ =	shalt  }
0x4c: {  	_ =	shalt  }
0x4d: {  	_ =	shalt  }
0x4e: {  	_ =	shalt  }
0x4f: {  	_ =	shalt  }
0x50: {  	_ =	shalt  }
0x51: {  	_ =	shalt  }
0x52: {  	_ =	shalt  }
0x53: {  	_ =	shalt  }
0x54: {  	_ =	shalt  }
0x55: {  	_ =	shalt  }
0x56: {  	_ =	shalt  }
0x57: {  	_ =	shalt  }
0x58: {  	_ =	shalt  }
0x59: {  	_ =	shalt  }
0x5a: {  	_ =	shalt  }
0x5b: {  	_ =	shalt  }
0x5c: {  	_ =	shalt  }
0x5d: {  	_ =	shalt  }
0x5e: {  	_ =	shalt  }
0x5f: {  	_ =	shalt  }
0x60: {  	_ =	shalt  }
0x61: {  	_ =	shalt  }
0x62: {  	_ =	shalt  }
0x63: {  	_ =	shalt  }
0x64: {  	_ =	shalt  }
0x65: {  	_ =	shalt  }
0x66: {  	_ =	shalt  }
0x67: {  	_ =	shalt  }
0x68: {  	_ =	shalt  }
0x69: {  	_ =	shalt  }
0x6a: {  	_ =	shalt  }
0x6b: {  	_ =	shalt  }
0x6c: {  	_ =	shalt  }
0x6d: {  	_ =	shalt  }
0x6e: {  	_ =	shalt  }
0x6f: {  	_ =	shalt  }
0x70: {  	_ =	shalt  }
0x71: {  	_ =	shalt  }
0x72: {  	_ =	shalt  }
0x73: {  	_ =	shalt  }
0x74: {  	_ =	shalt  }
0x75: {  	_ =	shalt  }
0x76: {  	_ =	shalt  }
0x77: {  	_ =	shalt  }
0x78: {  	_ =	shalt  }
0x79: {  	_ =	shalt  }
0x7a: {  	_ =	shalt  }
0x7b: {  	_ =	shalt  }
0x7c: {  	_ =	shalt  }
0x7d: {  	_ =	shalt  }
0x7e: {  	_ =	shalt  }
0x7f: {  	_ =	shalt  }
0x80: {  	_ =	shalt  }
0x81: {  	_ =	shalt  }
0x82: {  	_ =	shalt  }
0x83: {  	_ =	shalt  }
0x84: {  	_ =	shalt  }
0x85: {  	_ =	shalt  }
0x86: {  	_ =	shalt  }
0x87: {  	_ =	shalt  }
.Lfunc_end0:
.L_simem_size_0:
called_computation.1_lowered:
.L_overlay_start_0:
0x88: {  	s2 =	sld [smem:$0x3FD9]  }
0x89: {  	s3 =	sld [smem:$0x3FFE];
	_ =	sdelay $0x1  }
0x8a: {  	s1 =	srdreg.scid  }
0x8b: {  	s0 =	sand.u32 $0x1, s1  }
0x8c: {  	s16 =	sshll.u32 s0, $0xA;
	s2 =	sadd.s32 s3, s2  }
0x8d: {  	s2 =	sadd.s32 s2, s16  }
0x8e: {  	[smem:$0x3FB0] =	sst s2  }
0x8f: {  	_ = 	snop  }
0x90: {  	(tm) =	ssettm $0x1  }
0x91: {  	s17 =	sld [smem:$0x3FFB];
	_ =	sdelay $0x3  }
0x92: {  	_ =	strace s17  }
0x93: {  	s2 =	sld [smem:$0x3FFC];
	_ =	sdelay $0x3  }
0x94: {  	_ =	strace s2  }
0x95: {  	s2 =	sld [smem:$0x3FFD];
	_ =	sdelay $0x3  }
0x96: {  	_ =	strace s2  }
0x97: {  	_ =	strace $0x8FFFFFFF  }
0x98: {  	s18 =	sld [smem:$0x3FDB];
	_ =	sdelay $0x1  }
0x99: {  	s19 =	simm.s32 $_scs_section_size  }
0x9a: {  	s4 =	simm.s32 $_size__tile_overlayer_lowered;
	s5 =	simm.s32 $_tile_overlayer_lowered  }
0x9b: {  	s22 =	simm.s32 $0x1BFF;
	s21 =	sshll.u32 s5, $0x1;
	s2 =	sadd.s32 s19, s18  }
0x9c: {  	s6 =	simm.s32 $0x0;
	s20 =	sshll.u32 s4, $0x1;
	s4 =	sadd.s32 s21, s2  }
0x9d: {  	[timem:s6], [sflag:s22] =	dma.local [hbm:s4], s20  }
0x9e: {  	_ =	swait.ge [sflag:s22], s20  }
0x9f: {  	s3 =	ssub.s32 $0x0, s20;
	[sflag:s22] =	ssyncset.done $0x0  }
0xa0: {  	[sflag:s22] =	ssyncadd.s32 s3;
	_ =	sdelay $0x1  }
0xa1: {  	s23 =	simm.s32 $0x1B8B  }
0xa2: {  	_ =	swait.ge [sflag:s23], $0x1  }
0xa3: {  	[sflag:s23] =	ssyncset.done $0x0  }
0xa4: {  	s25 =	simm.s32 $0x1B8E;
	s24 =	sld [smem:$0x3FFE];
	[sflag:s23] =	ssyncadd.s32 $0xFFFFFFFF  }
0xa5: {  	s26 =	simm.s32 $execute0_lowered;
	[smem:$0x3FD2] =	sst s25  }
0xa6: {  	s4 =	sshll.u32 s26, $0x1;
	_ =	strace $0x80000049;
	[dreg:$0x1] =	wrdreg $0xFFFFFFFF  }
0xa7: {  	s28 =	simm.s32 $_size_execute0_lowered;
	s2 =	sadd.s32 s2, s4;
	[dreg:$0x0] =	wrdreg $0x0  }
0xa8: {  	s4 =	sshll.u32 s28, $0x1;
	[dreg:$0x2] =	wrdreg s2  }
0xa9: {  	[dreg:$0x3] =	wrdreg s4  }
0xaa: {  	[dreg:$0x4] =	wrdreg $0xC0  }
0xab: {  	_ =	task [dreg:s6], $0x5FFFF  }
0xac: {  	[dreg:$0x1] =	wrdreg $0xFFFFFFFF  }
0xad: {  	[dreg:$0x0] =	wrdreg $0x60  }
0xae: {  	[dreg:$0x2] =	wrdreg s24  }
0xaf: {  	[dreg:$0x3] =	wrdreg s1  }
0xb0: {  	[dreg:$0x4] =	wrdreg $0x9  }
0xb1: {  	_ =	task.clear_ibuf [dreg:s6], $0x5FFFF;
	_ =	strace $0x90000049  }
0xb2: {  	s29 =	simm.s32 $0x9;
	_ =	strace $0x8000004B  }
0xb3: {  	_ =	swait.ge [sflag:s29], $0x1  }
0xb4: {  	[sflag:s29] =	ssyncadd.s32 $0xFFFFFFFF  }
0xb5: {  	_ =	strace $0x9000004B  }
0xb6: {  	_ =	sfence  }
0xb7: {  	s30 =	sld [smem:$0x0];
	_ =	sdelay $0x2  }
0xb8: {  	s31 =	sshll.u32 s1, $0xD;
	s1 =	sshrl.u32 s1, $0x2  }
0xb9: {  	s3 =	sand.u32 $0x4000, s31;
	s1 =	sadd.s32 s1, s30  }
0xba: {  	s0 =	sor.u32 s3, s0;
	s1 =	sshll.u32 s1, $0x11  }
0xbb: {  	s0 =	sor.u32 s1, s0  }
0xbc: {  	s0 =	sadd.s32 $0x8F2B, s0  }
0xbd: {  	[sflag:s0] =	ssyncadd.remote.s32 $0x1  }
0xbe: {  	_ =	sfence.sel $0xFFFF  }
0xbf: {  	[dreg:$0x0] =	wrdreg $0xFFFFFFFF;
	(pc) =	sbr.abs _section_cstart, $3  }
0xc0: {  	[dreg:$0x1] =	wrdreg $0xFFFFFFFF  }
0xc1: {  	_ =	task.clear_ibuf [dreg:s6], $0x2FFFF;
	_ =	strace $0x9FFFFFFF  }
0xc2: {  	(tm) =	ssettm $0x7FFFFFFF  }
0xc3: {  	_ =	shalt  }
tec
execute0_lowered:
.L_overlay_start_1:
0x0: {  	(tag) =	ssettag $0x1  }
0x1: {  	s1 =	stileid.u32  }
0x2: {  	s2 =	rddreg [dreg:$0x1];
	s3 =	smul.u32 $0xC, s1  }
0x3: {  	s7 =	simm.s32 $0x1A0;
	s2 =	sand.u32 $0x1, s2;
	s29 =	smin.u32 s1, $0x4  }
0x4: {  	p1 =	slt.u32 s1, $0x4;
	p0 =	seq.s32 s2, $0x1;
	s2 =	sadd.s32 s29, s3  }
0x5: {  	s7 =	simm.s32 @!p1 $0x180;
	s5 =	sshll.u32 s2, $0x5  }
0x6: {  	s7 =	sadd.s32 s7, s5  }
0x7: {  	s8 =	smin.u32 s7, $0x1880  }
0x8: {  	s4 =	simm.s32 $0x1880;
	s9 =	ssub.s32 s8, s5  }
0x9: {  	s4 =	simm.s32 @!p0 $0x0;
	p0 =	sgt.s32 s9, $0x0  }
0xa: {  	s6 =	rddreg [dreg:$0x0];
	s30 =	sshrl.u32 s4, $0x3;
	s9 =	simm.s32 @!p0 $0x0  }
0xb: {  	s0 =	rddreg [dreg:$0x2];
	s10 =	sadd.s32 s30, s6;
	s9 =	sshrl.u32 s9, $0x5  }
0xc: {  	_ =	strace $0x8000004A;
	s7 =	sadd.s32 $0x66800, s10;
	s10 =	sadd.s32 $0x1, s9  }
0xd: {  	s12 =	simm.s32 $0x0;
	s11 =	simm.s32 $0x1;
	p2 =	sne.s32 s10, $0x1  }
.Ltmp0:
0xe: {  	p1 =	por $0x0, $0x0;
	s3 =	sadd.s32 $0x1EFE00, s6;
	(pc) =	sbr.rel @!p2 .LBB2_1-.Ltmp0, $4  }
0xf: {  	s2 =	simm.s32 $0x1;
	s31 =	sshll.u32 s4, $0x7;
	s4 =	simm.s32 $0x2  }
0x10: {  	[sflag:s2] =	ssyncpa.u1 $0x0;
	(ifvalue) =	ssetifvalue $0x3100000;
	s6 =	sadd.s32 s31, s6  }
0x11: {  	[sflag:s4] =	ssyncpa.u1 $0x0;
	s6 =	sadd.s32 $0x67C00, s6;
	p3 =	sle.u32 s9, $0x0  }
0x12: {  	p0 =	por $0x1, $0x1;
	s14 =	sxor.u32 @!p3 $0xFFFFFFFF, s12;
	s13 =	simm.s32 @!p3 $0x0  }
0x13: {  	s14 =	sand.u32 @!p3 $0x1, s14  }
0x14: {  	s15 =	sshrl.u32 @!p3 s5, $0x3;
	s17 =	sshll.u32 @!p3 s5, $0x7;
	s18 =	sand.u32 @!p3 $0x7, s5  }
0x15: {  	s16 =	sshll.u32 @!p3 s14, $0x5;
	s14 =	sshll.u32 @!p3 s14, $0xE;
	s15 =	sadd.s32 @!p3 s15, s7  }
0x16: {  	[tilespmem:s16], [sflag:$0x2] =	stream.linear.gather @!p3 [hbm4b:s15+s18], $0x20, $0x38;
	[tilespmem:$0x8060] =	vst v63  }
0x17: {  	s15 =	sadd.s32 @!p3 s17, s6;
	s14 =	sor.u32 @!p3 $0x40, s14;
	s16 =	simm.s32 @!p0 $0x2  }
0x18: {  	[tilespmem:s14], [sflag:$0x2] =	stream.linear.gather @!p3 [hbm4b:s15+s13], $0x4000, $0x38;
	[tilespmem:$0x8060] =	vst v63  }
0x19: {  	_ =	swait.ge @!p0 [sflag:s16], $0x4020  }
0x1a: {  	s12 =	sand.u32 @!p0 $0x1, s12;
	[sflag:s16] =	ssyncset.done @!p0 $0x0  }
0x1b: {  	p2 =	por p0, p0;
	s13 =	sshll.u32 @!p0 s12, $0x5;
	[sflag:s16] =	ssyncadd.s32 @!p0 $0xFFFFBFE0  }
0x1c: {  	v0 =	vld.msk @!p2 [tilespmem:s13+$0x0 ss:$0x1], $0xffff;
	_ =	sdelay $0x4  }
0x1d: {  	v0 =	vshll.u32 @!p2 v0, $0xA  }
0x1e: {  	v0 =	vmin.u32 @!p2 v0, $0x3100000  }
0x1f: {  	v0 =	vshrl.u32 @!p2 v0, $0x9  }
0x20: {  	s13 =	sor.u32 @!p0 $0x10, s13;
	[tilespmem:$0x8040] =	vst @!p2 v0  }
0x21: {  	v0 =	vld.msk @!p2 [tilespmem:s13+$0x0 ss:$0x1], $0xffff;
	_ =	sdelay $0x3  }
0x22: {  	p4 =	sne.s32 s10, $0x2  }
0x23: {  	p1 =	por $0x1, $0x1;
	s17 =	simm.s32 @!p2 $0x8040;
	s12 =	sshll.u32 @!p0 s12, $0xE;
	v0 =	vshll.u32 @!p2 v0, $0xA  }
.Ltmp1:
0x24: {  	s14 =	simm.s32 @!p2 $0x20;
	s16 =	sadd.s32 $0x20, s5;
	v0 =	vmin.u32 @!p2 v0, $0x3100000;
	(pc) =	sbr.rel @!p4 .LBB2_3-.Ltmp1, $4  }
0x25: {  	s15 =	simm.s32 @!p2 $0x1;
	p3 =	sle.u32 s9, $0x1;
	p5 =	slt.s32 s16, s8;
	v0 =	vshrl.u32 @!p2 v0, $0x9  }
0x26: {  	s13 =	sor.u32 @!p0 $0x40, s12;
	s12 =	simm.s32 $0x2;
	[tilespmem:$0x8050] =	vst @!p2 v0;
	(ifvalue) =	ssetifvalue @!p2 $0x3100000  }
0x27: {  	[hbm:s3] =	stream.indirect.scatter @!p2 [tilespmem:s13], [sflag:$0x1], $0x200, s17, s14, $0x40b8;
	[tilespmem:$0x8060] =	vst v63  }
0x28: {  	p0 =	por $0x0, $0x0;
	s14 =	sxor.u32 @!p3 $0xFFFFFFFF, s11;
	s13 =	simm.s32 @!p3 $0x0  }
.LBB2_4:
0x29: {  	s17 =	sand.u32 @!p3 $0x1, s14;
	s14 =	smov.u32 s5  }
0x2a: {  	_ =	swait.ge @!p2 [sflag:s15], $0x4000;
	s14 =	smov.u32 @p5 s16  }
0x2b: {  	s18 =	sshll.u32 @!p3 s17, $0x5;
	s16 =	sshrl.u32 @!p3 s14, $0x3;
	[sflag:s15] =	ssyncset.done @!p2 $0x0  }
0x2c: {  	s17 =	sshll.u32 @!p3 s17, $0xE;
	s19 =	sshll.u32 @!p3 s14, $0x7;
	[sflag:s15] =	ssyncadd.s32 @!p2 $0xFFFFC000  }
0x2d: {  	s20 =	sand.u32 @!p3 $0x7, s14;
	s16 =	sadd.s32 @!p3 s16, s7;
	[sflag:s15] =	ssyncpa.u1 @!p2 $0x1  }
0x2e: {  	s11 =	sand.u32 @!p0 $0x1, s11;
	s17 =	sor.u32 @!p3 $0x40, s17;
	s15 =	sadd.s32 @!p3 s19, s6  }
0x2f: {  	[tilespmem:s18], [sflag:$0x2] =	stream.linear.gather @!p3 [hbm4b:s16+s20], $0x20, $0x38;
	[tilespmem:$0x8060] =	vst v63  }
0x30: {  	s16 =	simm.s32 @!p0 $0x2;
	s18 =	sshll.u32 @!p0 s11, $0x5;
	s11 =	sshll.u32 @!p0 s11, $0xE  }
0x31: {  	[tilespmem:s17], [sflag:$0x2] =	stream.linear.gather @!p3 [hbm4b:s15+s13], $0x4000, $0x38;
	[tilespmem:$0x8060] =	vst v63  }
0x32: {  	s13 =	sor.u32 @!p0 $0x10, s18;
	s17 =	sor.u32 @!p0 $0x40, s11;
	_ =	swait.ge @!p0 [sflag:s16], $0x4020  }
0x33: {  	s11 =	smov.u32 s12;
	s12 =	sadd.s32 $0x1, s12;
	[sflag:s16] =	ssyncset.done @!p0 $0x0  }
0x34: {  	p2 =	por p0, p0;
	p4 =	sne.s32 s10, s12;
	[sflag:s16] =	ssyncadd.s32 @!p0 $0xFFFFBFE0  }
0x35: {  	v0 =	vld.msk @!p2 [tilespmem:s18+$0x0 ss:$0x1], $0xffff;
	_ =	sdelay $0x5  }
0x36: {  	v0 =	vshll.u32 @!p2 v0, $0xA  }
0x37: {  	v0 =	vmin.u32 @!p2 v0, $0x3100000  }
0x38: {  	v0 =	vshrl.u32 @!p2 v0, $0x9  }
0x39: {  	[tilespmem:$0x8040] =	vst @!p2 v0  }
0x3a: {  	v0 =	vld.msk @!p2 [tilespmem:s13+$0x0 ss:$0x1], $0xffff;
	_ =	sdelay $0x5  }
0x3b: {  	v0 =	vshll.u32 @!p2 v0, $0xA  }
.Ltmp2:
0x3c: {  	s19 =	simm.s32 @!p2 $0x8040;
	s18 =	simm.s32 @!p2 $0x20;
	v0 =	vmin.u32 @!p2 v0, $0x3100000;
	(pc) =	sbr.rel @p4 .LBB2_4-.Ltmp2, $4  }
0x3d: {  	s15 =	simm.s32 @!p2 $0x1;
	s16 =	sadd.s32 $0x20, s14;
	v0 =	vshrl.u32 @!p2 v0, $0x9  }
0x3e: {  	p3 =	sge.u32 s11, s9;
	p0 =	seq.s32 s11, $0x0;
	p5 =	slt.s32 s16, s8;
	[tilespmem:$0x8050] =	vst @!p2 v0  }
0x3f: {  	s14 =	sxor.u32 @!p3 $0xFFFFFFFF, s11;
	s13 =	simm.s32 @!p3 $0x0;
	(ifvalue) =	ssetifvalue @!p2 $0x3100000  }
0x40: {  	[hbm:s3] =	stream.indirect.scatter @!p2 [tilespmem:s17], [sflag:$0x1], $0x200, s19, s18, $0x40b8;
	[tilespmem:$0x8060] =	vst v63  }
0x41: {  	s12 =	smov.u32 s11  }
.LBB2_6:
0x42: {  	p4 =	por !p5, !p1;
	p2 =	por p2, !p1;
	s8 =	sand.u32 @!p3 $0x1, s14  }
0x43: {  	s16 =	smov.u32 @p4 s5;
	_ =	swait.ge @!p2 [sflag:s15], $0x4000;
	s10 =	sshll.u32 @!p3 s8, $0x5  }
0x44: {  	s8 =	sshll.u32 @!p3 s8, $0xE;
	s5 =	smov.u32 @p1 s16;
	[sflag:s15] =	ssyncset.done @!p2 $0x0  }
0x45: {  	s9 =	sshrl.u32 @!p3 s5, $0x3;
	s11 =	sshll.u32 @!p3 s5, $0x7;
	[sflag:s15] =	ssyncadd.s32 @!p2 $0xFFFFC000  }
0x46: {  	s5 =	sand.u32 @!p3 $0x7, s5;
	s7 =	sadd.s32 @!p3 s9, s7;
	[sflag:s15] =	ssyncpa.u1 @!p2 $0x1  }
0x47: {  	[tilespmem:s10], [sflag:$0x2] =	stream.linear.gather @!p3 [hbm4b:s7+s5], $0x20, $0x38;
	[tilespmem:$0x8060] =	vst v63  }
0x48: {  	s5 =	sadd.s32 @!p3 s11, s6;
	s6 =	sor.u32 @!p3 $0x40, s8;
	s7 =	simm.s32 @!p0 $0x2  }
0x49: {  	[tilespmem:s6], [sflag:$0x2] =	stream.linear.gather @!p3 [hbm4b:s5+s13], $0x4000, $0x38;
	[tilespmem:$0x8060] =	vst v63  }
0x4a: {  	_ =	swait.ge @!p0 [sflag:s7], $0x4020  }
0x4b: {  	s5 =	sand.u32 @!p0 $0x1, s12;
	[sflag:s7] =	ssyncset.done @!p0 $0x0  }
0x4c: {  	p1 =	por p0, p0;
	s6 =	sshll.u32 @!p0 s5, $0x5;
	[sflag:s7] =	ssyncadd.s32 @!p0 $0xFFFFBFE0  }
0x4d: {  	v0 =	vld.msk @!p1 [tilespmem:s6+$0x0 ss:$0x1], $0xffff;
	_ =	sdelay $0x4  }
0x4e: {  	v0 =	vshll.u32 @!p1 v0, $0xA  }
0x4f: {  	v0 =	vmin.u32 @!p1 v0, $0x3100000  }
0x50: {  	v0 =	vshrl.u32 @!p1 v0, $0x9  }
0x51: {  	s6 =	sor.u32 @!p0 $0x10, s6;
	[tilespmem:$0x8040] =	vst @!p1 v0  }
0x52: {  	v0 =	vld.msk @!p1 [tilespmem:s6+$0x0 ss:$0x1], $0xffff;
	_ =	sdelay $0x4  }
0x53: {  	v0 =	vshll.u32 @!p1 v0, $0xA  }
0x54: {  	s5 =	sshll.u32 @!p0 s5, $0xE;
	v0 =	vmin.u32 @!p1 v0, $0x3100000  }
0x55: {  	s8 =	simm.s32 @!p1 $0x1;
	s5 =	sor.u32 @!p0 $0x40, s5;
	v0 =	vshrl.u32 @!p1 v0, $0x9  }
0x56: {  	s7 =	simm.s32 @!p1 $0x8040;
	s6 =	simm.s32 @!p1 $0x20;
	[tilespmem:$0x8050] =	vst @!p1 v0;
	(ifvalue) =	ssetifvalue @!p1 $0x3100000  }
0x57: {  	[hbm:s3] =	stream.indirect.scatter @!p1 [tilespmem:s5], [sflag:$0x1], $0x200, s7, s6, $0x40b8;
	[tilespmem:$0x8060] =	vst v63  }
0x58: {  	_ =	swait.ge @!p1 [sflag:s8], $0x4000  }
0x59: {  	[sflag:s8] =	ssyncset.done @!p1 $0x0  }
0x5a: {  	[sflag:s8] =	ssyncadd.s32 @!p1 $0xFFFFC000  }
0x5b: {  	[sflag:s8] =	ssyncpa.u1 @!p1 $0x1  }
0x5c: {  	_ =	sfence.sel $0x180000  }
0x5d: {  	[bflag:$0x0] =	sbarrier.arrive $0xFFFF  }
0x5e: {  	[sflag:s4] =	ssyncpa.u1 $0x1  }
0x5f: {  	[sflag:s2] =	ssyncpa.u1 $0x1  }
0x60: {  	p0 =	sne.s32 s1, $0x0;
	_ =	strace $0x9000004A  }
0x61: {  	s0 =	sadd.s32 @!p0 $0x100000, s0;
	[bflag:$0x2] =	sbarrier.arrive $0xFFFF  }
0x62: {  	[sflag:s0] =	ssyncadd.tile.s32 @!p0 $0x1;
	_ =	shalt  }
.LBB2_1:
.Ltmp3:
0x63: {  	(pc) =	sbr.rel .LBB2_6-.Ltmp3, $2  }
0x64: {  	_ =	sdelay $0x2  }
0x65: {  	_ = 	snop  }
.LBB2_3:
.Ltmp4:
0x66: {  	(pc) =	sbr.rel .LBB2_6-.Ltmp4, $2  }
0x67: {  	_ =	sdelay $0x2  }
0x68: {  	s12 =	simm.s32 $0x1  }
.Lfunc_end2:
_tile_overlayer_lowered:
.L_overlay_start_2:
0x69: {  	(tag) =	ssettag $0x2  }
0x6a: {  	s0 =	rddreg [dreg:$0x0];
	s2 =	stileid.u32  }
0x6b: {  	s1 =	rddreg [dreg:$0x1];
	p0 =	sne.s32 s2, $0x0  }
0x6c: {  	s3 =	rddreg [dreg:$0x2];
	[bflag:$0x3] =	sbarrier.arrive $0xFFFF;
	s2 =	simm.s32 @!p0 $0x1C01  }
0x6d: {  	[timem:s3], [sflag:s2] =	dma.local @!p0 [hbm:s0], s1  }
0x6e: {  	s0 =	simm.s32 @!p0 $0x1  }
0x6f: {  	_ =	swait.ge @!p0 [sflag:s0], s1  }
0x70: {  	s1 =	ssub.s32 @!p0 $0x0, s1;
	[sflag:s0] =	ssyncset.done @!p0 $0x0  }
0x71: {  	[sflag:s0] =	ssyncadd.s32 @!p0 s1  }
0x72: {  	[bflag:$0x3] =	sbarrier.arrive $0xFFFF  }
0x73: {  	_ =	shalt  }

// kernel: scatter_offload_async_start
scs
__scs_entry_jumppad:
0x0: {  	(pc) =	sbr.rel $0x88, $3  }
0x1: {  	(tag) =	ssettag $0x0;
	lr =	simm.s32 $0x1  }
0x2: {  	[smem:$0x3F89] =	sst lr;
	_ =	strace $0xD0000000  }
0x3: {  	_ = 	snop  }
0x4: {  	_ = 	snop  }
0x5: {  	_ = 	snop  }
0x6: {  	_ = 	snop  }
0x7: {  	_ = 	snop  }
__scs_overlays_trampoline_lowered:
0x8: {  	[smem:$0x3F98] =	sst s0  }
0x9: {  	[smem:$0x3F99] =	sst s1  }
0xa: {  	[smem:$0x3F9A] =	sst s2  }
0xb: {  	[smem:$0x3F9B] =	sst s3  }
0xc: {  	[smem:$0x3F9C] =	sst s4  }
0xd: {  	[smem:$0x3F9D] =	sst s5  }
0xe: {  	[smem:$0x3F9E] =	sst s6  }
0xf: {  	[smem:$0x3F9F] =	sst s7  }
0x10: {  	[smem:$0x3FA0] =	sst s8  }
0x11: {  	[smem:$0x3FA1] =	sst s9;
	s0 =	simm.s32 @!p0 $0x0  }
0x12: {  	s1 =	sld [smem:$0x3F87];
	s0 =	simm.s32 @p0 $0x1  }
0x13: {  	[smem:$0x3FA2] =	sst s0;
	s0 =	simm.s32 @!p1 $0x0  }
0x14: {  	s2 =	sld [smem:$0x3F86];
	s0 =	simm.s32 @p1 $0x1  }
0x15: {  	[smem:$0x3FA3] =	sst s0;
	s0 =	simm.s32 @!p2 $0x0  }
0x16: {  	s3 =	sld [smem:$0x3FDB];
	s0 =	simm.s32 @p2 $0x1  }
0x17: {  	s4 =	simm.s32 $0x1BF5;
	[smem:$0x3FA5] =	sst s0  }
0x18: {  	s0 =	sld [smem:$0x3F88];
	_ =	swait.ge [sflag:s4], $0x0  }
0x19: {  	s7 =	sld [smem:$0x3F89]  }
0x1a: {  	s8 =	sadd.s32 $0xFFFFE003, lr  }
0x1b: {  	s9 =	sadd.s32 $0xFFFFFEF7, lr;
	s5 =	simm.s32 $0xFFFFFFFF;
	p2 =	slt.u32 s8, $0xFFFFF086  }
0x1c: {  	p1 =	slt.u32 s9, $0xF7A;
	s5 =	simm.s32 @!p2 $0x0  }
0x1d: {  	s5 =	simm.s32 @p1 $0x1;
	p0 =	seq.s32 s7, s2  }
0x1e: {  	s7 =	smul.u32 @!p0 $0xF7A, s2;
	p2 =	seq.s32 @!p0 s5, $0x0  }
0x1f: {  	s9 =	smul.u32 $0xF7A, s1;
	s8 =	simm.s32 @!p0 $0x1BF5;
	p2 =	por !p2, p0  }
0x20: {  	[sflag:s8] =	ssyncset.s32 @!p0 $0xFFFFF086;
	s6 =	sadd.s32 @!p0 s3, s7;
	s7 =	simm.s32 @!p0 $0x108  }
0x21: {  	s3 =	sadd.s32 s3, s9;
	s6 =	sadd.s32 @!p0 $0x88, s6;
	s7 =	simm.s32 @p2 $0x1082  }
0x22: {  	[simem:s7], [sflag:s8] =	dma.local @!p0 [hbm:s6], $0xF7A  }
0x23: {  	s9 =	sor.u32 $0xD0000000, s2;
	s6 =	simm.s32 $0x108;
	_ =	swait.ge @!p0 [sflag:s8], $0x0  }
0x24: {  	s3 =	sadd.s32 $0x88, s3;
	s6 =	simm.s32 @!p1 $0x1082;
	[sflag:s4] =	ssyncset.s32 $0xFFFFF086  }
0x25: {  	[simem:s6], [sflag:s4] =	dma.local [hbm:s3], $0xF7A  }
0x26: {  	[smem:$0x3F89] =	sst s1;
	(tag) =	ssettag s2;
	_ =	strace s9  }
0x27: {  	s1 =	sld [smem:$0x3F99]  }
0x28: {  	s2 =	sld [smem:$0x3F9A]  }
0x29: {  	s4 =	sld [smem:$0x3F9C]  }
0x2a: {  	p0 =	seq.s32 s5, $0x0;
	s5 =	sld [smem:$0x3F9D]  }
0x2b: {  	s6 =	sld [smem:$0x3F9E]  }
0x2c: {  	s7 =	sld [smem:$0x3F9F]  }
0x2d: {  	s3 =	simm.s32 $0x108;
	s8 =	sld [smem:$0x3FA0]  }
0x2e: {  	s3 =	simm.s32 @!p0 $0x1082;
	s9 =	sld [smem:$0x3FA1]  }
0x2f: {  	lr =	sadd.s32 s0, s3;
	s0 =	sld [smem:$0x3F98]  }
0x30: {  	s3 =	sld [smem:$0x3F9B]  }
0x31: {  	[smem:$0x3FA4] =	sst s10  }
0x32: {  	s10 =	sld [smem:$0x3FA2];
	_ =	sdelay $0x3  }
0x33: {  	p0 =	seq.s32 s10, $0x1;
	s10 =	sld [smem:$0x3FA4];
	_ =	sdelay $0x3  }
0x34: {  	[smem:$0x3FA4] =	sst s10  }
0x35: {  	s10 =	sld [smem:$0x3FA3];
	_ =	sdelay $0x3  }
0x36: {  	p1 =	seq.s32 s10, $0x1;
	s10 =	sld [smem:$0x3FA4];
	_ =	sdelay $0x3  }
0x37: {  	[smem:$0x3FA4] =	sst s10  }
0x38: {  	s10 =	sld [smem:$0x3FA5]  }
0x39: {  	_ = 	snop;
	(pc) =	sbr.ind lr, $3  }
0x3a: {  	_ = 	snop  }
0x3b: {  	_ = 	snop  }
0x3c: {  	p2 =	seq.s32 s10, $0x1;
	s10 =	sld [smem:$0x3FA4]  }
0x3d: {  	_ =	shalt  }
0x3e: {  	_ =	shalt  }
0x3f: {  	_ =	shalt  }
0x40: {  	_ =	shalt  }
0x41: {  	_ =	shalt  }
0x42: {  	_ =	shalt  }
0x43: {  	_ =	shalt  }
0x44: {  	_ =	shalt  }
0x45: {  	_ =	shalt  }
0x46: {  	_ =	shalt  }
0x47: {  	_ =	shalt  }
0x48: {  	_ =	shalt  }
0x49: {  	_ =	shalt  }
0x4a: {  	_ =	shalt  }
0x4b: {  	_ =	shalt  }
0x4c: {  	_ =	shalt  }
0x4d: {  	_ =	shalt  }
0x4e: {  	_ =	shalt  }
0x4f: {  	_ =	shalt  }
0x50: {  	_ =	shalt  }
0x51: {  	_ =	shalt  }
0x52: {  	_ =	shalt  }
0x53: {  	_ =	shalt  }
0x54: {  	_ =	shalt  }
0x55: {  	_ =	shalt  }
0x56: {  	_ =	shalt  }
0x57: {  	_ =	shalt  }
0x58: {  	_ =	shalt  }
0x59: {  	_ =	shalt  }
0x5a: {  	_ =	shalt  }
0x5b: {  	_ =	shalt  }
0x5c: {  	_ =	shalt  }
0x5d: {  	_ =	shalt  }
0x5e: {  	_ =	shalt  }
0x5f: {  	_ =	shalt  }
0x60: {  	_ =	shalt  }
0x61: {  	_ =	shalt  }
0x62: {  	_ =	shalt  }
0x63: {  	_ =	shalt  }
0x64: {  	_ =	shalt  }
0x65: {  	_ =	shalt  }
0x66: {  	_ =	shalt  }
0x67: {  	_ =	shalt  }
0x68: {  	_ =	shalt  }
0x69: {  	_ =	shalt  }
0x6a: {  	_ =	shalt  }
0x6b: {  	_ =	shalt  }
0x6c: {  	_ =	shalt  }
0x6d: {  	_ =	shalt  }
0x6e: {  	_ =	shalt  }
0x6f: {  	_ =	shalt  }
0x70: {  	_ =	shalt  }
0x71: {  	_ =	shalt  }
0x72: {  	_ =	shalt  }
0x73: {  	_ =	shalt  }
0x74: {  	_ =	shalt  }
0x75: {  	_ =	shalt  }
0x76: {  	_ =	shalt  }
0x77: {  	_ =	shalt  }
0x78: {  	_ =	shalt  }
0x79: {  	_ =	shalt  }
0x7a: {  	_ =	shalt  }
0x7b: {  	_ =	shalt  }
0x7c: {  	_ =	shalt  }
0x7d: {  	_ =	shalt  }
0x7e: {  	_ =	shalt  }
0x7f: {  	_ =	shalt  }
0x80: {  	_ =	shalt  }
0x81: {  	_ =	shalt  }
0x82: {  	_ =	shalt  }
0x83: {  	_ =	shalt  }
0x84: {  	_ =	shalt  }
0x85: {  	_ =	shalt  }
0x86: {  	_ =	shalt  }
0x87: {  	_ =	shalt  }
.Lfunc_end0:
.L_simem_size_0:
called_computation_lowered:
.L_overlay_start_0:
0x88: {  	s2 =	sld [smem:$0x3FD9]  }
0x89: {  	s3 =	sld [smem:$0x3FFE];
	_ =	sdelay $0x1  }
0x8a: {  	s1 =	srdreg.scid  }
0x8b: {  	s0 =	sand.u32 $0x1, s1  }
0x8c: {  	s16 =	sshll.u32 s0, $0xA;
	s2 =	sadd.s32 s3, s2  }
0x8d: {  	s2 =	sadd.s32 s2, s16  }
0x8e: {  	[smem:$0x3FB0] =	sst s2  }
0x8f: {  	_ = 	snop  }
0x90: {  	(tm) =	ssettm $0x1  }
0x91: {  	s17 =	sld [smem:$0x3FFB];
	_ =	sdelay $0x3  }
0x92: {  	_ =	strace s17  }
0x93: {  	s2 =	sld [smem:$0x3FFC];
	_ =	sdelay $0x3  }
0x94: {  	_ =	strace s2  }
0x95: {  	s2 =	sld [smem:$0x3FFD];
	_ =	sdelay $0x3  }
0x96: {  	_ =	strace s2  }
0x97: {  	_ =	strace $0x8FFFFFFF  }
0x98: {  	s18 =	sld [smem:$0x3FDB];
	_ =	sdelay $0x1  }
0x99: {  	s19 =	simm.s32 $_scs_section_size  }
0x9a: {  	s4 =	simm.s32 $_size__tile_overlayer_lowered;
	s5 =	simm.s32 $_tile_overlayer_lowered  }
0x9b: {  	s22 =	simm.s32 $0x1BFF;
	s21 =	sshll.u32 s5, $0x1;
	s2 =	sadd.s32 s19, s18  }
0x9c: {  	s6 =	simm.s32 $0x0;
	s20 =	sshll.u32 s4, $0x1;
	s4 =	sadd.s32 s21, s2  }
0x9d: {  	[timem:s6], [sflag:s22] =	dma.local [hbm:s4], s20  }
0x9e: {  	_ =	swait.ge [sflag:s22], s20  }
0x9f: {  	s3 =	ssub.s32 $0x0, s20;
	[sflag:s22] =	ssyncset.done $0x0  }
0xa0: {  	[sflag:s22] =	ssyncadd.s32 s3;
	_ =	sdelay $0x1  }
0xa1: {  	s23 =	simm.s32 $0x1B8B  }
0xa2: {  	_ =	swait.ge [sflag:s23], $0x1  }
0xa3: {  	[sflag:s23] =	ssyncset.done $0x0  }
0xa4: {  	s25 =	simm.s32 $0x1B8E;
	s24 =	sld [smem:$0x3FFE];
	[sflag:s23] =	ssyncadd.s32 $0xFFFFFFFF  }
0xa5: {  	s26 =	simm.s32 $execute0_lowered;
	[smem:$0x3FD2] =	sst s25  }
0xa6: {  	s4 =	sshll.u32 s26, $0x1;
	_ =	strace $0x80000046;
	[dreg:$0x1] =	wrdreg $0xFFFFFFFF  }
0xa7: {  	s28 =	simm.s32 $_size_execute0_lowered;
	s2 =	sadd.s32 s2, s4;
	[dreg:$0x0] =	wrdreg $0x0  }
0xa8: {  	s4 =	sshll.u32 s28, $0x1;
	[dreg:$0x2] =	wrdreg s2  }
0xa9: {  	[dreg:$0x3] =	wrdreg s4  }
0xaa: {  	[dreg:$0x4] =	wrdreg $0xC0  }
0xab: {  	_ =	task [dreg:s6], $0x5FFFF  }
0xac: {  	[dreg:$0x1] =	wrdreg $0xFFFFFFFF  }
0xad: {  	[dreg:$0x0] =	wrdreg $0x60  }
0xae: {  	[dreg:$0x2] =	wrdreg s24  }
0xaf: {  	[dreg:$0x3] =	wrdreg s1  }
0xb0: {  	[dreg:$0x4] =	wrdreg $0x9  }
0xb1: {  	_ =	task.clear_ibuf [dreg:s6], $0x5FFFF;
	_ =	strace $0x90000046  }
0xb2: {  	s29 =	simm.s32 $0x9;
	_ =	strace $0x80000048  }
0xb3: {  	_ =	swait.ge [sflag:s29], $0x1  }
0xb4: {  	[sflag:s29] =	ssyncadd.s32 $0xFFFFFFFF  }
0xb5: {  	_ =	strace $0x90000048  }
0xb6: {  	_ =	sfence  }
0xb7: {  	s30 =	sld [smem:$0x0];
	_ =	sdelay $0x2  }
0xb8: {  	s31 =	sshll.u32 s1, $0xD;
	s1 =	sshrl.u32 s1, $0x2  }
0xb9: {  	s3 =	sand.u32 $0x4000, s31;
	s1 =	sadd.s32 s1, s30  }
0xba: {  	s0 =	sor.u32 s3, s0;
	s1 =	sshll.u32 s1, $0x11  }
0xbb: {  	s0 =	sor.u32 s1, s0  }
0xbc: {  	s0 =	sadd.s32 $0x8F2B, s0  }
0xbd: {  	[sflag:s0] =	ssyncadd.remote.s32 $0x1  }
0xbe: {  	_ =	sfence.sel $0xFFFF  }
0xbf: {  	[dreg:$0x0] =	wrdreg $0xFFFFFFFF;
	(pc) =	sbr.abs _section_cstart, $3  }
0xc0: {  	[dreg:$0x1] =	wrdreg $0xFFFFFFFF  }
0xc1: {  	_ =	task.clear_ibuf [dreg:s6], $0x2FFFF;
	_ =	strace $0x9FFFFFFF  }
0xc2: {  	(tm) =	ssettm $0x7FFFFFFF  }
0xc3: {  	_ =	shalt  }
tec
execute0_lowered:
.L_overlay_start_1:
0x0: {  	(tag) =	ssettag $0x1  }
0x1: {  	s1 =	stileid.u32  }
0x2: {  	s2 =	rddreg [dreg:$0x1];
	s3 =	smul.u32 $0x6, s1  }
0x3: {  	s7 =	simm.s32 $0x70;
	s2 =	sand.u32 $0x1, s2;
	s29 =	smin.u32 s1, $0x2  }
0x4: {  	p1 =	slt.u32 s1, $0x2;
	p0 =	seq.s32 s2, $0x1;
	s2 =	sadd.s32 s29, s3  }
0x5: {  	s7 =	simm.s32 @!p1 $0x60;
	s5 =	sshll.u32 s2, $0x4  }
0x6: {  	s7 =	sadd.s32 s7, s5  }
0x7: {  	s8 =	smin.u32 s7, $0x620  }
0x8: {  	s4 =	simm.s32 $0x620;
	s9 =	ssub.s32 s8, s5  }
0x9: {  	s4 =	simm.s32 @!p0 $0x0;
	p0 =	sgt.s32 s9, $0x0  }
0xa: {  	s6 =	rddreg [dreg:$0x0];
	s30 =	sshrl.u32 s4, $0x3;
	s9 =	simm.s32 @!p0 $0x0  }
0xb: {  	s0 =	rddreg [dreg:$0x2];
	s10 =	sadd.s32 s30, s6;
	s9 =	sshrl.u32 s9, $0x4  }
0xc: {  	_ =	strace $0x80000047;
	s7 =	sadd.s32 $0x66600, s10;
	s10 =	sadd.s32 $0x1, s9  }
0xd: {  	s12 =	simm.s32 $0x0;
	s11 =	simm.s32 $0x1;
	p3 =	sne.s32 s10, $0x1  }
.Ltmp0:
0xe: {  	p2 =	por $0x0, $0x0;
	s3 =	sadd.s32 $0x67C00, s6;
	(pc) =	sbr.rel @!p3 .LBB2_1-.Ltmp0, $4  }
0xf: {  	s2 =	simm.s32 $0x1;
	s31 =	sshll.u32 s4, $0x7;
	s4 =	simm.s32 $0x2  }
0x10: {  	[sflag:s2] =	ssyncpa.u1 $0x0;
	(ifvalue) =	ssetifvalue $0xC40000;
	s6 =	sadd.s32 s31, s6  }
0x11: {  	[sflag:s4] =	ssyncpa.u1 $0x0;
	s6 =	sadd.s32 $0x4600, s6;
	p1 =	sle.u32 s9, $0x0  }
0x12: {  	p0 =	por $0x1, $0x1;
	s16 =	sxor.u32 @!p1 $0xFFFFFFFF, s12;
	s13 =	simm.s32 @!p1 $0x0  }
0x13: {  	s14 =	sand.u32 @!p1 $0x1, s16  }
0x14: {  	s15 =	sshrl.u32 @!p1 s5, $0x3;
	s17 =	sshll.u32 @!p1 s5, $0x7;
	s18 =	sand.u32 @!p1 $0x7, s5  }
0x15: {  	s16 =	sshll.u32 @!p1 s14, $0x4;
	s14 =	sshll.u32 @!p1 s14, $0xD;
	s15 =	sadd.s32 @!p1 s15, s7  }
0x16: {  	[tilespmem:s16], [sflag:$0x2] =	stream.linear.gather @!p1 [hbm4b:s15+s18], $0x10, $0x38;
	[tilespmem:$0x4030] =	vst v63  }
0x17: {  	s15 =	sadd.s32 @!p1 s17, s6;
	s14 =	sor.u32 @!p1 $0x20, s14;
	s16 =	simm.s32 @!p0 $0x2  }
0x18: {  	[tilespmem:s14], [sflag:$0x2] =	stream.linear.gather @!p1 [hbm4b:s15+s13], $0x2000, $0x38;
	[tilespmem:$0x4030] =	vst v63  }
0x19: {  	_ =	swait.ge @!p0 [sflag:s16], $0x2010  }
0x1a: {  	p3 =	por p0, p0;
	s13 =	sand.u32 @!p0 $0x1, s12;
	[sflag:s16] =	ssyncset.done @!p0 $0x0  }
0x1b: {  	s12 =	sshll.u32 @!p3 s13, $0x4;
	[sflag:s16] =	ssyncadd.s32 @!p3 $0xFFFFDFF0  }
0x1c: {  	v0 =	vld.msk @!p3 [tilespmem:s12+$0x0 ss:$0x1], $0xffff;
	_ =	sdelay $0x3  }
0x1d: {  	p4 =	sne.s32 s10, $0x2  }
0x1e: {  	p2 =	por $0x1, $0x1;
	s17 =	simm.s32 @!p3 $0x4020;
	s14 =	simm.s32 @!p3 $0x1;
	v0 =	vshll.u32 @!p3 v0, $0xA  }
.Ltmp1:
0x1f: {  	s15 =	sadd.s32 $0x10, s5;
	s13 =	sshll.u32 @!p0 s13, $0xD;
	v0 =	vmin.u32 @!p3 v0, $0xC40000;
	(pc) =	sbr.rel @!p4 .LBB2_3-.Ltmp1, $4  }
0x20: {  	p1 =	sle.u32 s9, $0x1;
	p5 =	slt.s32 s15, s8;
	s13 =	sor.u32 @!p0 $0x20, s13;
	v0 =	vshrl.u32 @!p3 v0, $0x9  }
0x21: {  	p0 =	por $0x0, $0x0;
	s16 =	simm.s32 @!p3 $0x10;
	[tilespmem:$0x4020] =	vst @!p3 v0;
	(ifvalue) =	ssetifvalue @!p3 $0xC40000  }
0x22: {  	[hbm:s3] =	stream.indirect.scatter @!p3 [tilespmem:s13], [sflag:$0x1], $0x200, s17, s16, $0x40b8;
	[tilespmem:$0x4030] =	vst v63  }
0x23: {  	s12 =	simm.s32 $0x2;
	s16 =	sxor.u32 @!p1 $0xFFFFFFFF, s11;
	s13 =	simm.s32 @!p1 $0x0  }
.LBB2_4:
0x24: {  	s16 =	sand.u32 @!p1 $0x1, s16;
	s17 =	smov.u32 s5  }
0x25: {  	_ =	swait.ge @!p3 [sflag:s14], $0x2000;
	s17 =	smov.u32 @p5 s15;
	s15 =	smov.u32 s12  }
0x26: {  	s19 =	sshll.u32 @!p1 s16, $0x4;
	s18 =	sshrl.u32 @!p1 s17, $0x3;
	[sflag:s14] =	ssyncset.done @!p3 $0x0  }
0x27: {  	s16 =	sshll.u32 @!p1 s16, $0xD;
	s20 =	sshll.u32 @!p1 s17, $0x7;
	[sflag:s14] =	ssyncadd.s32 @!p3 $0xFFFFE000  }
0x28: {  	s21 =	sand.u32 @!p1 $0x7, s17;
	s18 =	sadd.s32 @!p1 s18, s7;
	[sflag:s14] =	ssyncpa.u1 @!p3 $0x1  }
0x29: {  	s16 =	sor.u32 @!p1 $0x20, s16;
	s14 =	sadd.s32 @!p1 s20, s6;
	s20 =	sand.u32 @!p0 $0x1, s11  }
0x2a: {  	[tilespmem:s19], [sflag:$0x2] =	stream.linear.gather @!p1 [hbm4b:s18+s21], $0x10, $0x38;
	[tilespmem:$0x4030] =	vst v63  }
0x2b: {  	s12 =	sadd.s32 $0x1, s12;
	s11 =	sshll.u32 @!p0 s20, $0xD;
	s18 =	simm.s32 @!p0 $0x2  }
0x2c: {  	[tilespmem:s16], [sflag:$0x2] =	stream.linear.gather @!p1 [hbm4b:s14+s13], $0x2000, $0x38;
	[tilespmem:$0x4030] =	vst v63  }
0x2d: {  	p4 =	sne.s32 s10, s12;
	s19 =	sor.u32 @!p0 $0x20, s11;
	_ =	swait.ge @!p0 [sflag:s18], $0x2010  }
0x2e: {  	p3 =	por p0, p0;
	s11 =	smov.u32 s15;
	[sflag:s18] =	ssyncset.done @!p0 $0x0  }
0x2f: {  	s13 =	sshll.u32 @!p3 s20, $0x4;
	[sflag:s18] =	ssyncadd.s32 @!p3 $0xFFFFDFF0  }
0x30: {  	v0 =	vld.msk @!p3 [tilespmem:s13+$0x0 ss:$0x1], $0xffff;
	_ =	sdelay $0x5  }
0x31: {  	v0 =	vshll.u32 @!p3 v0, $0xA  }
.Ltmp2:
0x32: {  	s20 =	simm.s32 @!p3 $0x4020;
	s18 =	simm.s32 @!p3 $0x10;
	v0 =	vmin.u32 @!p3 v0, $0xC40000;
	(pc) =	sbr.rel @p4 .LBB2_4-.Ltmp2, $4  }
0x33: {  	s15 =	sadd.s32 $0x10, s17;
	s14 =	simm.s32 @!p3 $0x1;
	v0 =	vshrl.u32 @!p3 v0, $0x9  }
0x34: {  	p5 =	slt.s32 s15, s8;
	p1 =	sge.u32 s11, s9;
	p0 =	seq.s32 s11, $0x0;
	[tilespmem:$0x4020] =	vst @!p3 v0  }
0x35: {  	s16 =	sxor.u32 @!p1 $0xFFFFFFFF, s11;
	s13 =	simm.s32 @!p1 $0x0;
	(ifvalue) =	ssetifvalue @!p3 $0xC40000  }
0x36: {  	[hbm:s3] =	stream.indirect.scatter @!p3 [tilespmem:s19], [sflag:$0x1], $0x200, s20, s18, $0x40b8;
	[tilespmem:$0x4030] =	vst v63  }
0x37: {  	s12 =	smov.u32 s11  }
.LBB2_6:
0x38: {  	p4 =	por !p5, !p2;
	p3 =	por p3, !p2;
	s8 =	sand.u32 @!p1 $0x1, s16  }
0x39: {  	s15 =	smov.u32 @p4 s5;
	_ =	swait.ge @!p3 [sflag:s14], $0x2000;
	s10 =	sshll.u32 @!p1 s8, $0x4  }
0x3a: {  	s8 =	sshll.u32 @!p1 s8, $0xD;
	s5 =	smov.u32 @p2 s15;
	[sflag:s14] =	ssyncset.done @!p3 $0x0  }
0x3b: {  	s9 =	sshrl.u32 @!p1 s5, $0x3;
	s11 =	sshll.u32 @!p1 s5, $0x7;
	[sflag:s14] =	ssyncadd.s32 @!p3 $0xFFFFE000  }
0x3c: {  	s5 =	sand.u32 @!p1 $0x7, s5;
	s7 =	sadd.s32 @!p1 s9, s7;
	[sflag:s14] =	ssyncpa.u1 @!p3 $0x1  }
0x3d: {  	[tilespmem:s10], [sflag:$0x2] =	stream.linear.gather @!p1 [hbm4b:s7+s5], $0x10, $0x38;
	[tilespmem:$0x4030] =	vst v63  }
0x3e: {  	s5 =	sadd.s32 @!p1 s11, s6;
	s6 =	sor.u32 @!p1 $0x20, s8;
	s7 =	simm.s32 @!p0 $0x2  }
0x3f: {  	[tilespmem:s6], [sflag:$0x2] =	stream.linear.gather @!p1 [hbm4b:s5+s13], $0x2000, $0x38;
	[tilespmem:$0x4030] =	vst v63  }
0x40: {  	_ =	swait.ge @!p0 [sflag:s7], $0x2010  }
0x41: {  	s5 =	sand.u32 @!p0 $0x1, s12;
	p1 =	por p0, p0;
	[sflag:s7] =	ssyncset.done @!p0 $0x0  }
0x42: {  	s6 =	sshll.u32 @!p1 s5, $0x4;
	[sflag:s7] =	ssyncadd.s32 @!p1 $0xFFFFDFF0  }
0x43: {  	v0 =	vld.msk @!p1 [tilespmem:s6+$0x0 ss:$0x1], $0xffff;
	_ =	sdelay $0x4  }
0x44: {  	v0 =	vshll.u32 @!p1 v0, $0xA  }
0x45: {  	s5 =	sshll.u32 @!p0 s5, $0xD;
	v0 =	vmin.u32 @!p1 v0, $0xC40000  }
0x46: {  	s8 =	simm.s32 @!p1 $0x1;
	s5 =	sor.u32 @!p0 $0x20, s5;
	v0 =	vshrl.u32 @!p1 v0, $0x9  }
0x47: {  	s7 =	simm.s32 @!p1 $0x4020;
	s6 =	simm.s32 @!p1 $0x10;
	[tilespmem:$0x4020] =	vst @!p1 v0;
	(ifvalue) =	ssetifvalue @!p1 $0xC40000  }
0x48: {  	[hbm:s3] =	stream.indirect.scatter @!p1 [tilespmem:s5], [sflag:$0x1], $0x200, s7, s6, $0x40b8;
	[tilespmem:$0x4030] =	vst v63  }
0x49: {  	_ =	swait.ge @!p1 [sflag:s8], $0x2000  }
0x4a: {  	[sflag:s8] =	ssyncset.done @!p1 $0x0  }
0x4b: {  	[sflag:s8] =	ssyncadd.s32 @!p1 $0xFFFFE000  }
0x4c: {  	[sflag:s8] =	ssyncpa.u1 @!p1 $0x1  }
0x4d: {  	_ =	sfence.sel $0x180000  }
0x4e: {  	[bflag:$0x0] =	sbarrier.arrive $0xFFFF  }
0x4f: {  	[sflag:s4] =	ssyncpa.u1 $0x1  }
0x50: {  	[sflag:s2] =	ssyncpa.u1 $0x1  }
0x51: {  	p0 =	sne.s32 s1, $0x0;
	_ =	strace $0x90000047  }
0x52: {  	s0 =	sadd.s32 @!p0 $0x100000, s0;
	[bflag:$0x2] =	sbarrier.arrive $0xFFFF  }
0x53: {  	[sflag:s0] =	ssyncadd.tile.s32 @!p0 $0x1;
	_ =	shalt  }
.LBB2_1:
.Ltmp3:
0x54: {  	(pc) =	sbr.rel .LBB2_6-.Ltmp3, $2  }
0x55: {  	_ =	sdelay $0x2  }
0x56: {  	_ = 	snop  }
.LBB2_3:
.Ltmp4:
0x57: {  	(pc) =	sbr.rel .LBB2_6-.Ltmp4, $2  }
0x58: {  	_ =	sdelay $0x2  }
0x59: {  	s12 =	simm.s32 $0x1  }
.Lfunc_end2:
_tile_overlayer_lowered:
.L_overlay_start_2:
0x5a: {  	(tag) =	ssettag $0x2  }
0x5b: {  	s0 =	rddreg [dreg:$0x0];
	s2 =	stileid.u32  }
0x5c: {  	s1 =	rddreg [dreg:$0x1];
	p0 =	sne.s32 s2, $0x0  }
0x5d: {  	s3 =	rddreg [dreg:$0x2];
	[bflag:$0x3] =	sbarrier.arrive $0xFFFF;
	s2 =	simm.s32 @!p0 $0x1C01  }
0x5e: {  	[timem:s3], [sflag:s2] =	dma.local @!p0 [hbm:s0], s1  }
0x5f: {  	s0 =	simm.s32 @!p0 $0x1  }
0x60: {  	_ =	swait.ge @!p0 [sflag:s0], s1  }
0x61: {  	s1 =	ssub.s32 @!p0 $0x0, s1;
	[sflag:s0] =	ssyncset.done @!p0 $0x0  }
0x62: {  	[sflag:s0] =	ssyncadd.s32 @!p0 s1  }
0x63: {  	[bflag:$0x3] =	sbarrier.arrive $0xFFFF  }
0x64: {  	_ =	shalt  }

</sc_bundles>
